<compile_context>
chip_gen: v7x
topology: tpu7x:2x2x1
jax: 0.10.2.dev20260603
libtpu: 0.0.44.dev20260713+nightly
codegen_flags: <defaults>
</compile_context>

<pallas_src>
import functools

import jax
import jax.numpy as jnp
from jax import lax
from jax.experimental import pallas as pl
from jax.experimental.pallas import tpu as pltpu
from jax.experimental.pallas import tpu_sc as plsc

N = 10000
E = 320000
B = 64
D_IN = 128
D_H = 64

NC = 2
NS = 16
NW = NC * NS
EWP = 10240
CK = 128
CHP = EWP // CK
K = 4
P = CHP // (2 * K)
NP = 10240
RPT = NP // NS
DW = 8

_mesh = plsc.VectorSubcoreMesh(core_axis_name="c", subcore_axis_name="s")
_sc_params = pltpu.CompilerParams(use_tc_tiling_on_sc=False)


@functools.partial(
    pl.kernel,
    mesh=_mesh,
    out_type=jax.ShapeDtypeStruct((NC, NP, DW), jnp.float32),
    scratch_types=[
        pltpu.VMEM((CHP, CK), jnp.int32),
        pltpu.VMEM((CK, DW), jnp.float32),
        pltpu.SemaphoreType.DMA,
        pltpu.VMEM_SHARED((NP, DW), jnp.float32),
    ],
    compiler_params=_sc_params,
)
def _sc_degree(dst_hbm, zeros_hbm, ones_hbm, out_hbm, dst_v, ones_v, sem_d,
               acc):
    cid = lax.axis_index("c")
    sid = lax.axis_index("s")
    wid = sid * NC + cid
    rows = pl.ds(sid * RPT, RPT)
    pltpu.sync_copy(zeros_hbm.at[rows], acc.at[rows])
    pltpu.sync_copy(dst_hbm.at[wid], dst_v)
    pltpu.sync_copy(ones_hbm, ones_v)
    plsc.subcore_barrier()

    def body(j, carry):
        pltpu.async_copy(ones_v, acc.at[dst_v.at[j]], sem_d, add=True)

        @pl.when(j >= 8)
        def _drain_one():
            pltpu.make_async_copy(ones_hbm, ones_v, sem_d).wait()

        return carry

    lax.fori_loop(0, CHP, body, 0)

    def drain_tail(j, carry):
        pltpu.make_async_copy(ones_hbm, ones_v, sem_d).wait()
        return carry

    lax.fori_loop(0, 8, drain_tail, 0)
    plsc.subcore_barrier()
    pltpu.sync_copy(acc.at[rows], out_hbm.at[cid, rows, :])


@functools.partial(
    pl.kernel,
    mesh=_mesh,
    out_type=jax.ShapeDtypeStruct((NC, NP, D_H), jnp.float32),
    scratch_types=[
        pltpu.VMEM((CHP, CK), jnp.int32),
        pltpu.VMEM((CHP, CK), jnp.int32),
    ]
    + [pltpu.VMEM((CK, D_H), jnp.float32) for _ in range(8)]
    + [pltpu.SemaphoreType.DMA for _ in range(4)]
    + [pltpu.VMEM_SHARED((NP, D_H), jnp.float32)],
    compiler_params=_sc_params,
)
def _sc_propagate(hp_hbm, src_hbm, dst_hbm, zeros_hbm, out_hbm,
                  src_v, dst_v,
                  ra0, ra1, ra2, ra3, rb0, rb1, rb2, rb3,
                  sem_ga, sem_sa, sem_gb, sem_sb, acc):
    ra = (ra0, ra1, ra2, ra3)
    rb = (rb0, rb1, rb2, rb3)
    cid = lax.axis_index("c")
    sid = lax.axis_index("s")
    wid = sid * NC + cid
    rows = pl.ds(sid * RPT, RPT)
    pltpu.sync_copy(src_hbm.at[wid], src_v)
    for b in range(K):
        pltpu.async_copy(hp_hbm.at[src_v.at[b]], ra[b], sem_ga)
    pltpu.sync_copy(zeros_hbm.at[rows], acc.at[rows])
    pltpu.sync_copy(dst_hbm.at[wid], dst_v)
    plsc.subcore_barrier()

    def drain(buf, sem):
        pltpu.make_async_copy(hp_hbm.at[pl.ds(0, CK)], buf, sem).wait()

    def body(p, carry):
        base = p * 2 * K
        for b in range(K):
            drain(ra[b], sem_ga)
        for b in range(K):
            pltpu.async_copy(ra[b], acc.at[dst_v.at[base + b]], sem_sa,
                             add=True)

        @pl.when(p > 0)
        def _wait_prev_b():
            for b in range(K):
                drain(rb[b], sem_sb)

        for b in range(K):
            pltpu.async_copy(hp_hbm.at[src_v.at[base + K + b]], rb[b], sem_gb)
        for b in range(K):
            drain(rb[b], sem_gb)
        for b in range(K):
            pltpu.async_copy(rb[b], acc.at[dst_v.at[base + K + b]], sem_sb,
                             add=True)

        @pl.when(p < P - 1)
        def _refill_a():
            for b in range(K):
                drain(ra[b], sem_sa)
            for b in range(K):
                pltpu.async_copy(hp_hbm.at[src_v.at[base + 2 * K + b]], ra[b],
                                 sem_ga)

        return carry

    lax.fori_loop(0, P, body, 0)
    for b in range(K):
        drain(ra[b], sem_sa)
    for b in range(K):
        drain(rb[b], sem_sb)
    plsc.subcore_barrier()
    pltpu.sync_copy(acc.at[rows], out_hbm.at[cid, rows, :])


def _tc_first_body(x_ref, w_ref, degp_ref, hp_ref, dis_ref):
    deg = degp_ref[0, :N, 0:1] + degp_ref[1, :N, 0:1] + 1.0
    dis = lax.rsqrt(deg)
    h = jnp.dot(x_ref[...], w_ref[...], preferred_element_type=jnp.float32)
    hp_ref[...] = h * dis
    dis_ref[...] = dis


def _tc_mid_body(p_ref, hp_ref, dis_ref, b_ref, w_ref, out_ref):
    agg = p_ref[0, :N, :] + p_ref[1, :N, :] + hp_ref[...]
    z = jnp.maximum(agg * dis_ref[...] + b_ref[...], 0.0)
    out_ref[...] = (
        jnp.dot(z, w_ref[...], preferred_element_type=jnp.float32) * dis_ref[...]
    )


def _tc_final_body(p_ref, hp_ref, dis_ref, b_ref, batch_ref, wp_ref, bp_ref,
                   out_ref):
    z = (p_ref[0, :N, :] + p_ref[1, :N, :] + hp_ref[...]) * dis_ref[...] + b_ref[...]
    cols = lax.broadcasted_iota(jnp.int32, (1, B), 1)
    m = (batch_ref[...] == cols).astype(jnp.float32)
    cdims = (((0,), (0,)), ((), ()))
    sums = lax.dot_general(m, z, cdims, preferred_element_type=jnp.float32)
    counts = lax.dot_general(m, jnp.ones((N, 1), jnp.float32), cdims,
                             preferred_element_type=jnp.float32)
    pooled = sums / jnp.maximum(counts, 1.0)
    out_ref[...] = (
        jnp.dot(pooled, wp_ref[...], preferred_element_type=jnp.float32)
        + bp_ref[...]
    )


_tc_first = pl.pallas_call(
    _tc_first_body,
    out_shape=[
        jax.ShapeDtypeStruct((N, D_H), jnp.float32),
        jax.ShapeDtypeStruct((N, 1), jnp.float32),
    ],
)

_tc_mid = pl.pallas_call(
    _tc_mid_body,
    out_shape=jax.ShapeDtypeStruct((N, D_H), jnp.float32),
)

_tc_final = pl.pallas_call(
    _tc_final_body,
    out_shape=jax.ShapeDtypeStruct((B, 1), jnp.float32),
)


def kernel(x, edge_index, batch, W1, b1, W2, b2, W3, b3, Wp, bp):
    pad = NW * EWP - E
    pidx = jnp.arange(pad, dtype=jnp.int32)
    src_pad = (pidx * 131) % N
    dst_pad = N + pidx % (NP - N)
    src_r = jnp.concatenate([edge_index[0], src_pad]).reshape(NW, CHP, CK)
    dst_r = jnp.concatenate([edge_index[1], dst_pad]).reshape(NW, CHP, CK)
    zeros = jnp.zeros((NP, D_H), jnp.float32)
    zeros_dw = jnp.zeros((NP, DW), jnp.float32)
    ones_dw = jnp.ones((CK, DW), jnp.float32)
    batch2 = batch.reshape(N, 1)
    b1r = b1.reshape(1, D_H)
    b2r = b2.reshape(1, D_H)
    b3r = b3.reshape(1, D_H)
    bpr = bp.reshape(1, 1)

    degp = _sc_degree(dst_r, zeros_dw, ones_dw)
    hp1, dis = _tc_first(x, W1, degp)
    p1 = _sc_propagate(hp1, src_r, dst_r, zeros)
    hp2 = _tc_mid(p1, hp1, dis, b1r, W2)
    p2 = _sc_propagate(hp2, src_r, dst_r, zeros)
    hp3 = _tc_mid(p2, hp2, dis, b2r, W3)
    p3 = _sc_propagate(hp3, src_r, dst_r, zeros)
    return _tc_final(p3, hp3, dis, b3r, batch2, Wp, bpr)

# --- scband reference (transcript-rebuilt; emitter-appended) ---
"""Pipeline reference for scband-ruby-complexity-gnn-8924942041396 (READ-ONLY COPY).

The authoritative reference and input builder live on the scoring server;
editing this copy changes nothing except your own understanding.
"""

import jax, jax.numpy as jnp
import numpy as np

N = 10000
E = 320000
B = 64
D_IN = 128
D_H = 64


def setup_inputs(seed: int = 0) -> dict:
    key = jax.random.key(seed)
    ks = jax.random.split(key, 12)
    x = jax.random.normal(ks[0], (N, D_IN), dtype=jnp.float32)
    edge_index = jax.random.randint(ks[1], (2, E), 0, N, dtype=jnp.int32)
    batch = jnp.sort(jax.random.randint(ks[2], (N,), 0, B, dtype=jnp.int32))
    W1 = jax.random.normal(ks[3], (D_IN, D_H), dtype=jnp.float32) * (1.0 / np.sqrt(D_IN))
    b1 = jnp.zeros((D_H,), dtype=jnp.float32)
    W2 = jax.random.normal(ks[4], (D_H, D_H), dtype=jnp.float32) * (1.0 / np.sqrt(D_H))
    b2 = jnp.zeros((D_H,), dtype=jnp.float32)
    W3 = jax.random.normal(ks[5], (D_H, D_H), dtype=jnp.float32) * (1.0 / np.sqrt(D_H))
    b3 = jnp.zeros((D_H,), dtype=jnp.float32)
    Wp = jax.random.normal(ks[6], (D_H, 1), dtype=jnp.float32) * (1.0 / np.sqrt(D_H))
    bp = jnp.zeros((1,), dtype=jnp.float32)
    return {"x": x, "edge_index": edge_index, "batch": batch,
            "W1": W1, "b1": b1, "W2": W2, "b2": b2, "W3": W3, "b3": b3,
            "Wp": Wp, "bp": bp}


def _gcn_conv(h_in, W, b, src, dst, num_nodes):
    # GCNConv: x' = D^{-1/2} (A + I) D^{-1/2} (x W) + b
    h = h_in @ W
    loop = jnp.arange(num_nodes, dtype=src.dtype)
    src2 = jnp.concatenate([src, loop])
    dst2 = jnp.concatenate([dst, loop])
    ones = jnp.ones(src2.shape[0], dtype=h.dtype)
    deg = jax.ops.segment_sum(ones, dst2, num_segments=num_nodes)
    deg_inv_sqrt = jnp.where(deg > 0, jax.lax.rsqrt(jnp.maximum(deg, 1e-12)), 0.0)
    norm = deg_inv_sqrt[src2] * deg_inv_sqrt[dst2]
    msg = h[src2] * norm[:, None]
    out = jax.ops.segment_sum(msg, dst2, num_segments=num_nodes)
    return out + b


def reference(x, edge_index, batch, W1, b1, W2, b2, W3, b3, Wp, bp):
    src = edge_index[0]
    dst = edge_index[1]
    # layer 1 + relu (dropout is identity in eval mode)
    h = _gcn_conv(x, W1, b1, src, dst, N)
    h = jax.nn.relu(h)
    # layer 2 + relu
    h = _gcn_conv(h, W2, b2, src, dst, N)
    h = jax.nn.relu(h)
    # layer 3 (no activation on last conv)
    h = _gcn_conv(h, W3, b3, src, dst, N)
    # global mean pool over graphs in the batch
    sums = jax.ops.segment_sum(h, batch, num_segments=B)
    counts = jax.ops.segment_sum(jnp.ones((N,), dtype=h.dtype), batch, num_segments=B)
    pooled = sums / jnp.maximum(counts, 1.0)[:, None]
    # final linear predictor -> (B, 1)
    return pooled @ Wp + bp

if __name__ == "__main__":
    import jax
    _d = setup_inputs()
    print(jax.jit(kernel)(*tuple(_d.values())))

</pallas_src>

<mosaic_0001>
#map = affine_map<(d0, d1) -> (0, 0)>
#map1 = affine_map<(d0, d1) -> (0, 0, 0)>
module attributes {stable_mosaic.version = 14 : i64} {
  func.func @_sc_propagate(%arg0: i32, %arg1: i32, %arg2: memref<10000x64xf32, #tpu.memory_space<hbm>>, %arg3: memref<32x80x128xi32, #tpu.memory_space<hbm>>, %arg4: memref<32x80x128xi32, #tpu.memory_space<hbm>>, %arg5: memref<10240x64xf32, #tpu.memory_space<hbm>>, %arg6: memref<2x10240x64xf32, #tpu.memory_space<hbm>>, %arg7: memref<80x128xi32, #tpu.memory_space<vmem>>, %arg8: memref<80x128xi32, #tpu.memory_space<vmem>>, %arg9: memref<128x64xf32, #tpu.memory_space<vmem>>, %arg10: memref<128x64xf32, #tpu.memory_space<vmem>>, %arg11: memref<128x64xf32, #tpu.memory_space<vmem>>, %arg12: memref<128x64xf32, #tpu.memory_space<vmem>>, %arg13: memref<128x64xf32, #tpu.memory_space<vmem>>, %arg14: memref<128x64xf32, #tpu.memory_space<vmem>>, %arg15: memref<128x64xf32, #tpu.memory_space<vmem>>, %arg16: memref<128x64xf32, #tpu.memory_space<vmem>>, %arg17: memref<!tpu.dma_semaphore, #tpu.memory_space<semaphore_mem>>, %arg18: memref<!tpu.dma_semaphore, #tpu.memory_space<semaphore_mem>>, %arg19: memref<!tpu.dma_semaphore, #tpu.memory_space<semaphore_mem>>, %arg20: memref<!tpu.dma_semaphore, #tpu.memory_space<semaphore_mem>>, %arg21: memref<10240x64xf32, #tpu.memory_space<vmem_shared>>) attributes {dimension_semantics = [#tpu.dimension_semantics<core_parallel>, #tpu.dimension_semantics<subcore_parallel>], iteration_bounds = array<i64: 2, 16>, scalar_prefetch = 0 : i64, scratch_operands = 15 : i64, tpu.core_type = #tpu.core_type<sc_vector_subcore>, window_params = [{transform_indices = #map}, {transform_indices = #map1}, {transform_indices = #map1}, {transform_indices = #map}, {transform_indices = #map1}]} {
    %mul3A = arith.constant 2 : i32
    %mul3A_0 = arith.muli %arg1, %mul3A : i32
    %add3A = arith.addi %mul3A_0, %arg0 : i32
    %mul3A_1 = arith.constant 640 : i32
    %mul3A_2 = arith.muli %arg1, %mul3A_1 : i32
    "tpu.region"() ({
      %run_scoped3A = tpu.sem_alloc : memref<!tpu.dma_semaphore, #tpu.memory_space<semaphore_mem>>
      %dma_start3A_83 = arith.constant 0 : i32
      %dma_start3A_84 = arith.constant 0 : i32
      %dma_start3A_85 = tpu.memref_slice %arg3[%add3A, %dma_start3A_83, %dma_start3A_84] : memref<32x80x128xi32, #tpu.memory_space<hbm>> -> memref<1x80x128xi32, #tpu.memory_space<hbm>>
      %dma_start3A_86 = tpu.memref_squeeze %dma_start3A_85 : memref<1x80x128xi32, #tpu.memory_space<hbm>> -> memref<80x128xi32, #tpu.memory_space<hbm>>
      %dma_start3A_87 = arith.constant 0 : i32
      %dma_start3A_88 = arith.constant 0 : i32
      %dma_start3A_89 = tpu.memref_slice %arg3[%add3A, %dma_start3A_87, %dma_start3A_88] : memref<32x80x128xi32, #tpu.memory_space<hbm>> -> memref<1x80x128xi32, #tpu.memory_space<hbm>>
      %dma_start3A_90 = tpu.memref_squeeze %dma_start3A_89 : memref<1x80x128xi32, #tpu.memory_space<hbm>> -> memref<80x128xi32, #tpu.memory_space<hbm>>
      tpu.enqueue_dma source(%dma_start3A_90 : memref<80x128xi32, #tpu.memory_space<hbm>>) target(%arg7 : memref<80x128xi32, #tpu.memory_space<vmem>>) target_semaphore(%run_scoped3A : memref<!tpu.dma_semaphore, #tpu.memory_space<semaphore_mem>>)
      %dma_wait3A_91 = arith.constant 0 : i32
      %dma_wait3A_92 = arith.constant 0 : i32
      %dma_wait3A_93 = tpu.memref_slice %arg3[%add3A, %dma_wait3A_91, %dma_wait3A_92] : memref<32x80x128xi32, #tpu.memory_space<hbm>> -> memref<1x80x128xi32, #tpu.memory_space<hbm>>
      %dma_wait3A_94 = tpu.memref_squeeze %dma_wait3A_93 : memref<1x80x128xi32, #tpu.memory_space<hbm>> -> memref<80x128xi32, #tpu.memory_space<hbm>>
      %dma_wait3A_95 = arith.constant 0 : i32
      %dma_wait3A_96 = arith.constant 0 : i32
      %dma_wait3A_97 = tpu.memref_slice %arg3[%add3A, %dma_wait3A_95, %dma_wait3A_96] : memref<32x80x128xi32, #tpu.memory_space<hbm>> -> memref<1x80x128xi32, #tpu.memory_space<hbm>>
      %dma_wait3A_98 = tpu.memref_squeeze %dma_wait3A_97 : memref<1x80x128xi32, #tpu.memory_space<hbm>> -> memref<80x128xi32, #tpu.memory_space<hbm>>
      tpu.wait_dma2 semaphore(%run_scoped3A : memref<!tpu.dma_semaphore, #tpu.memory_space<semaphore_mem>>) src(%dma_wait3A_98 : memref<80x128xi32, #tpu.memory_space<hbm>>) dst(%arg7 : memref<80x128xi32, #tpu.memory_space<vmem>>)
      tpu.yield
    }) : () -> ()
    %dma_start3A = arith.constant 0 : i32
    %dma_start3A_3 = arith.constant 0 : i32
    %dma_start3A_4 = tpu.memref_slice %arg7[%dma_start3A, %dma_start3A_3] : memref<80x128xi32, #tpu.memory_space<vmem>> -> memref<1x128xi32, #tpu.memory_space<vmem>>
    %dma_start3A_5 = tpu.memref_squeeze %dma_start3A_4 : memref<1x128xi32, #tpu.memory_space<vmem>> -> memref<128xi32, #tpu.memory_space<vmem>>
    %dma_start3A_6 = arith.constant 0 : i32
    %dma_start3A_7 = arith.constant 0 : i32
    %dma_start3A_8 = tpu.memref_slice %arg2[%dma_start3A_6, %dma_start3A_7] : memref<10000x64xf32, #tpu.memory_space<hbm>> -> memref<10000x64xf32, #tpu.memory_space<hbm>>
    tpu.enqueue_indirect_dma source(%dma_start3A_8 : memref<10000x64xf32, #tpu.memory_space<hbm>>) target(%arg9 : memref<128x64xf32, #tpu.memory_space<vmem>>) offsets(%dma_start3A_5 : memref<128xi32, #tpu.memory_space<vmem>>) semaphore(%arg17 : memref<!tpu.dma_semaphore, #tpu.memory_space<semaphore_mem>>)
    %dma_start3A_9 = arith.constant 1 : i32
    %dma_start3A_10 = arith.constant 0 : i32
    %dma_start3A_11 = tpu.memref_slice %arg7[%dma_start3A_9, %dma_start3A_10] : memref<80x128xi32, #tpu.memory_space<vmem>> -> memref<1x128xi32, #tpu.memory_space<vmem>>
    %dma_start3A_12 = tpu.memref_squeeze %dma_start3A_11 : memref<1x128xi32, #tpu.memory_space<vmem>> -> memref<128xi32, #tpu.memory_space<vmem>>
    %dma_start3A_13 = arith.constant 0 : i32
    %dma_start3A_14 = arith.constant 0 : i32
    %dma_start3A_15 = tpu.memref_slice %arg2[%dma_start3A_13, %dma_start3A_14] : memref<10000x64xf32, #tpu.memory_space<hbm>> -> memref<10000x64xf32, #tpu.memory_space<hbm>>
    tpu.enqueue_indirect_dma source(%dma_start3A_15 : memref<10000x64xf32, #tpu.memory_space<hbm>>) target(%arg10 : memref<128x64xf32, #tpu.memory_space<vmem>>) offsets(%dma_start3A_12 : memref<128xi32, #tpu.memory_space<vmem>>) semaphore(%arg17 : memref<!tpu.dma_semaphore, #tpu.memory_space<semaphore_mem>>)
    %dma_start3A_16 = arith.constant 2 : i32
    %dma_start3A_17 = arith.constant 0 : i32
    %dma_start3A_18 = tpu.memref_slice %arg7[%dma_start3A_16, %dma_start3A_17] : memref<80x128xi32, #tpu.memory_space<vmem>> -> memref<1x128xi32, #tpu.memory_space<vmem>>
    %dma_start3A_19 = tpu.memref_squeeze %dma_start3A_18 : memref<1x128xi32, #tpu.memory_space<vmem>> -> memref<128xi32, #tpu.memory_space<vmem>>
    %dma_start3A_20 = arith.constant 0 : i32
    %dma_start3A_21 = arith.constant 0 : i32
    %dma_start3A_22 = tpu.memref_slice %arg2[%dma_start3A_20, %dma_start3A_21] : memref<10000x64xf32, #tpu.memory_space<hbm>> -> memref<10000x64xf32, #tpu.memory_space<hbm>>
    tpu.enqueue_indirect_dma source(%dma_start3A_22 : memref<10000x64xf32, #tpu.memory_space<hbm>>) target(%arg11 : memref<128x64xf32, #tpu.memory_space<vmem>>) offsets(%dma_start3A_19 : memref<128xi32, #tpu.memory_space<vmem>>) semaphore(%arg17 : memref<!tpu.dma_semaphore, #tpu.memory_space<semaphore_mem>>)
    %dma_start3A_23 = arith.constant 3 : i32
    %dma_start3A_24 = arith.constant 0 : i32
    %dma_start3A_25 = tpu.memref_slice %arg7[%dma_start3A_23, %dma_start3A_24] : memref<80x128xi32, #tpu.memory_space<vmem>> -> memref<1x128xi32, #tpu.memory_space<vmem>>
    %dma_start3A_26 = tpu.memref_squeeze %dma_start3A_25 : memref<1x128xi32, #tpu.memory_space<vmem>> -> memref<128xi32, #tpu.memory_space<vmem>>
    %dma_start3A_27 = arith.constant 0 : i32
    %dma_start3A_28 = arith.constant 0 : i32
    %dma_start3A_29 = tpu.memref_slice %arg2[%dma_start3A_27, %dma_start3A_28] : memref<10000x64xf32, #tpu.memory_space<hbm>> -> memref<10000x64xf32, #tpu.memory_space<hbm>>
    tpu.enqueue_indirect_dma source(%dma_start3A_29 : memref<10000x64xf32, #tpu.memory_space<hbm>>) target(%arg12 : memref<128x64xf32, #tpu.memory_space<vmem>>) offsets(%dma_start3A_26 : memref<128xi32, #tpu.memory_space<vmem>>) semaphore(%arg17 : memref<!tpu.dma_semaphore, #tpu.memory_space<semaphore_mem>>)
    "tpu.region"() ({
      %run_scoped3A = tpu.sem_alloc : memref<!tpu.dma_semaphore, #tpu.memory_space<semaphore_mem>>
      %dma_start3A_83 = arith.constant 0 : i32
      %dma_start3A_84 = tpu.memref_slice %arg21[%mul3A_2, %dma_start3A_83] : memref<10240x64xf32, #tpu.memory_space<vmem_shared>> -> memref<640x64xf32, #tpu.memory_space<vmem_shared>>
      %dma_start3A_85 = arith.constant 0 : i32
      %dma_start3A_86 = tpu.memref_slice %arg5[%mul3A_2, %dma_start3A_85] : memref<10240x64xf32, #tpu.memory_space<hbm>> -> memref<640x64xf32, #tpu.memory_space<hbm>>
      tpu.enqueue_dma source(%dma_start3A_86 : memref<640x64xf32, #tpu.memory_space<hbm>>) target(%dma_start3A_84 : memref<640x64xf32, #tpu.memory_space<vmem_shared>>) target_semaphore(%run_scoped3A : memref<!tpu.dma_semaphore, #tpu.memory_space<semaphore_mem>>)
      %dma_wait3A_87 = arith.constant 0 : i32
      %dma_wait3A_88 = tpu.memref_slice %arg21[%mul3A_2, %dma_wait3A_87] : memref<10240x64xf32, #tpu.memory_space<vmem_shared>> -> memref<640x64xf32, #tpu.memory_space<vmem_shared>>
      %dma_wait3A_89 = arith.constant 0 : i32
      %dma_wait3A_90 = tpu.memref_slice %arg5[%mul3A_2, %dma_wait3A_89] : memref<10240x64xf32, #tpu.memory_space<hbm>> -> memref<640x64xf32, #tpu.memory_space<hbm>>
      tpu.wait_dma2 semaphore(%run_scoped3A : memref<!tpu.dma_semaphore, #tpu.memory_space<semaphore_mem>>) src(%dma_wait3A_90 : memref<640x64xf32, #tpu.memory_space<hbm>>) dst(%dma_wait3A_88 : memref<640x64xf32, #tpu.memory_space<vmem_shared>>)
      tpu.yield
    }) : () -> ()
    "tpu.region"() ({
      %run_scoped3A = tpu.sem_alloc : memref<!tpu.dma_semaphore, #tpu.memory_space<semaphore_mem>>
      %dma_start3A_83 = arith.constant 0 : i32
      %dma_start3A_84 = arith.constant 0 : i32
      %dma_start3A_85 = tpu.memref_slice %arg4[%add3A, %dma_start3A_83, %dma_start3A_84] : memref<32x80x128xi32, #tpu.memory_space<hbm>> -> memref<1x80x128xi32, #tpu.memory_space<hbm>>
      %dma_start3A_86 = tpu.memref_squeeze %dma_start3A_85 : memref<1x80x128xi32, #tpu.memory_space<hbm>> -> memref<80x128xi32, #tpu.memory_space<hbm>>
      %dma_start3A_87 = arith.constant 0 : i32
      %dma_start3A_88 = arith.constant 0 : i32
      %dma_start3A_89 = tpu.memref_slice %arg4[%add3A, %dma_start3A_87, %dma_start3A_88] : memref<32x80x128xi32, #tpu.memory_space<hbm>> -> memref<1x80x128xi32, #tpu.memory_space<hbm>>
      %dma_start3A_90 = tpu.memref_squeeze %dma_start3A_89 : memref<1x80x128xi32, #tpu.memory_space<hbm>> -> memref<80x128xi32, #tpu.memory_space<hbm>>
      tpu.enqueue_dma source(%dma_start3A_90 : memref<80x128xi32, #tpu.memory_space<hbm>>) target(%arg8 : memref<80x128xi32, #tpu.memory_space<vmem>>) target_semaphore(%run_scoped3A : memref<!tpu.dma_semaphore, #tpu.memory_space<semaphore_mem>>)
      %dma_wait3A_91 = arith.constant 0 : i32
      %dma_wait3A_92 = arith.constant 0 : i32
      %dma_wait3A_93 = tpu.memref_slice %arg4[%add3A, %dma_wait3A_91, %dma_wait3A_92] : memref<32x80x128xi32, #tpu.memory_space<hbm>> -> memref<1x80x128xi32, #tpu.memory_space<hbm>>
      %dma_wait3A_94 = tpu.memref_squeeze %dma_wait3A_93 : memref<1x80x128xi32, #tpu.memory_space<hbm>> -> memref<80x128xi32, #tpu.memory_space<hbm>>
      %dma_wait3A_95 = arith.constant 0 : i32
      %dma_wait3A_96 = arith.constant 0 : i32
      %dma_wait3A_97 = tpu.memref_slice %arg4[%add3A, %dma_wait3A_95, %dma_wait3A_96] : memref<32x80x128xi32, #tpu.memory_space<hbm>> -> memref<1x80x128xi32, #tpu.memory_space<hbm>>
      %dma_wait3A_98 = tpu.memref_squeeze %dma_wait3A_97 : memref<1x80x128xi32, #tpu.memory_space<hbm>> -> memref<80x128xi32, #tpu.memory_space<hbm>>
      tpu.wait_dma2 semaphore(%run_scoped3A : memref<!tpu.dma_semaphore, #tpu.memory_space<semaphore_mem>>) src(%dma_wait3A_98 : memref<80x128xi32, #tpu.memory_space<hbm>>) dst(%arg8 : memref<80x128xi32, #tpu.memory_space<vmem>>)
      tpu.yield
    }) : () -> ()
    %barrier3A = arith.constant 0 : index
    tpu.barrier barrier_id(%barrier3A)
    %scan3A = arith.constant 0 : i32
    %scan3A_30 = arith.constant 0 : i32
    %scan3A_31 = arith.constant 10 : i32
    %scan3A_32 = arith.addi %scan3A_30, %scan3A_31 : i32
    %scan3A_33 = arith.constant 1 : i32
    scf.for %scan3A_83 = %scan3A_30 to %scan3A_32 step %scan3A_33  : i32 {
      %mul3A_84 = arith.constant 2 : i32
      %mul3A_85 = arith.muli %scan3A_83, %mul3A_84 : i32
      %mul3A_86 = arith.constant 4 : i32
      %mul3A_87 = arith.muli %mul3A_85, %mul3A_86 : i32
      %dma_wait3A_88 = arith.constant 0 : i32
      %dma_wait3A_89 = arith.constant 0 : i32
      %dma_wait3A_90 = tpu.memref_slice %arg2[%dma_wait3A_88, %dma_wait3A_89] : memref<10000x64xf32, #tpu.memory_space<hbm>> -> memref<128x64xf32, #tpu.memory_space<hbm>>
      %dma_wait3A_91 = arith.constant 0 : i32
      %dma_wait3A_92 = arith.constant 0 : i32
      %dma_wait3A_93 = tpu.memref_slice %arg2[%dma_wait3A_91, %dma_wait3A_92] : memref<10000x64xf32, #tpu.memory_space<hbm>> -> memref<128x64xf32, #tpu.memory_space<hbm>>
      tpu.wait_dma2 semaphore(%arg17 : memref<!tpu.dma_semaphore, #tpu.memory_space<semaphore_mem>>) src(%dma_wait3A_93 : memref<128x64xf32, #tpu.memory_space<hbm>>) dst(%arg9 : memref<128x64xf32, #tpu.memory_space<vmem>>)
      %dma_wait3A_94 = arith.constant 0 : i32
      %dma_wait3A_95 = arith.constant 0 : i32
      %dma_wait3A_96 = tpu.memref_slice %arg2[%dma_wait3A_94, %dma_wait3A_95] : memref<10000x64xf32, #tpu.memory_space<hbm>> -> memref<128x64xf32, #tpu.memory_space<hbm>>
      %dma_wait3A_97 = arith.constant 0 : i32
      %dma_wait3A_98 = arith.constant 0 : i32
      %dma_wait3A_99 = tpu.memref_slice %arg2[%dma_wait3A_97, %dma_wait3A_98] : memref<10000x64xf32, #tpu.memory_space<hbm>> -> memref<128x64xf32, #tpu.memory_space<hbm>>
      tpu.wait_dma2 semaphore(%arg17 : memref<!tpu.dma_semaphore, #tpu.memory_space<semaphore_mem>>) src(%dma_wait3A_99 : memref<128x64xf32, #tpu.memory_space<hbm>>) dst(%arg10 : memref<128x64xf32, #tpu.memory_space<vmem>>)
      %dma_wait3A_100 = arith.constant 0 : i32
      %dma_wait3A_101 = arith.constant 0 : i32
      %dma_wait3A_102 = tpu.memref_slice %arg2[%dma_wait3A_100, %dma_wait3A_101] : memref<10000x64xf32, #tpu.memory_space<hbm>> -> memref<128x64xf32, #tpu.memory_space<hbm>>
      %dma_wait3A_103 = arith.constant 0 : i32
      %dma_wait3A_104 = arith.constant 0 : i32
      %dma_wait3A_105 = tpu.memref_slice %arg2[%dma_wait3A_103, %dma_wait3A_104] : memref<10000x64xf32, #tpu.memory_space<hbm>> -> memref<128x64xf32, #tpu.memory_space<hbm>>
      tpu.wait_dma2 semaphore(%arg17 : memref<!tpu.dma_semaphore, #tpu.memory_space<semaphore_mem>>) src(%dma_wait3A_105 : memref<128x64xf32, #tpu.memory_space<hbm>>) dst(%arg11 : memref<128x64xf32, #tpu.memory_space<vmem>>)
      %dma_wait3A_106 = arith.constant 0 : i32
      %dma_wait3A_107 = arith.constant 0 : i32
      %dma_wait3A_108 = tpu.memref_slice %arg2[%dma_wait3A_106, %dma_wait3A_107] : memref<10000x64xf32, #tpu.memory_space<hbm>> -> memref<128x64xf32, #tpu.memory_space<hbm>>
      %dma_wait3A_109 = arith.constant 0 : i32
      %dma_wait3A_110 = arith.constant 0 : i32
      %dma_wait3A_111 = tpu.memref_slice %arg2[%dma_wait3A_109, %dma_wait3A_110] : memref<10000x64xf32, #tpu.memory_space<hbm>> -> memref<128x64xf32, #tpu.memory_space<hbm>>
      tpu.wait_dma2 semaphore(%arg17 : memref<!tpu.dma_semaphore, #tpu.memory_space<semaphore_mem>>) src(%dma_wait3A_111 : memref<128x64xf32, #tpu.memory_space<hbm>>) dst(%arg12 : memref<128x64xf32, #tpu.memory_space<vmem>>)
      %add3A_112 = arith.constant 0 : i32
      %add3A_113 = arith.addi %mul3A_87, %add3A_112 : i32
      %dma_start3A_114 = arith.constant 0 : i32
      %dma_start3A_115 = tpu.memref_slice %arg8[%add3A_113, %dma_start3A_114] : memref<80x128xi32, #tpu.memory_space<vmem>> -> memref<1x128xi32, #tpu.memory_space<vmem>>
      %dma_start3A_116 = tpu.memref_squeeze %dma_start3A_115 : memref<1x128xi32, #tpu.memory_space<vmem>> -> memref<128xi32, #tpu.memory_space<vmem>>
      %dma_start3A_117 = arith.constant 0 : i32
      %dma_start3A_118 = arith.constant 0 : i32
      %dma_start3A_119 = tpu.memref_slice %arg21[%dma_start3A_117, %dma_start3A_118] : memref<10240x64xf32, #tpu.memory_space<vmem_shared>> -> memref<10240x64xf32, #tpu.memory_space<vmem_shared>>
      tpu.enqueue_indirect_dma source(%arg9 : memref<128x64xf32, #tpu.memory_space<vmem>>) target(%dma_start3A_119 : memref<10240x64xf32, #tpu.memory_space<vmem_shared>>) offsets(%dma_start3A_116 : memref<128xi32, #tpu.memory_space<vmem>>) semaphore(%arg18 : memref<!tpu.dma_semaphore, #tpu.memory_space<semaphore_mem>>) {add = true}
      %add3A_120 = arith.constant 1 : i32
      %add3A_121 = arith.addi %mul3A_87, %add3A_120 : i32
      %dma_start3A_122 = arith.constant 0 : i32
      %dma_start3A_123 = tpu.memref_slice %arg8[%add3A_121, %dma_start3A_122] : memref<80x128xi32, #tpu.memory_space<vmem>> -> memref<1x128xi32, #tpu.memory_space<vmem>>
      %dma_start3A_124 = tpu.memref_squeeze %dma_start3A_123 : memref<1x128xi32, #tpu.memory_space<vmem>> -> memref<128xi32, #tpu.memory_space<vmem>>
      %dma_start3A_125 = arith.constant 0 : i32
      %dma_start3A_126 = arith.constant 0 : i32
      %dma_start3A_127 = tpu.memref_slice %arg21[%dma_start3A_125, %dma_start3A_126] : memref<10240x64xf32, #tpu.memory_space<vmem_shared>> -> memref<10240x64xf32, #tpu.memory_space<vmem_shared>>
      tpu.enqueue_indirect_dma source(%arg10 : memref<128x64xf32, #tpu.memory_space<vmem>>) target(%dma_start3A_127 : memref<10240x64xf32, #tpu.memory_space<vmem_shared>>) offsets(%dma_start3A_124 : memref<128xi32, #tpu.memory_space<vmem>>) semaphore(%arg18 : memref<!tpu.dma_semaphore, #tpu.memory_space<semaphore_mem>>) {add = true}
      %add3A_128 = arith.constant 2 : i32
      %add3A_129 = arith.addi %mul3A_87, %add3A_128 : i32
      %dma_start3A_130 = arith.constant 0 : i32
      %dma_start3A_131 = tpu.memref_slice %arg8[%add3A_129, %dma_start3A_130] : memref<80x128xi32, #tpu.memory_space<vmem>> -> memref<1x128xi32, #tpu.memory_space<vmem>>
      %dma_start3A_132 = tpu.memref_squeeze %dma_start3A_131 : memref<1x128xi32, #tpu.memory_space<vmem>> -> memref<128xi32, #tpu.memory_space<vmem>>
      %dma_start3A_133 = arith.constant 0 : i32
      %dma_start3A_134 = arith.constant 0 : i32
      %dma_start3A_135 = tpu.memref_slice %arg21[%dma_start3A_133, %dma_start3A_134] : memref<10240x64xf32, #tpu.memory_space<vmem_shared>> -> memref<10240x64xf32, #tpu.memory_space<vmem_shared>>
      tpu.enqueue_indirect_dma source(%arg11 : memref<128x64xf32, #tpu.memory_space<vmem>>) target(%dma_start3A_135 : memref<10240x64xf32, #tpu.memory_space<vmem_shared>>) offsets(%dma_start3A_132 : memref<128xi32, #tpu.memory_space<vmem>>) semaphore(%arg18 : memref<!tpu.dma_semaphore, #tpu.memory_space<semaphore_mem>>) {add = true}
      %add3A_136 = arith.constant 3 : i32
      %add3A_137 = arith.addi %mul3A_87, %add3A_136 : i32
      %dma_start3A_138 = arith.constant 0 : i32
      %dma_start3A_139 = tpu.memref_slice %arg8[%add3A_137, %dma_start3A_138] : memref<80x128xi32, #tpu.memory_space<vmem>> -> memref<1x128xi32, #tpu.memory_space<vmem>>
      %dma_start3A_140 = tpu.memref_squeeze %dma_start3A_139 : memref<1x128xi32, #tpu.memory_space<vmem>> -> memref<128xi32, #tpu.memory_space<vmem>>
      %dma_start3A_141 = arith.constant 0 : i32
      %dma_start3A_142 = arith.constant 0 : i32
      %dma_start3A_143 = tpu.memref_slice %arg21[%dma_start3A_141, %dma_start3A_142] : memref<10240x64xf32, #tpu.memory_space<vmem_shared>> -> memref<10240x64xf32, #tpu.memory_space<vmem_shared>>
      tpu.enqueue_indirect_dma source(%arg12 : memref<128x64xf32, #tpu.memory_space<vmem>>) target(%dma_start3A_143 : memref<10240x64xf32, #tpu.memory_space<vmem_shared>>) offsets(%dma_start3A_140 : memref<128xi32, #tpu.memory_space<vmem>>) semaphore(%arg18 : memref<!tpu.dma_semaphore, #tpu.memory_space<semaphore_mem>>) {add = true}
      %gt3A = arith.constant 0 : i32
      %gt3A_144 = arith.cmpi sgt, %scan3A_83, %gt3A : i32
      %convert_element_type3A = arith.extui %gt3A_144 : i1 to i32
      %cond3A = arith.constant 0 : i32
      %cond3A_145 = arith.cmpi ne, %convert_element_type3A, %cond3A : i32
      scf.if %cond3A_145 {
        %dma_wait3A_254 = arith.constant 0 : i32
        %dma_wait3A_255 = arith.constant 0 : i32
        %dma_wait3A_256 = tpu.memref_slice %arg2[%dma_wait3A_254, %dma_wait3A_255] : memref<10000x64xf32, #tpu.memory_space<hbm>> -> memref<128x64xf32, #tpu.memory_space<hbm>>
        %dma_wait3A_257 = arith.constant 0 : i32
        %dma_wait3A_258 = arith.constant 0 : i32
        %dma_wait3A_259 = tpu.memref_slice %arg2[%dma_wait3A_257, %dma_wait3A_258] : memref<10000x64xf32, #tpu.memory_space<hbm>> -> memref<128x64xf32, #tpu.memory_space<hbm>>
        tpu.wait_dma2 semaphore(%arg20 : memref<!tpu.dma_semaphore, #tpu.memory_space<semaphore_mem>>) src(%dma_wait3A_259 : memref<128x64xf32, #tpu.memory_space<hbm>>) dst(%arg13 : memref<128x64xf32, #tpu.memory_space<vmem>>)
        %dma_wait3A_260 = arith.constant 0 : i32
        %dma_wait3A_261 = arith.constant 0 : i32
        %dma_wait3A_262 = tpu.memref_slice %arg2[%dma_wait3A_260, %dma_wait3A_261] : memref<10000x64xf32, #tpu.memory_space<hbm>> -> memref<128x64xf32, #tpu.memory_space<hbm>>
        %dma_wait3A_263 = arith.constant 0 : i32
        %dma_wait3A_264 = arith.constant 0 : i32
        %dma_wait3A_265 = tpu.memref_slice %arg2[%dma_wait3A_263, %dma_wait3A_264] : memref<10000x64xf32, #tpu.memory_space<hbm>> -> memref<128x64xf32, #tpu.memory_space<hbm>>
        tpu.wait_dma2 semaphore(%arg20 : memref<!tpu.dma_semaphore, #tpu.memory_space<semaphore_mem>>) src(%dma_wait3A_265 : memref<128x64xf32, #tpu.memory_space<hbm>>) dst(%arg14 : memref<128x64xf32, #tpu.memory_space<vmem>>)
        %dma_wait3A_266 = arith.constant 0 : i32
        %dma_wait3A_267 = arith.constant 0 : i32
        %dma_wait3A_268 = tpu.memref_slice %arg2[%dma_wait3A_266, %dma_wait3A_267] : memref<10000x64xf32, #tpu.memory_space<hbm>> -> memref<128x64xf32, #tpu.memory_space<hbm>>
        %dma_wait3A_269 = arith.constant 0 : i32
        %dma_wait3A_270 = arith.constant 0 : i32
        %dma_wait3A_271 = tpu.memref_slice %arg2[%dma_wait3A_269, %dma_wait3A_270] : memref<10000x64xf32, #tpu.memory_space<hbm>> -> memref<128x64xf32, #tpu.memory_space<hbm>>
        tpu.wait_dma2 semaphore(%arg20 : memref<!tpu.dma_semaphore, #tpu.memory_space<semaphore_mem>>) src(%dma_wait3A_271 : memref<128x64xf32, #tpu.memory_space<hbm>>) dst(%arg15 : memref<128x64xf32, #tpu.memory_space<vmem>>)
        %dma_wait3A_272 = arith.constant 0 : i32
        %dma_wait3A_273 = arith.constant 0 : i32
        %dma_wait3A_274 = tpu.memref_slice %arg2[%dma_wait3A_272, %dma_wait3A_273] : memref<10000x64xf32, #tpu.memory_space<hbm>> -> memref<128x64xf32, #tpu.memory_space<hbm>>
        %dma_wait3A_275 = arith.constant 0 : i32
        %dma_wait3A_276 = arith.constant 0 : i32
        %dma_wait3A_277 = tpu.memref_slice %arg2[%dma_wait3A_275, %dma_wait3A_276] : memref<10000x64xf32, #tpu.memory_space<hbm>> -> memref<128x64xf32, #tpu.memory_space<hbm>>
        tpu.wait_dma2 semaphore(%arg20 : memref<!tpu.dma_semaphore, #tpu.memory_space<semaphore_mem>>) src(%dma_wait3A_277 : memref<128x64xf32, #tpu.memory_space<hbm>>) dst(%arg16 : memref<128x64xf32, #tpu.memory_space<vmem>>)
      } else {
      }
      %add3A_146 = arith.constant 4 : i32
      %add3A_147 = arith.addi %mul3A_87, %add3A_146 : i32
      %add3A_148 = arith.constant 0 : i32
      %add3A_149 = arith.addi %add3A_147, %add3A_148 : i32
      %dma_start3A_150 = arith.constant 0 : i32
      %dma_start3A_151 = tpu.memref_slice %arg7[%add3A_149, %dma_start3A_150] : memref<80x128xi32, #tpu.memory_space<vmem>> -> memref<1x128xi32, #tpu.memory_space<vmem>>
      %dma_start3A_152 = tpu.memref_squeeze %dma_start3A_151 : memref<1x128xi32, #tpu.memory_space<vmem>> -> memref<128xi32, #tpu.memory_space<vmem>>
      %dma_start3A_153 = arith.constant 0 : i32
      %dma_start3A_154 = arith.constant 0 : i32
      %dma_start3A_155 = tpu.memref_slice %arg2[%dma_start3A_153, %dma_start3A_154] : memref<10000x64xf32, #tpu.memory_space<hbm>> -> memref<10000x64xf32, #tpu.memory_space<hbm>>
      tpu.enqueue_indirect_dma source(%dma_start3A_155 : memref<10000x64xf32, #tpu.memory_space<hbm>>) target(%arg13 : memref<128x64xf32, #tpu.memory_space<vmem>>) offsets(%dma_start3A_152 : memref<128xi32, #tpu.memory_space<vmem>>) semaphore(%arg19 : memref<!tpu.dma_semaphore, #tpu.memory_space<semaphore_mem>>)
      %add3A_156 = arith.constant 4 : i32
      %add3A_157 = arith.addi %mul3A_87, %add3A_156 : i32
      %add3A_158 = arith.constant 1 : i32
      %add3A_159 = arith.addi %add3A_157, %add3A_158 : i32
      %dma_start3A_160 = arith.constant 0 : i32
      %dma_start3A_161 = tpu.memref_slice %arg7[%add3A_159, %dma_start3A_160] : memref<80x128xi32, #tpu.memory_space<vmem>> -> memref<1x128xi32, #tpu.memory_space<vmem>>
      %dma_start3A_162 = tpu.memref_squeeze %dma_start3A_161 : memref<1x128xi32, #tpu.memory_space<vmem>> -> memref<128xi32, #tpu.memory_space<vmem>>
      %dma_start3A_163 = arith.constant 0 : i32
      %dma_start3A_164 = arith.constant 0 : i32
      %dma_start3A_165 = tpu.memref_slice %arg2[%dma_start3A_163, %dma_start3A_164] : memref<10000x64xf32, #tpu.memory_space<hbm>> -> memref<10000x64xf32, #tpu.memory_space<hbm>>
      tpu.enqueue_indirect_dma source(%dma_start3A_165 : memref<10000x64xf32, #tpu.memory_space<hbm>>) target(%arg14 : memref<128x64xf32, #tpu.memory_space<vmem>>) offsets(%dma_start3A_162 : memref<128xi32, #tpu.memory_space<vmem>>) semaphore(%arg19 : memref<!tpu.dma_semaphore, #tpu.memory_space<semaphore_mem>>)
      %add3A_166 = arith.constant 4 : i32
      %add3A_167 = arith.addi %mul3A_87, %add3A_166 : i32
      %add3A_168 = arith.constant 2 : i32
      %add3A_169 = arith.addi %add3A_167, %add3A_168 : i32
      %dma_start3A_170 = arith.constant 0 : i32
      %dma_start3A_171 = tpu.memref_slice %arg7[%add3A_169, %dma_start3A_170] : memref<80x128xi32, #tpu.memory_space<vmem>> -> memref<1x128xi32, #tpu.memory_space<vmem>>
      %dma_start3A_172 = tpu.memref_squeeze %dma_start3A_171 : memref<1x128xi32, #tpu.memory_space<vmem>> -> memref<128xi32, #tpu.memory_space<vmem>>
      %dma_start3A_173 = arith.constant 0 : i32
      %dma_start3A_174 = arith.constant 0 : i32
      %dma_start3A_175 = tpu.memref_slice %arg2[%dma_start3A_173, %dma_start3A_174] : memref<10000x64xf32, #tpu.memory_space<hbm>> -> memref<10000x64xf32, #tpu.memory_space<hbm>>
      tpu.enqueue_indirect_dma source(%dma_start3A_175 : memref<10000x64xf32, #tpu.memory_space<hbm>>) target(%arg15 : memref<128x64xf32, #tpu.memory_space<vmem>>) offsets(%dma_start3A_172 : memref<128xi32, #tpu.memory_space<vmem>>) semaphore(%arg19 : memref<!tpu.dma_semaphore, #tpu.memory_space<semaphore_mem>>)
      %add3A_176 = arith.constant 4 : i32
      %add3A_177 = arith.addi %mul3A_87, %add3A_176 : i32
      %add3A_178 = arith.constant 3 : i32
      %add3A_179 = arith.addi %add3A_177, %add3A_178 : i32
      %dma_start3A_180 = arith.constant 0 : i32
      %dma_start3A_181 = tpu.memref_slice %arg7[%add3A_179, %dma_start3A_180] : memref<80x128xi32, #tpu.memory_space<vmem>> -> memref<1x128xi32, #tpu.memory_space<vmem>>
      %dma_start3A_182 = tpu.memref_squeeze %dma_start3A_181 : memref<1x128xi32, #tpu.memory_space<vmem>> -> memref<128xi32, #tpu.memory_space<vmem>>
      %dma_start3A_183 = arith.constant 0 : i32
      %dma_start3A_184 = arith.constant 0 : i32
      %dma_start3A_185 = tpu.memref_slice %arg2[%dma_start3A_183, %dma_start3A_184] : memref<10000x64xf32, #tpu.memory_space<hbm>> -> memref<10000x64xf32, #tpu.memory_space<hbm>>
      tpu.enqueue_indirect_dma source(%dma_start3A_185 : memref<10000x64xf32, #tpu.memory_space<hbm>>) target(%arg16 : memref<128x64xf32, #tpu.memory_space<vmem>>) offsets(%dma_start3A_182 : memref<128xi32, #tpu.memory_space<vmem>>) semaphore(%arg19 : memref<!tpu.dma_semaphore, #tpu.memory_space<semaphore_mem>>)
      %dma_wait3A_186 = arith.constant 0 : i32
      %dma_wait3A_187 = arith.constant 0 : i32
      %dma_wait3A_188 = tpu.memref_slice %arg2[%dma_wait3A_186, %dma_wait3A_187] : memref<10000x64xf32, #tpu.memory_space<hbm>> -> memref<128x64xf32, #tpu.memory_space<hbm>>
      %dma_wait3A_189 = arith.constant 0 : i32
      %dma_wait3A_190 = arith.constant 0 : i32
      %dma_wait3A_191 = tpu.memref_slice %arg2[%dma_wait3A_189, %dma_wait3A_190] : memref<10000x64xf32, #tpu.memory_space<hbm>> -> memref<128x64xf32, #tpu.memory_space<hbm>>
      tpu.wait_dma2 semaphore(%arg19 : memref<!tpu.dma_semaphore, #tpu.memory_space<semaphore_mem>>) src(%dma_wait3A_191 : memref<128x64xf32, #tpu.memory_space<hbm>>) dst(%arg13 : memref<128x64xf32, #tpu.memory_space<vmem>>)
      %dma_wait3A_192 = arith.constant 0 : i32
      %dma_wait3A_193 = arith.constant 0 : i32
      %dma_wait3A_194 = tpu.memref_slice %arg2[%dma_wait3A_192, %dma_wait3A_193] : memref<10000x64xf32, #tpu.memory_space<hbm>> -> memref<128x64xf32, #tpu.memory_space<hbm>>
      %dma_wait3A_195 = arith.constant 0 : i32
      %dma_wait3A_196 = arith.constant 0 : i32
      %dma_wait3A_197 = tpu.memref_slice %arg2[%dma_wait3A_195, %dma_wait3A_196] : memref<10000x64xf32, #tpu.memory_space<hbm>> -> memref<128x64xf32, #tpu.memory_space<hbm>>
      tpu.wait_dma2 semaphore(%arg19 : memref<!tpu.dma_semaphore, #tpu.memory_space<semaphore_mem>>) src(%dma_wait3A_197 : memref<128x64xf32, #tpu.memory_space<hbm>>) dst(%arg14 : memref<128x64xf32, #tpu.memory_space<vmem>>)
      %dma_wait3A_198 = arith.constant 0 : i32
      %dma_wait3A_199 = arith.constant 0 : i32
      %dma_wait3A_200 = tpu.memref_slice %arg2[%dma_wait3A_198, %dma_wait3A_199] : memref<10000x64xf32, #tpu.memory_space<hbm>> -> memref<128x64xf32, #tpu.memory_space<hbm>>
      %dma_wait3A_201 = arith.constant 0 : i32
      %dma_wait3A_202 = arith.constant 0 : i32
      %dma_wait3A_203 = tpu.memref_slice %arg2[%dma_wait3A_201, %dma_wait3A_202] : memref<10000x64xf32, #tpu.memory_space<hbm>> -> memref<128x64xf32, #tpu.memory_space<hbm>>
      tpu.wait_dma2 semaphore(%arg19 : memref<!tpu.dma_semaphore, #tpu.memory_space<semaphore_mem>>) src(%dma_wait3A_203 : memref<128x64xf32, #tpu.memory_space<hbm>>) dst(%arg15 : memref<128x64xf32, #tpu.memory_space<vmem>>)
      %dma_wait3A_204 = arith.constant 0 : i32
      %dma_wait3A_205 = arith.constant 0 : i32
      %dma_wait3A_206 = tpu.memref_slice %arg2[%dma_wait3A_204, %dma_wait3A_205] : memref<10000x64xf32, #tpu.memory_space<hbm>> -> memref<128x64xf32, #tpu.memory_space<hbm>>
      %dma_wait3A_207 = arith.constant 0 : i32
      %dma_wait3A_208 = arith.constant 0 : i32
      %dma_wait3A_209 = tpu.memref_slice %arg2[%dma_wait3A_207, %dma_wait3A_208] : memref<10000x64xf32, #tpu.memory_space<hbm>> -> memref<128x64xf32, #tpu.memory_space<hbm>>
      tpu.wait_dma2 semaphore(%arg19 : memref<!tpu.dma_semaphore, #tpu.memory_space<semaphore_mem>>) src(%dma_wait3A_209 : memref<128x64xf32, #tpu.memory_space<hbm>>) dst(%arg16 : memref<128x64xf32, #tpu.memory_space<vmem>>)
      %add3A_210 = arith.constant 4 : i32
      %add3A_211 = arith.addi %mul3A_87, %add3A_210 : i32
      %add3A_212 = arith.constant 0 : i32
      %add3A_213 = arith.addi %add3A_211, %add3A_212 : i32
      %dma_start3A_214 = arith.constant 0 : i32
      %dma_start3A_215 = tpu.memref_slice %arg8[%add3A_213, %dma_start3A_214] : memref<80x128xi32, #tpu.memory_space<vmem>> -> memref<1x128xi32, #tpu.memory_space<vmem>>
      %dma_start3A_216 = tpu.memref_squeeze %dma_start3A_215 : memref<1x128xi32, #tpu.memory_space<vmem>> -> memref<128xi32, #tpu.memory_space<vmem>>
      %dma_start3A_217 = arith.constant 0 : i32
      %dma_start3A_218 = arith.constant 0 : i32
      %dma_start3A_219 = tpu.memref_slice %arg21[%dma_start3A_217, %dma_start3A_218] : memref<10240x64xf32, #tpu.memory_space<vmem_shared>> -> memref<10240x64xf32, #tpu.memory_space<vmem_shared>>
      tpu.enqueue_indirect_dma source(%arg13 : memref<128x64xf32, #tpu.memory_space<vmem>>) target(%dma_start3A_219 : memref<10240x64xf32, #tpu.memory_space<vmem_shared>>) offsets(%dma_start3A_216 : memref<128xi32, #tpu.memory_space<vmem>>) semaphore(%arg20 : memref<!tpu.dma_semaphore, #tpu.memory_space<semaphore_mem>>) {add = true}
      %add3A_220 = arith.constant 4 : i32
      %add3A_221 = arith.addi %mul3A_87, %add3A_220 : i32
      %add3A_222 = arith.constant 1 : i32
      %add3A_223 = arith.addi %add3A_221, %add3A_222 : i32
      %dma_start3A_224 = arith.constant 0 : i32
      %dma_start3A_225 = tpu.memref_slice %arg8[%add3A_223, %dma_start3A_224] : memref<80x128xi32, #tpu.memory_space<vmem>> -> memref<1x128xi32, #tpu.memory_space<vmem>>
      %dma_start3A_226 = tpu.memref_squeeze %dma_start3A_225 : memref<1x128xi32, #tpu.memory_space<vmem>> -> memref<128xi32, #tpu.memory_space<vmem>>
      %dma_start3A_227 = arith.constant 0 : i32
      %dma_start3A_228 = arith.constant 0 : i32
      %dma_start3A_229 = tpu.memref_slice %arg21[%dma_start3A_227, %dma_start3A_228] : memref<10240x64xf32, #tpu.memory_space<vmem_shared>> -> memref<10240x64xf32, #tpu.memory_space<vmem_shared>>
      tpu.enqueue_indirect_dma source(%arg14 : memref<128x64xf32, #tpu.memory_space<vmem>>) target(%dma_start3A_229 : memref<10240x64xf32, #tpu.memory_space<vmem_shared>>) offsets(%dma_start3A_226 : memref<128xi32, #tpu.memory_space<vmem>>) semaphore(%arg20 : memref<!tpu.dma_semaphore, #tpu.memory_space<semaphore_mem>>) {add = true}
      %add3A_230 = arith.constant 4 : i32
      %add3A_231 = arith.addi %mul3A_87, %add3A_230 : i32
      %add3A_232 = arith.constant 2 : i32
      %add3A_233 = arith.addi %add3A_231, %add3A_232 : i32
      %dma_start3A_234 = arith.constant 0 : i32
      %dma_start3A_235 = tpu.memref_slice %arg8[%add3A_233, %dma_start3A_234] : memref<80x128xi32, #tpu.memory_space<vmem>> -> memref<1x128xi32, #tpu.memory_space<vmem>>
      %dma_start3A_236 = tpu.memref_squeeze %dma_start3A_235 : memref<1x128xi32, #tpu.memory_space<vmem>> -> memref<128xi32, #tpu.memory_space<vmem>>
      %dma_start3A_237 = arith.constant 0 : i32
      %dma_start3A_238 = arith.constant 0 : i32
      %dma_start3A_239 = tpu.memref_slice %arg21[%dma_start3A_237, %dma_start3A_238] : memref<10240x64xf32, #tpu.memory_space<vmem_shared>> -> memref<10240x64xf32, #tpu.memory_space<vmem_shared>>
      tpu.enqueue_indirect_dma source(%arg15 : memref<128x64xf32, #tpu.memory_space<vmem>>) target(%dma_start3A_239 : memref<10240x64xf32, #tpu.memory_space<vmem_shared>>) offsets(%dma_start3A_236 : memref<128xi32, #tpu.memory_space<vmem>>) semaphore(%arg20 : memref<!tpu.dma_semaphore, #tpu.memory_space<semaphore_mem>>) {add = true}
      %add3A_240 = arith.constant 4 : i32
      %add3A_241 = arith.addi %mul3A_87, %add3A_240 : i32
      %add3A_242 = arith.constant 3 : i32
      %add3A_243 = arith.addi %add3A_241, %add3A_242 : i32
      %dma_start3A_244 = arith.constant 0 : i32
      %dma_start3A_245 = tpu.memref_slice %arg8[%add3A_243, %dma_start3A_244] : memref<80x128xi32, #tpu.memory_space<vmem>> -> memref<1x128xi32, #tpu.memory_space<vmem>>
      %dma_start3A_246 = tpu.memref_squeeze %dma_start3A_245 : memref<1x128xi32, #tpu.memory_space<vmem>> -> memref<128xi32, #tpu.memory_space<vmem>>
      %dma_start3A_247 = arith.constant 0 : i32
      %dma_start3A_248 = arith.constant 0 : i32
      %dma_start3A_249 = tpu.memref_slice %arg21[%dma_start3A_247, %dma_start3A_248] : memref<10240x64xf32, #tpu.memory_space<vmem_shared>> -> memref<10240x64xf32, #tpu.memory_space<vmem_shared>>
      tpu.enqueue_indirect_dma source(%arg16 : memref<128x64xf32, #tpu.memory_space<vmem>>) target(%dma_start3A_249 : memref<10240x64xf32, #tpu.memory_space<vmem_shared>>) offsets(%dma_start3A_246 : memref<128xi32, #tpu.memory_space<vmem>>) semaphore(%arg20 : memref<!tpu.dma_semaphore, #tpu.memory_space<semaphore_mem>>) {add = true}
      %lt3A = arith.constant 9 : i32
      %lt3A_250 = arith.cmpi slt, %scan3A_83, %lt3A : i32
      %convert_element_type3A_251 = arith.extui %lt3A_250 : i1 to i32
      %cond3A_252 = arith.constant 0 : i32
      %cond3A_253 = arith.cmpi ne, %convert_element_type3A_251, %cond3A_252 : i32
      scf.if %cond3A_253 {
        %dma_wait3A_254 = arith.constant 0 : i32
        %dma_wait3A_255 = arith.constant 0 : i32
        %dma_wait3A_256 = tpu.memref_slice %arg2[%dma_wait3A_254, %dma_wait3A_255] : memref<10000x64xf32, #tpu.memory_space<hbm>> -> memref<128x64xf32, #tpu.memory_space<hbm>>
        %dma_wait3A_257 = arith.constant 0 : i32
        %dma_wait3A_258 = arith.constant 0 : i32
        %dma_wait3A_259 = tpu.memref_slice %arg2[%dma_wait3A_257, %dma_wait3A_258] : memref<10000x64xf32, #tpu.memory_space<hbm>> -> memref<128x64xf32, #tpu.memory_space<hbm>>
        tpu.wait_dma2 semaphore(%arg18 : memref<!tpu.dma_semaphore, #tpu.memory_space<semaphore_mem>>) src(%dma_wait3A_259 : memref<128x64xf32, #tpu.memory_space<hbm>>) dst(%arg9 : memref<128x64xf32, #tpu.memory_space<vmem>>)
        %dma_wait3A_260 = arith.constant 0 : i32
        %dma_wait3A_261 = arith.constant 0 : i32
        %dma_wait3A_262 = tpu.memref_slice %arg2[%dma_wait3A_260, %dma_wait3A_261] : memref<10000x64xf32, #tpu.memory_space<hbm>> -> memref<128x64xf32, #tpu.memory_space<hbm>>
        %dma_wait3A_263 = arith.constant 0 : i32
        %dma_wait3A_264 = arith.constant 0 : i32
        %dma_wait3A_265 = tpu.memref_slice %arg2[%dma_wait3A_263, %dma_wait3A_264] : memref<10000x64xf32, #tpu.memory_space<hbm>> -> memref<128x64xf32, #tpu.memory_space<hbm>>
        tpu.wait_dma2 semaphore(%arg18 : memref<!tpu.dma_semaphore, #tpu.memory_space<semaphore_mem>>) src(%dma_wait3A_265 : memref<128x64xf32, #tpu.memory_space<hbm>>) dst(%arg10 : memref<128x64xf32, #tpu.memory_space<vmem>>)
        %dma_wait3A_266 = arith.constant 0 : i32
        %dma_wait3A_267 = arith.constant 0 : i32
        %dma_wait3A_268 = tpu.memref_slice %arg2[%dma_wait3A_266, %dma_wait3A_267] : memref<10000x64xf32, #tpu.memory_space<hbm>> -> memref<128x64xf32, #tpu.memory_space<hbm>>
        %dma_wait3A_269 = arith.constant 0 : i32
        %dma_wait3A_270 = arith.constant 0 : i32
        %dma_wait3A_271 = tpu.memref_slice %arg2[%dma_wait3A_269, %dma_wait3A_270] : memref<10000x64xf32, #tpu.memory_space<hbm>> -> memref<128x64xf32, #tpu.memory_space<hbm>>
        tpu.wait_dma2 semaphore(%arg18 : memref<!tpu.dma_semaphore, #tpu.memory_space<semaphore_mem>>) src(%dma_wait3A_271 : memref<128x64xf32, #tpu.memory_space<hbm>>) dst(%arg11 : memref<128x64xf32, #tpu.memory_space<vmem>>)
        %dma_wait3A_272 = arith.constant 0 : i32
        %dma_wait3A_273 = arith.constant 0 : i32
        %dma_wait3A_274 = tpu.memref_slice %arg2[%dma_wait3A_272, %dma_wait3A_273] : memref<10000x64xf32, #tpu.memory_space<hbm>> -> memref<128x64xf32, #tpu.memory_space<hbm>>
        %dma_wait3A_275 = arith.constant 0 : i32
        %dma_wait3A_276 = arith.constant 0 : i32
        %dma_wait3A_277 = tpu.memref_slice %arg2[%dma_wait3A_275, %dma_wait3A_276] : memref<10000x64xf32, #tpu.memory_space<hbm>> -> memref<128x64xf32, #tpu.memory_space<hbm>>
        tpu.wait_dma2 semaphore(%arg18 : memref<!tpu.dma_semaphore, #tpu.memory_space<semaphore_mem>>) src(%dma_wait3A_277 : memref<128x64xf32, #tpu.memory_space<hbm>>) dst(%arg12 : memref<128x64xf32, #tpu.memory_space<vmem>>)
        %add3A_278 = arith.constant 8 : i32
        %add3A_279 = arith.addi %mul3A_87, %add3A_278 : i32
        %add3A_280 = arith.constant 0 : i32
        %add3A_281 = arith.addi %add3A_279, %add3A_280 : i32
        %dma_start3A_282 = arith.constant 0 : i32
        %dma_start3A_283 = tpu.memref_slice %arg7[%add3A_281, %dma_start3A_282] : memref<80x128xi32, #tpu.memory_space<vmem>> -> memref<1x128xi32, #tpu.memory_space<vmem>>
        %dma_start3A_284 = tpu.memref_squeeze %dma_start3A_283 : memref<1x128xi32, #tpu.memory_space<vmem>> -> memref<128xi32, #tpu.memory_space<vmem>>
        %dma_start3A_285 = arith.constant 0 : i32
        %dma_start3A_286 = arith.constant 0 : i32
        %dma_start3A_287 = tpu.memref_slice %arg2[%dma_start3A_285, %dma_start3A_286] : memref<10000x64xf32, #tpu.memory_space<hbm>> -> memref<10000x64xf32, #tpu.memory_space<hbm>>
        tpu.enqueue_indirect_dma source(%dma_start3A_287 : memref<10000x64xf32, #tpu.memory_space<hbm>>) target(%arg9 : memref<128x64xf32, #tpu.memory_space<vmem>>) offsets(%dma_start3A_284 : memref<128xi32, #tpu.memory_space<vmem>>) semaphore(%arg17 : memref<!tpu.dma_semaphore, #tpu.memory_space<semaphore_mem>>)
        %add3A_288 = arith.constant 8 : i32
        %add3A_289 = arith.addi %mul3A_87, %add3A_288 : i32
        %add3A_290 = arith.constant 1 : i32
        %add3A_291 = arith.addi %add3A_289, %add3A_290 : i32
        %dma_start3A_292 = arith.constant 0 : i32
        %dma_start3A_293 = tpu.memref_slice %arg7[%add3A_291, %dma_start3A_292] : memref<80x128xi32, #tpu.memory_space<vmem>> -> memref<1x128xi32, #tpu.memory_space<vmem>>
        %dma_start3A_294 = tpu.memref_squeeze %dma_start3A_293 : memref<1x128xi32, #tpu.memory_space<vmem>> -> memref<128xi32, #tpu.memory_space<vmem>>
        %dma_start3A_295 = arith.constant 0 : i32
        %dma_start3A_296 = arith.constant 0 : i32
        %dma_start3A_297 = tpu.memref_slice %arg2[%dma_start3A_295, %dma_start3A_296] : memref<10000x64xf32, #tpu.memory_space<hbm>> -> memref<10000x64xf32, #tpu.memory_space<hbm>>
        tpu.enqueue_indirect_dma source(%dma_start3A_297 : memref<10000x64xf32, #tpu.memory_space<hbm>>) target(%arg10 : memref<128x64xf32, #tpu.memory_space<vmem>>) offsets(%dma_start3A_294 : memref<128xi32, #tpu.memory_space<vmem>>) semaphore(%arg17 : memref<!tpu.dma_semaphore, #tpu.memory_space<semaphore_mem>>)
        %add3A_298 = arith.constant 8 : i32
        %add3A_299 = arith.addi %mul3A_87, %add3A_298 : i32
        %add3A_300 = arith.constant 2 : i32
        %add3A_301 = arith.addi %add3A_299, %add3A_300 : i32
        %dma_start3A_302 = arith.constant 0 : i32
        %dma_start3A_303 = tpu.memref_slice %arg7[%add3A_301, %dma_start3A_302] : memref<80x128xi32, #tpu.memory_space<vmem>> -> memref<1x128xi32, #tpu.memory_space<vmem>>
        %dma_start3A_304 = tpu.memref_squeeze %dma_start3A_303 : memref<1x128xi32, #tpu.memory_space<vmem>> -> memref<128xi32, #tpu.memory_space<vmem>>
        %dma_start3A_305 = arith.constant 0 : i32
        %dma_start3A_306 = arith.constant 0 : i32
        %dma_start3A_307 = tpu.memref_slice %arg2[%dma_start3A_305, %dma_start3A_306] : memref<10000x64xf32, #tpu.memory_space<hbm>> -> memref<10000x64xf32, #tpu.memory_space<hbm>>
        tpu.enqueue_indirect_dma source(%dma_start3A_307 : memref<10000x64xf32, #tpu.memory_space<hbm>>) target(%arg11 : memref<128x64xf32, #tpu.memory_space<vmem>>) offsets(%dma_start3A_304 : memref<128xi32, #tpu.memory_space<vmem>>) semaphore(%arg17 : memref<!tpu.dma_semaphore, #tpu.memory_space<semaphore_mem>>)
        %add3A_308 = arith.constant 8 : i32
        %add3A_309 = arith.addi %mul3A_87, %add3A_308 : i32
        %add3A_310 = arith.constant 3 : i32
        %add3A_311 = arith.addi %add3A_309, %add3A_310 : i32
        %dma_start3A_312 = arith.constant 0 : i32
        %dma_start3A_313 = tpu.memref_slice %arg7[%add3A_311, %dma_start3A_312] : memref<80x128xi32, #tpu.memory_space<vmem>> -> memref<1x128xi32, #tpu.memory_space<vmem>>
        %dma_start3A_314 = tpu.memref_squeeze %dma_start3A_313 : memref<1x128xi32, #tpu.memory_space<vmem>> -> memref<128xi32, #tpu.memory_space<vmem>>
        %dma_start3A_315 = arith.constant 0 : i32
        %dma_start3A_316 = arith.constant 0 : i32
        %dma_start3A_317 = tpu.memref_slice %arg2[%dma_start3A_315, %dma_start3A_316] : memref<10000x64xf32, #tpu.memory_space<hbm>> -> memref<10000x64xf32, #tpu.memory_space<hbm>>
        tpu.enqueue_indirect_dma source(%dma_start3A_317 : memref<10000x64xf32, #tpu.memory_space<hbm>>) target(%arg12 : memref<128x64xf32, #tpu.memory_space<vmem>>) offsets(%dma_start3A_314 : memref<128xi32, #tpu.memory_space<vmem>>) semaphore(%arg17 : memref<!tpu.dma_semaphore, #tpu.memory_space<semaphore_mem>>)
      } else {
      }
    }
    %scan3A_34 = arith.constant 10 : i32
    %dma_wait3A = arith.constant 0 : i32
    %dma_wait3A_35 = arith.constant 0 : i32
    %dma_wait3A_36 = tpu.memref_slice %arg2[%dma_wait3A, %dma_wait3A_35] : memref<10000x64xf32, #tpu.memory_space<hbm>> -> memref<128x64xf32, #tpu.memory_space<hbm>>
    %dma_wait3A_37 = arith.constant 0 : i32
    %dma_wait3A_38 = arith.constant 0 : i32
    %dma_wait3A_39 = tpu.memref_slice %arg2[%dma_wait3A_37, %dma_wait3A_38] : memref<10000x64xf32, #tpu.memory_space<hbm>> -> memref<128x64xf32, #tpu.memory_space<hbm>>
    tpu.wait_dma2 semaphore(%arg18 : memref<!tpu.dma_semaphore, #tpu.memory_space<semaphore_mem>>) src(%dma_wait3A_39 : memref<128x64xf32, #tpu.memory_space<hbm>>) dst(%arg9 : memref<128x64xf32, #tpu.memory_space<vmem>>)
    %dma_wait3A_40 = arith.constant 0 : i32
    %dma_wait3A_41 = arith.constant 0 : i32
    %dma_wait3A_42 = tpu.memref_slice %arg2[%dma_wait3A_40, %dma_wait3A_41] : memref<10000x64xf32, #tpu.memory_space<hbm>> -> memref<128x64xf32, #tpu.memory_space<hbm>>
    %dma_wait3A_43 = arith.constant 0 : i32
    %dma_wait3A_44 = arith.constant 0 : i32
    %dma_wait3A_45 = tpu.memref_slice %arg2[%dma_wait3A_43, %dma_wait3A_44] : memref<10000x64xf32, #tpu.memory_space<hbm>> -> memref<128x64xf32, #tpu.memory_space<hbm>>
    tpu.wait_dma2 semaphore(%arg18 : memref<!tpu.dma_semaphore, #tpu.memory_space<semaphore_mem>>) src(%dma_wait3A_45 : memref<128x64xf32, #tpu.memory_space<hbm>>) dst(%arg10 : memref<128x64xf32, #tpu.memory_space<vmem>>)
    %dma_wait3A_46 = arith.constant 0 : i32
    %dma_wait3A_47 = arith.constant 0 : i32
    %dma_wait3A_48 = tpu.memref_slice %arg2[%dma_wait3A_46, %dma_wait3A_47] : memref<10000x64xf32, #tpu.memory_space<hbm>> -> memref<128x64xf32, #tpu.memory_space<hbm>>
    %dma_wait3A_49 = arith.constant 0 : i32
    %dma_wait3A_50 = arith.constant 0 : i32
    %dma_wait3A_51 = tpu.memref_slice %arg2[%dma_wait3A_49, %dma_wait3A_50] : memref<10000x64xf32, #tpu.memory_space<hbm>> -> memref<128x64xf32, #tpu.memory_space<hbm>>
    tpu.wait_dma2 semaphore(%arg18 : memref<!tpu.dma_semaphore, #tpu.memory_space<semaphore_mem>>) src(%dma_wait3A_51 : memref<128x64xf32, #tpu.memory_space<hbm>>) dst(%arg11 : memref<128x64xf32, #tpu.memory_space<vmem>>)
    %dma_wait3A_52 = arith.constant 0 : i32
    %dma_wait3A_53 = arith.constant 0 : i32
    %dma_wait3A_54 = tpu.memref_slice %arg2[%dma_wait3A_52, %dma_wait3A_53] : memref<10000x64xf32, #tpu.memory_space<hbm>> -> memref<128x64xf32, #tpu.memory_space<hbm>>
    %dma_wait3A_55 = arith.constant 0 : i32
    %dma_wait3A_56 = arith.constant 0 : i32
    %dma_wait3A_57 = tpu.memref_slice %arg2[%dma_wait3A_55, %dma_wait3A_56] : memref<10000x64xf32, #tpu.memory_space<hbm>> -> memref<128x64xf32, #tpu.memory_space<hbm>>
    tpu.wait_dma2 semaphore(%arg18 : memref<!tpu.dma_semaphore, #tpu.memory_space<semaphore_mem>>) src(%dma_wait3A_57 : memref<128x64xf32, #tpu.memory_space<hbm>>) dst(%arg12 : memref<128x64xf32, #tpu.memory_space<vmem>>)
    %dma_wait3A_58 = arith.constant 0 : i32
    %dma_wait3A_59 = arith.constant 0 : i32
    %dma_wait3A_60 = tpu.memref_slice %arg2[%dma_wait3A_58, %dma_wait3A_59] : memref<10000x64xf32, #tpu.memory_space<hbm>> -> memref<128x64xf32, #tpu.memory_space<hbm>>
    %dma_wait3A_61 = arith.constant 0 : i32
    %dma_wait3A_62 = arith.constant 0 : i32
    %dma_wait3A_63 = tpu.memref_slice %arg2[%dma_wait3A_61, %dma_wait3A_62] : memref<10000x64xf32, #tpu.memory_space<hbm>> -> memref<128x64xf32, #tpu.memory_space<hbm>>
    tpu.wait_dma2 semaphore(%arg20 : memref<!tpu.dma_semaphore, #tpu.memory_space<semaphore_mem>>) src(%dma_wait3A_63 : memref<128x64xf32, #tpu.memory_space<hbm>>) dst(%arg13 : memref<128x64xf32, #tpu.memory_space<vmem>>)
    %dma_wait3A_64 = arith.constant 0 : i32
    %dma_wait3A_65 = arith.constant 0 : i32
    %dma_wait3A_66 = tpu.memref_slice %arg2[%dma_wait3A_64, %dma_wait3A_65] : memref<10000x64xf32, #tpu.memory_space<hbm>> -> memref<128x64xf32, #tpu.memory_space<hbm>>
    %dma_wait3A_67 = arith.constant 0 : i32
    %dma_wait3A_68 = arith.constant 0 : i32
    %dma_wait3A_69 = tpu.memref_slice %arg2[%dma_wait3A_67, %dma_wait3A_68] : memref<10000x64xf32, #tpu.memory_space<hbm>> -> memref<128x64xf32, #tpu.memory_space<hbm>>
    tpu.wait_dma2 semaphore(%arg20 : memref<!tpu.dma_semaphore, #tpu.memory_space<semaphore_mem>>) src(%dma_wait3A_69 : memref<128x64xf32, #tpu.memory_space<hbm>>) dst(%arg14 : memref<128x64xf32, #tpu.memory_space<vmem>>)
    %dma_wait3A_70 = arith.constant 0 : i32
    %dma_wait3A_71 = arith.constant 0 : i32
    %dma_wait3A_72 = tpu.memref_slice %arg2[%dma_wait3A_70, %dma_wait3A_71] : memref<10000x64xf32, #tpu.memory_space<hbm>> -> memref<128x64xf32, #tpu.memory_space<hbm>>
    %dma_wait3A_73 = arith.constant 0 : i32
    %dma_wait3A_74 = arith.constant 0 : i32
    %dma_wait3A_75 = tpu.memref_slice %arg2[%dma_wait3A_73, %dma_wait3A_74] : memref<10000x64xf32, #tpu.memory_space<hbm>> -> memref<128x64xf32, #tpu.memory_space<hbm>>
    tpu.wait_dma2 semaphore(%arg20 : memref<!tpu.dma_semaphore, #tpu.memory_space<semaphore_mem>>) src(%dma_wait3A_75 : memref<128x64xf32, #tpu.memory_space<hbm>>) dst(%arg15 : memref<128x64xf32, #tpu.memory_space<vmem>>)
    %dma_wait3A_76 = arith.constant 0 : i32
    %dma_wait3A_77 = arith.constant 0 : i32
    %dma_wait3A_78 = tpu.memref_slice %arg2[%dma_wait3A_76, %dma_wait3A_77] : memref<10000x64xf32, #tpu.memory_space<hbm>> -> memref<128x64xf32, #tpu.memory_space<hbm>>
    %dma_wait3A_79 = arith.constant 0 : i32
    %dma_wait3A_80 = arith.constant 0 : i32
    %dma_wait3A_81 = tpu.memref_slice %arg2[%dma_wait3A_79, %dma_wait3A_80] : memref<10000x64xf32, #tpu.memory_space<hbm>> -> memref<128x64xf32, #tpu.memory_space<hbm>>
    tpu.wait_dma2 semaphore(%arg20 : memref<!tpu.dma_semaphore, #tpu.memory_space<semaphore_mem>>) src(%dma_wait3A_81 : memref<128x64xf32, #tpu.memory_space<hbm>>) dst(%arg16 : memref<128x64xf32, #tpu.memory_space<vmem>>)
    %barrier3A_82 = arith.constant 0 : index
    tpu.barrier barrier_id(%barrier3A_82)
    "tpu.region"() ({
      %run_scoped3A = tpu.sem_alloc : memref<!tpu.dma_semaphore, #tpu.memory_space<semaphore_mem>>
      %dma_start3A_83 = arith.constant 0 : i32
      %dma_start3A_84 = tpu.memref_slice %arg6[%arg0, %mul3A_2, %dma_start3A_83] : memref<2x10240x64xf32, #tpu.memory_space<hbm>> -> memref<1x640x64xf32, #tpu.memory_space<hbm>>
      %dma_start3A_85 = tpu.memref_squeeze %dma_start3A_84 : memref<1x640x64xf32, #tpu.memory_space<hbm>> -> memref<640x64xf32, #tpu.memory_space<hbm>>
      %dma_start3A_86 = arith.constant 0 : i32
      %dma_start3A_87 = tpu.memref_slice %arg21[%mul3A_2, %dma_start3A_86] : memref<10240x64xf32, #tpu.memory_space<vmem_shared>> -> memref<640x64xf32, #tpu.memory_space<vmem_shared>>
      tpu.enqueue_dma source(%dma_start3A_87 : memref<640x64xf32, #tpu.memory_space<vmem_shared>>) target(%dma_start3A_85 : memref<640x64xf32, #tpu.memory_space<hbm>>) target_semaphore(%run_scoped3A : memref<!tpu.dma_semaphore, #tpu.memory_space<semaphore_mem>>)
      %dma_wait3A_88 = arith.constant 0 : i32
      %dma_wait3A_89 = tpu.memref_slice %arg6[%arg0, %mul3A_2, %dma_wait3A_88] : memref<2x10240x64xf32, #tpu.memory_space<hbm>> -> memref<1x640x64xf32, #tpu.memory_space<hbm>>
      %dma_wait3A_90 = tpu.memref_squeeze %dma_wait3A_89 : memref<1x640x64xf32, #tpu.memory_space<hbm>> -> memref<640x64xf32, #tpu.memory_space<hbm>>
      %dma_wait3A_91 = arith.constant 0 : i32
      %dma_wait3A_92 = tpu.memref_slice %arg21[%mul3A_2, %dma_wait3A_91] : memref<10240x64xf32, #tpu.memory_space<vmem_shared>> -> memref<640x64xf32, #tpu.memory_space<vmem_shared>>
      tpu.wait_dma2 semaphore(%run_scoped3A : memref<!tpu.dma_semaphore, #tpu.memory_space<semaphore_mem>>) src(%dma_wait3A_92 : memref<640x64xf32, #tpu.memory_space<vmem_shared>>) dst(%dma_wait3A_90 : memref<640x64xf32, #tpu.memory_space<hbm>>)
      tpu.yield
    }) : () -> ()
    return
  }
}

#map = affine_map<(d0, d1) -> (0, 0, 0)>
#map1 = affine_map<(d0, d1) -> (0, 0)>
module attributes {stable_mosaic.version = 14 : i64} {
  func.func @_sc_degree(%arg0: i32, %arg1: i32, %arg2: memref<32x80x128xi32, #tpu.memory_space<hbm>>, %arg3: memref<10240x8xf32, #tpu.memory_space<hbm>>, %arg4: memref<128x8xf32, #tpu.memory_space<hbm>>, %arg5: memref<2x10240x8xf32, #tpu.memory_space<hbm>>, %arg6: memref<80x128xi32, #tpu.memory_space<vmem>>, %arg7: memref<128x8xf32, #tpu.memory_space<vmem>>, %arg8: memref<!tpu.dma_semaphore, #tpu.memory_space<semaphore_mem>>, %arg9: memref<10240x8xf32, #tpu.memory_space<vmem_shared>>) attributes {dimension_semantics = [#tpu.dimension_semantics<core_parallel>, #tpu.dimension_semantics<subcore_parallel>], iteration_bounds = array<i64: 2, 16>, scalar_prefetch = 0 : i64, scratch_operands = 4 : i64, tpu.core_type = #tpu.core_type<sc_vector_subcore>, window_params = [{transform_indices = #map}, {transform_indices = #map1}, {transform_indices = #map1}, {transform_indices = #map}]} {
    %mul3A = arith.constant 2 : i32
    %mul3A_0 = arith.muli %arg1, %mul3A : i32
    %add3A = arith.addi %mul3A_0, %arg0 : i32
    %mul3A_1 = arith.constant 640 : i32
    %mul3A_2 = arith.muli %arg1, %mul3A_1 : i32
    "tpu.region"() ({
      %run_scoped3A = tpu.sem_alloc : memref<!tpu.dma_semaphore, #tpu.memory_space<semaphore_mem>>
      %dma_start3A = arith.constant 0 : i32
      %dma_start3A_15 = tpu.memref_slice %arg9[%mul3A_2, %dma_start3A] : memref<10240x8xf32, #tpu.memory_space<vmem_shared>> -> memref<640x8xf32, #tpu.memory_space<vmem_shared>>
      %dma_start3A_16 = arith.constant 0 : i32
      %dma_start3A_17 = tpu.memref_slice %arg3[%mul3A_2, %dma_start3A_16] : memref<10240x8xf32, #tpu.memory_space<hbm>> -> memref<640x8xf32, #tpu.memory_space<hbm>>
      tpu.enqueue_dma source(%dma_start3A_17 : memref<640x8xf32, #tpu.memory_space<hbm>>) target(%dma_start3A_15 : memref<640x8xf32, #tpu.memory_space<vmem_shared>>) target_semaphore(%run_scoped3A : memref<!tpu.dma_semaphore, #tpu.memory_space<semaphore_mem>>)
      %dma_wait3A = arith.constant 0 : i32
      %dma_wait3A_18 = tpu.memref_slice %arg9[%mul3A_2, %dma_wait3A] : memref<10240x8xf32, #tpu.memory_space<vmem_shared>> -> memref<640x8xf32, #tpu.memory_space<vmem_shared>>
      %dma_wait3A_19 = arith.constant 0 : i32
      %dma_wait3A_20 = tpu.memref_slice %arg3[%mul3A_2, %dma_wait3A_19] : memref<10240x8xf32, #tpu.memory_space<hbm>> -> memref<640x8xf32, #tpu.memory_space<hbm>>
      tpu.wait_dma2 semaphore(%run_scoped3A : memref<!tpu.dma_semaphore, #tpu.memory_space<semaphore_mem>>) src(%dma_wait3A_20 : memref<640x8xf32, #tpu.memory_space<hbm>>) dst(%dma_wait3A_18 : memref<640x8xf32, #tpu.memory_space<vmem_shared>>)
      tpu.yield
    }) : () -> ()
    "tpu.region"() ({
      %run_scoped3A = tpu.sem_alloc : memref<!tpu.dma_semaphore, #tpu.memory_space<semaphore_mem>>
      %dma_start3A = arith.constant 0 : i32
      %dma_start3A_15 = arith.constant 0 : i32
      %dma_start3A_16 = tpu.memref_slice %arg2[%add3A, %dma_start3A, %dma_start3A_15] : memref<32x80x128xi32, #tpu.memory_space<hbm>> -> memref<1x80x128xi32, #tpu.memory_space<hbm>>
      %dma_start3A_17 = tpu.memref_squeeze %dma_start3A_16 : memref<1x80x128xi32, #tpu.memory_space<hbm>> -> memref<80x128xi32, #tpu.memory_space<hbm>>
      %dma_start3A_18 = arith.constant 0 : i32
      %dma_start3A_19 = arith.constant 0 : i32
      %dma_start3A_20 = tpu.memref_slice %arg2[%add3A, %dma_start3A_18, %dma_start3A_19] : memref<32x80x128xi32, #tpu.memory_space<hbm>> -> memref<1x80x128xi32, #tpu.memory_space<hbm>>
      %dma_start3A_21 = tpu.memref_squeeze %dma_start3A_20 : memref<1x80x128xi32, #tpu.memory_space<hbm>> -> memref<80x128xi32, #tpu.memory_space<hbm>>
      tpu.enqueue_dma source(%dma_start3A_21 : memref<80x128xi32, #tpu.memory_space<hbm>>) target(%arg6 : memref<80x128xi32, #tpu.memory_space<vmem>>) target_semaphore(%run_scoped3A : memref<!tpu.dma_semaphore, #tpu.memory_space<semaphore_mem>>)
      %dma_wait3A = arith.constant 0 : i32
      %dma_wait3A_22 = arith.constant 0 : i32
      %dma_wait3A_23 = tpu.memref_slice %arg2[%add3A, %dma_wait3A, %dma_wait3A_22] : memref<32x80x128xi32, #tpu.memory_space<hbm>> -> memref<1x80x128xi32, #tpu.memory_space<hbm>>
      %dma_wait3A_24 = tpu.memref_squeeze %dma_wait3A_23 : memref<1x80x128xi32, #tpu.memory_space<hbm>> -> memref<80x128xi32, #tpu.memory_space<hbm>>
      %dma_wait3A_25 = arith.constant 0 : i32
      %dma_wait3A_26 = arith.constant 0 : i32
      %dma_wait3A_27 = tpu.memref_slice %arg2[%add3A, %dma_wait3A_25, %dma_wait3A_26] : memref<32x80x128xi32, #tpu.memory_space<hbm>> -> memref<1x80x128xi32, #tpu.memory_space<hbm>>
      %dma_wait3A_28 = tpu.memref_squeeze %dma_wait3A_27 : memref<1x80x128xi32, #tpu.memory_space<hbm>> -> memref<80x128xi32, #tpu.memory_space<hbm>>
      tpu.wait_dma2 semaphore(%run_scoped3A : memref<!tpu.dma_semaphore, #tpu.memory_space<semaphore_mem>>) src(%dma_wait3A_28 : memref<80x128xi32, #tpu.memory_space<hbm>>) dst(%arg6 : memref<80x128xi32, #tpu.memory_space<vmem>>)
      tpu.yield
    }) : () -> ()
    "tpu.region"() ({
      %run_scoped3A = tpu.sem_alloc : memref<!tpu.dma_semaphore, #tpu.memory_space<semaphore_mem>>
      tpu.enqueue_dma source(%arg4 : memref<128x8xf32, #tpu.memory_space<hbm>>) target(%arg7 : memref<128x8xf32, #tpu.memory_space<vmem>>) target_semaphore(%run_scoped3A : memref<!tpu.dma_semaphore, #tpu.memory_space<semaphore_mem>>)
      tpu.wait_dma2 semaphore(%run_scoped3A : memref<!tpu.dma_semaphore, #tpu.memory_space<semaphore_mem>>) src(%arg4 : memref<128x8xf32, #tpu.memory_space<hbm>>) dst(%arg7 : memref<128x8xf32, #tpu.memory_space<vmem>>)
      tpu.yield
    }) : () -> ()
    %barrier3A = arith.constant 0 : index
    tpu.barrier barrier_id(%barrier3A)
    %scan3A = arith.constant 0 : i32
    %scan3A_3 = arith.constant 0 : i32
    %scan3A_4 = arith.constant 80 : i32
    %scan3A_5 = arith.addi %scan3A_3, %scan3A_4 : i32
    %scan3A_6 = arith.constant 1 : i32
    scf.for %scan3A_15 = %scan3A_3 to %scan3A_5 step %scan3A_6  : i32 {
      %dma_start3A = arith.constant 0 : i32
      %dma_start3A_16 = tpu.memref_slice %arg6[%scan3A_15, %dma_start3A] : memref<80x128xi32, #tpu.memory_space<vmem>> -> memref<1x128xi32, #tpu.memory_space<vmem>>
      %dma_start3A_17 = tpu.memref_squeeze %dma_start3A_16 : memref<1x128xi32, #tpu.memory_space<vmem>> -> memref<128xi32, #tpu.memory_space<vmem>>
      %dma_start3A_18 = arith.constant 0 : i32
      %dma_start3A_19 = arith.constant 0 : i32
      %dma_start3A_20 = tpu.memref_slice %arg9[%dma_start3A_18, %dma_start3A_19] : memref<10240x8xf32, #tpu.memory_space<vmem_shared>> -> memref<10240x8xf32, #tpu.memory_space<vmem_shared>>
      tpu.enqueue_indirect_dma source(%arg7 : memref<128x8xf32, #tpu.memory_space<vmem>>) target(%dma_start3A_20 : memref<10240x8xf32, #tpu.memory_space<vmem_shared>>) offsets(%dma_start3A_17 : memref<128xi32, #tpu.memory_space<vmem>>) semaphore(%arg8 : memref<!tpu.dma_semaphore, #tpu.memory_space<semaphore_mem>>) {add = true}
      %ge3A = arith.constant 8 : i32
      %ge3A_21 = arith.cmpi sge, %scan3A_15, %ge3A : i32
      %convert_element_type3A = arith.extui %ge3A_21 : i1 to i32
      %cond3A = arith.constant 0 : i32
      %cond3A_22 = arith.cmpi ne, %convert_element_type3A, %cond3A : i32
      scf.if %cond3A_22 {
        tpu.wait_dma2 semaphore(%arg8 : memref<!tpu.dma_semaphore, #tpu.memory_space<semaphore_mem>>) src(%arg4 : memref<128x8xf32, #tpu.memory_space<hbm>>) dst(%arg7 : memref<128x8xf32, #tpu.memory_space<vmem>>)
      } else {
      }
    }
    %scan3A_7 = arith.constant 80 : i32
    %scan3A_8 = arith.constant 0 : i32
    %scan3A_9 = arith.constant 0 : i32
    %scan3A_10 = arith.constant 8 : i32
    %scan3A_11 = arith.addi %scan3A_9, %scan3A_10 : i32
    %scan3A_12 = arith.constant 1 : i32
    scf.for %scan3A_15 = %scan3A_9 to %scan3A_11 step %scan3A_12  : i32 {
      tpu.wait_dma2 semaphore(%arg8 : memref<!tpu.dma_semaphore, #tpu.memory_space<semaphore_mem>>) src(%arg4 : memref<128x8xf32, #tpu.memory_space<hbm>>) dst(%arg7 : memref<128x8xf32, #tpu.memory_space<vmem>>)
    }
    %scan3A_13 = arith.constant 8 : i32
    %barrier3A_14 = arith.constant 0 : index
    tpu.barrier barrier_id(%barrier3A_14)
    "tpu.region"() ({
      %run_scoped3A = tpu.sem_alloc : memref<!tpu.dma_semaphore, #tpu.memory_space<semaphore_mem>>
      %dma_start3A = arith.constant 0 : i32
      %dma_start3A_15 = tpu.memref_slice %arg5[%arg0, %mul3A_2, %dma_start3A] : memref<2x10240x8xf32, #tpu.memory_space<hbm>> -> memref<1x640x8xf32, #tpu.memory_space<hbm>>
      %dma_start3A_16 = tpu.memref_squeeze %dma_start3A_15 : memref<1x640x8xf32, #tpu.memory_space<hbm>> -> memref<640x8xf32, #tpu.memory_space<hbm>>
      %dma_start3A_17 = arith.constant 0 : i32
      %dma_start3A_18 = tpu.memref_slice %arg9[%mul3A_2, %dma_start3A_17] : memref<10240x8xf32, #tpu.memory_space<vmem_shared>> -> memref<640x8xf32, #tpu.memory_space<vmem_shared>>
      tpu.enqueue_dma source(%dma_start3A_18 : memref<640x8xf32, #tpu.memory_space<vmem_shared>>) target(%dma_start3A_16 : memref<640x8xf32, #tpu.memory_space<hbm>>) target_semaphore(%run_scoped3A : memref<!tpu.dma_semaphore, #tpu.memory_space<semaphore_mem>>)
      %dma_wait3A = arith.constant 0 : i32
      %dma_wait3A_19 = tpu.memref_slice %arg5[%arg0, %mul3A_2, %dma_wait3A] : memref<2x10240x8xf32, #tpu.memory_space<hbm>> -> memref<1x640x8xf32, #tpu.memory_space<hbm>>
      %dma_wait3A_20 = tpu.memref_squeeze %dma_wait3A_19 : memref<1x640x8xf32, #tpu.memory_space<hbm>> -> memref<640x8xf32, #tpu.memory_space<hbm>>
      %dma_wait3A_21 = arith.constant 0 : i32
      %dma_wait3A_22 = tpu.memref_slice %arg9[%mul3A_2, %dma_wait3A_21] : memref<10240x8xf32, #tpu.memory_space<vmem_shared>> -> memref<640x8xf32, #tpu.memory_space<vmem_shared>>
      tpu.wait_dma2 semaphore(%run_scoped3A : memref<!tpu.dma_semaphore, #tpu.memory_space<semaphore_mem>>) src(%dma_wait3A_22 : memref<640x8xf32, #tpu.memory_space<vmem_shared>>) dst(%dma_wait3A_20 : memref<640x8xf32, #tpu.memory_space<hbm>>)
      tpu.yield
    }) : () -> ()
    return
  }
}

#map = affine_map<(d0, d1) -> (0, 0)>
#map1 = affine_map<(d0, d1) -> (0, 0, 0)>
module attributes {stable_mosaic.version = 14 : i64} {
  func.func @_sc_propagate(%arg0: i32, %arg1: i32, %arg2: memref<10000x64xf32, #tpu.memory_space<hbm>>, %arg3: memref<32x80x128xi32, #tpu.memory_space<hbm>>, %arg4: memref<32x80x128xi32, #tpu.memory_space<hbm>>, %arg5: memref<10240x64xf32, #tpu.memory_space<hbm>>, %arg6: memref<2x10240x64xf32, #tpu.memory_space<hbm>>, %arg7: memref<80x128xi32, #tpu.memory_space<vmem>>, %arg8: memref<80x128xi32, #tpu.memory_space<vmem>>, %arg9: memref<128x64xf32, #tpu.memory_space<vmem>>, %arg10: memref<128x64xf32, #tpu.memory_space<vmem>>, %arg11: memref<128x64xf32, #tpu.memory_space<vmem>>, %arg12: memref<128x64xf32, #tpu.memory_space<vmem>>, %arg13: memref<128x64xf32, #tpu.memory_space<vmem>>, %arg14: memref<128x64xf32, #tpu.memory_space<vmem>>, %arg15: memref<128x64xf32, #tpu.memory_space<vmem>>, %arg16: memref<128x64xf32, #tpu.memory_space<vmem>>, %arg17: memref<!tpu.dma_semaphore, #tpu.memory_space<semaphore_mem>>, %arg18: memref<!tpu.dma_semaphore, #tpu.memory_space<semaphore_mem>>, %arg19: memref<!tpu.dma_semaphore, #tpu.memory_space<semaphore_mem>>, %arg20: memref<!tpu.dma_semaphore, #tpu.memory_space<semaphore_mem>>, %arg21: memref<10240x64xf32, #tpu.memory_space<vmem_shared>>) attributes {dimension_semantics = [#tpu.dimension_semantics<core_parallel>, #tpu.dimension_semantics<subcore_parallel>], iteration_bounds = array<i64: 2, 16>, scalar_prefetch = 0 : i64, scratch_operands = 15 : i64, tpu.core_type = #tpu.core_type<sc_vector_subcore>, window_params = [{transform_indices = #map}, {transform_indices = #map1}, {transform_indices = #map1}, {transform_indices = #map}, {transform_indices = #map1}]} {
    %mul3A = arith.constant 2 : i32
    %mul3A_0 = arith.muli %arg1, %mul3A : i32
    %add3A = arith.addi %mul3A_0, %arg0 : i32
    %mul3A_1 = arith.constant 640 : i32
    %mul3A_2 = arith.muli %arg1, %mul3A_1 : i32
    "tpu.region"() ({
      %run_scoped3A = tpu.sem_alloc : memref<!tpu.dma_semaphore, #tpu.memory_space<semaphore_mem>>
      %dma_start3A_83 = arith.constant 0 : i32
      %dma_start3A_84 = arith.constant 0 : i32
      %dma_start3A_85 = tpu.memref_slice %arg3[%add3A, %dma_start3A_83, %dma_start3A_84] : memref<32x80x128xi32, #tpu.memory_space<hbm>> -> memref<1x80x128xi32, #tpu.memory_space<hbm>>
      %dma_start3A_86 = tpu.memref_squeeze %dma_start3A_85 : memref<1x80x128xi32, #tpu.memory_space<hbm>> -> memref<80x128xi32, #tpu.memory_space<hbm>>
      %dma_start3A_87 = arith.constant 0 : i32
      %dma_start3A_88 = arith.constant 0 : i32
      %dma_start3A_89 = tpu.memref_slice %arg3[%add3A, %dma_start3A_87, %dma_start3A_88] : memref<32x80x128xi32, #tpu.memory_space<hbm>> -> memref<1x80x128xi32, #tpu.memory_space<hbm>>
      %dma_start3A_90 = tpu.memref_squeeze %dma_start3A_89 : memref<1x80x128xi32, #tpu.memory_space<hbm>> -> memref<80x128xi32, #tpu.memory_space<hbm>>
      tpu.enqueue_dma source(%dma_start3A_90 : memref<80x128xi32, #tpu.memory_space<hbm>>) target(%arg7 : memref<80x128xi32, #tpu.memory_space<vmem>>) target_semaphore(%run_scoped3A : memref<!tpu.dma_semaphore, #tpu.memory_space<semaphore_mem>>)
      %dma_wait3A_91 = arith.constant 0 : i32
      %dma_wait3A_92 = arith.constant 0 : i32
      %dma_wait3A_93 = tpu.memref_slice %arg3[%add3A, %dma_wait3A_91, %dma_wait3A_92] : memref<32x80x128xi32, #tpu.memory_space<hbm>> -> memref<1x80x128xi32, #tpu.memory_space<hbm>>
      %dma_wait3A_94 = tpu.memref_squeeze %dma_wait3A_93 : memref<1x80x128xi32, #tpu.memory_space<hbm>> -> memref<80x128xi32, #tpu.memory_space<hbm>>
      %dma_wait3A_95 = arith.constant 0 : i32
      %dma_wait3A_96 = arith.constant 0 : i32
      %dma_wait3A_97 = tpu.memref_slice %arg3[%add3A, %dma_wait3A_95, %dma_wait3A_96] : memref<32x80x128xi32, #tpu.memory_space<hbm>> -> memref<1x80x128xi32, #tpu.memory_space<hbm>>
      %dma_wait3A_98 = tpu.memref_squeeze %dma_wait3A_97 : memref<1x80x128xi32, #tpu.memory_space<hbm>> -> memref<80x128xi32, #tpu.memory_space<hbm>>
      tpu.wait_dma2 semaphore(%run_scoped3A : memref<!tpu.dma_semaphore, #tpu.memory_space<semaphore_mem>>) src(%dma_wait3A_98 : memref<80x128xi32, #tpu.memory_space<hbm>>) dst(%arg7 : memref<80x128xi32, #tpu.memory_space<vmem>>)
      tpu.yield
    }) : () -> ()
    %dma_start3A = arith.constant 0 : i32
    %dma_start3A_3 = arith.constant 0 : i32
    %dma_start3A_4 = tpu.memref_slice %arg7[%dma_start3A, %dma_start3A_3] : memref<80x128xi32, #tpu.memory_space<vmem>> -> memref<1x128xi32, #tpu.memory_space<vmem>>
    %dma_start3A_5 = tpu.memref_squeeze %dma_start3A_4 : memref<1x128xi32, #tpu.memory_space<vmem>> -> memref<128xi32, #tpu.memory_space<vmem>>
    %dma_start3A_6 = arith.constant 0 : i32
    %dma_start3A_7 = arith.constant 0 : i32
    %dma_start3A_8 = tpu.memref_slice %arg2[%dma_start3A_6, %dma_start3A_7] : memref<10000x64xf32, #tpu.memory_space<hbm>> -> memref<10000x64xf32, #tpu.memory_space<hbm>>
    tpu.enqueue_indirect_dma source(%dma_start3A_8 : memref<10000x64xf32, #tpu.memory_space<hbm>>) target(%arg9 : memref<128x64xf32, #tpu.memory_space<vmem>>) offsets(%dma_start3A_5 : memref<128xi32, #tpu.memory_space<vmem>>) semaphore(%arg17 : memref<!tpu.dma_semaphore, #tpu.memory_space<semaphore_mem>>)
    %dma_start3A_9 = arith.constant 1 : i32
    %dma_start3A_10 = arith.constant 0 : i32
    %dma_start3A_11 = tpu.memref_slice %arg7[%dma_start3A_9, %dma_start3A_10] : memref<80x128xi32, #tpu.memory_space<vmem>> -> memref<1x128xi32, #tpu.memory_space<vmem>>
    %dma_start3A_12 = tpu.memref_squeeze %dma_start3A_11 : memref<1x128xi32, #tpu.memory_space<vmem>> -> memref<128xi32, #tpu.memory_space<vmem>>
    %dma_start3A_13 = arith.constant 0 : i32
    %dma_start3A_14 = arith.constant 0 : i32
    %dma_start3A_15 = tpu.memref_slice %arg2[%dma_start3A_13, %dma_start3A_14] : memref<10000x64xf32, #tpu.memory_space<hbm>> -> memref<10000x64xf32, #tpu.memory_space<hbm>>
    tpu.enqueue_indirect_dma source(%dma_start3A_15 : memref<10000x64xf32, #tpu.memory_space<hbm>>) target(%arg10 : memref<128x64xf32, #tpu.memory_space<vmem>>) offsets(%dma_start3A_12 : memref<128xi32, #tpu.memory_space<vmem>>) semaphore(%arg17 : memref<!tpu.dma_semaphore, #tpu.memory_space<semaphore_mem>>)
    %dma_start3A_16 = arith.constant 2 : i32
    %dma_start3A_17 = arith.constant 0 : i32
    %dma_start3A_18 = tpu.memref_slice %arg7[%dma_start3A_16, %dma_start3A_17] : memref<80x128xi32, #tpu.memory_space<vmem>> -> memref<1x128xi32, #tpu.memory_space<vmem>>
    %dma_start3A_19 = tpu.memref_squeeze %dma_start3A_18 : memref<1x128xi32, #tpu.memory_space<vmem>> -> memref<128xi32, #tpu.memory_space<vmem>>
    %dma_start3A_20 = arith.constant 0 : i32
    %dma_start3A_21 = arith.constant 0 : i32
    %dma_start3A_22 = tpu.memref_slice %arg2[%dma_start3A_20, %dma_start3A_21] : memref<10000x64xf32, #tpu.memory_space<hbm>> -> memref<10000x64xf32, #tpu.memory_space<hbm>>
    tpu.enqueue_indirect_dma source(%dma_start3A_22 : memref<10000x64xf32, #tpu.memory_space<hbm>>) target(%arg11 : memref<128x64xf32, #tpu.memory_space<vmem>>) offsets(%dma_start3A_19 : memref<128xi32, #tpu.memory_space<vmem>>) semaphore(%arg17 : memref<!tpu.dma_semaphore, #tpu.memory_space<semaphore_mem>>)
    %dma_start3A_23 = arith.constant 3 : i32
    %dma_start3A_24 = arith.constant 0 : i32
    %dma_start3A_25 = tpu.memref_slice %arg7[%dma_start3A_23, %dma_start3A_24] : memref<80x128xi32, #tpu.memory_space<vmem>> -> memref<1x128xi32, #tpu.memory_space<vmem>>
    %dma_start3A_26 = tpu.memref_squeeze %dma_start3A_25 : memref<1x128xi32, #tpu.memory_space<vmem>> -> memref<128xi32, #tpu.memory_space<vmem>>
    %dma_start3A_27 = arith.constant 0 : i32
    %dma_start3A_28 = arith.constant 0 : i32
    %dma_start3A_29 = tpu.memref_slice %arg2[%dma_start3A_27, %dma_start3A_28] : memref<10000x64xf32, #tpu.memory_space<hbm>> -> memref<10000x64xf32, #tpu.memory_space<hbm>>
    tpu.enqueue_indirect_dma source(%dma_start3A_29 : memref<10000x64xf32, #tpu.memory_space<hbm>>) target(%arg12 : memref<128x64xf32, #tpu.memory_space<vmem>>) offsets(%dma_start3A_26 : memref<128xi32, #tpu.memory_space<vmem>>) semaphore(%arg17 : memref<!tpu.dma_semaphore, #tpu.memory_space<semaphore_mem>>)
    "tpu.region"() ({
      %run_scoped3A = tpu.sem_alloc : memref<!tpu.dma_semaphore, #tpu.memory_space<semaphore_mem>>
      %dma_start3A_83 = arith.constant 0 : i32
      %dma_start3A_84 = tpu.memref_slice %arg21[%mul3A_2, %dma_start3A_83] : memref<10240x64xf32, #tpu.memory_space<vmem_shared>> -> memref<640x64xf32, #tpu.memory_space<vmem_shared>>
      %dma_start3A_85 = arith.constant 0 : i32
      %dma_start3A_86 = tpu.memref_slice %arg5[%mul3A_2, %dma_start3A_85] : memref<10240x64xf32, #tpu.memory_space<hbm>> -> memref<640x64xf32, #tpu.memory_space<hbm>>
      tpu.enqueue_dma source(%dma_start3A_86 : memref<640x64xf32, #tpu.memory_space<hbm>>) target(%dma_start3A_84 : memref<640x64xf32, #tpu.memory_space<vmem_shared>>) target_semaphore(%run_scoped3A : memref<!tpu.dma_semaphore, #tpu.memory_space<semaphore_mem>>)
      %dma_wait3A_87 = arith.constant 0 : i32
      %dma_wait3A_88 = tpu.memref_slice %arg21[%mul3A_2, %dma_wait3A_87] : memref<10240x64xf32, #tpu.memory_space<vmem_shared>> -> memref<640x64xf32, #tpu.memory_space<vmem_shared>>
      %dma_wait3A_89 = arith.constant 0 : i32
      %dma_wait3A_90 = tpu.memref_slice %arg5[%mul3A_2, %dma_wait3A_89] : memref<10240x64xf32, #tpu.memory_space<hbm>> -> memref<640x64xf32, #tpu.memory_space<hbm>>
      tpu.wait_dma2 semaphore(%run_scoped3A : memref<!tpu.dma_semaphore, #tpu.memory_space<semaphore_mem>>) src(%dma_wait3A_90 : memref<640x64xf32, #tpu.memory_space<hbm>>) dst(%dma_wait3A_88 : memref<640x64xf32, #tpu.memory_space<vmem_shared>>)
      tpu.yield
    }) : () -> ()
    "tpu.region"() ({
      %run_scoped3A = tpu.sem_alloc : memref<!tpu.dma_semaphore, #tpu.memory_space<semaphore_mem>>
      %dma_start3A_83 = arith.constant 0 : i32
      %dma_start3A_84 = arith.constant 0 : i32
      %dma_start3A_85 = tpu.memref_slice %arg4[%add3A, %dma_start3A_83, %dma_start3A_84] : memref<32x80x128xi32, #tpu.memory_space<hbm>> -> memref<1x80x128xi32, #tpu.memory_space<hbm>>
      %dma_start3A_86 = tpu.memref_squeeze %dma_start3A_85 : memref<1x80x128xi32, #tpu.memory_space<hbm>> -> memref<80x128xi32, #tpu.memory_space<hbm>>
      %dma_start3A_87 = arith.constant 0 : i32
      %dma_start3A_88 = arith.constant 0 : i32
      %dma_start3A_89 = tpu.memref_slice %arg4[%add3A, %dma_start3A_87, %dma_start3A_88] : memref<32x80x128xi32, #tpu.memory_space<hbm>> -> memref<1x80x128xi32, #tpu.memory_space<hbm>>
      %dma_start3A_90 = tpu.memref_squeeze %dma_start3A_89 : memref<1x80x128xi32, #tpu.memory_space<hbm>> -> memref<80x128xi32, #tpu.memory_space<hbm>>
      tpu.enqueue_dma source(%dma_start3A_90 : memref<80x128xi32, #tpu.memory_space<hbm>>) target(%arg8 : memref<80x128xi32, #tpu.memory_space<vmem>>) target_semaphore(%run_scoped3A : memref<!tpu.dma_semaphore, #tpu.memory_space<semaphore_mem>>)
      %dma_wait3A_91 = arith.constant 0 : i32
      %dma_wait3A_92 = arith.constant 0 : i32
      %dma_wait3A_93 = tpu.memref_slice %arg4[%add3A, %dma_wait3A_91, %dma_wait3A_92] : memref<32x80x128xi32, #tpu.memory_space<hbm>> -> memref<1x80x128xi32, #tpu.memory_space<hbm>>
      %dma_wait3A_94 = tpu.memref_squeeze %dma_wait3A_93 : memref<1x80x128xi32, #tpu.memory_space<hbm>> -> memref<80x128xi32, #tpu.memory_space<hbm>>
      %dma_wait3A_95 = arith.constant 0 : i32
      %dma_wait3A_96 = arith.constant 0 : i32
      %dma_wait3A_97 = tpu.memref_slice %arg4[%add3A, %dma_wait3A_95, %dma_wait3A_96] : memref<32x80x128xi32, #tpu.memory_space<hbm>> -> memref<1x80x128xi32, #tpu.memory_space<hbm>>
      %dma_wait3A_98 = tpu.memref_squeeze %dma_wait3A_97 : memref<1x80x128xi32, #tpu.memory_space<hbm>> -> memref<80x128xi32, #tpu.memory_space<hbm>>
      tpu.wait_dma2 semaphore(%run_scoped3A : memref<!tpu.dma_semaphore, #tpu.memory_space<semaphore_mem>>) src(%dma_wait3A_98 : memref<80x128xi32, #tpu.memory_space<hbm>>) dst(%arg8 : memref<80x128xi32, #tpu.memory_space<vmem>>)
      tpu.yield
    }) : () -> ()
    %barrier3A = arith.constant 0 : index
    tpu.barrier barrier_id(%barrier3A)
    %scan3A = arith.constant 0 : i32
    %scan3A_30 = arith.constant 0 : i32
    %scan3A_31 = arith.constant 10 : i32
    %scan3A_32 = arith.addi %scan3A_30, %scan3A_31 : i32
    %scan3A_33 = arith.constant 1 : i32
    scf.for %scan3A_83 = %scan3A_30 to %scan3A_32 step %scan3A_33  : i32 {
      %mul3A_84 = arith.constant 2 : i32
      %mul3A_85 = arith.muli %scan3A_83, %mul3A_84 : i32
      %mul3A_86 = arith.constant 4 : i32
      %mul3A_87 = arith.muli %mul3A_85, %mul3A_86 : i32
      %dma_wait3A_88 = arith.constant 0 : i32
      %dma_wait3A_89 = arith.constant 0 : i32
      %dma_wait3A_90 = tpu.memref_slice %arg2[%dma_wait3A_88, %dma_wait3A_89] : memref<10000x64xf32, #tpu.memory_space<hbm>> -> memref<128x64xf32, #tpu.memory_space<hbm>>
      %dma_wait3A_91 = arith.constant 0 : i32
      %dma_wait3A_92 = arith.constant 0 : i32
      %dma_wait3A_93 = tpu.memref_slice %arg2[%dma_wait3A_91, %dma_wait3A_92] : memref<10000x64xf32, #tpu.memory_space<hbm>> -> memref<128x64xf32, #tpu.memory_space<hbm>>
      tpu.wait_dma2 semaphore(%arg17 : memref<!tpu.dma_semaphore, #tpu.memory_space<semaphore_mem>>) src(%dma_wait3A_93 : memref<128x64xf32, #tpu.memory_space<hbm>>) dst(%arg9 : memref<128x64xf32, #tpu.memory_space<vmem>>)
      %dma_wait3A_94 = arith.constant 0 : i32
      %dma_wait3A_95 = arith.constant 0 : i32
      %dma_wait3A_96 = tpu.memref_slice %arg2[%dma_wait3A_94, %dma_wait3A_95] : memref<10000x64xf32, #tpu.memory_space<hbm>> -> memref<128x64xf32, #tpu.memory_space<hbm>>
      %dma_wait3A_97 = arith.constant 0 : i32
      %dma_wait3A_98 = arith.constant 0 : i32
      %dma_wait3A_99 = tpu.memref_slice %arg2[%dma_wait3A_97, %dma_wait3A_98] : memref<10000x64xf32, #tpu.memory_space<hbm>> -> memref<128x64xf32, #tpu.memory_space<hbm>>
      tpu.wait_dma2 semaphore(%arg17 : memref<!tpu.dma_semaphore, #tpu.memory_space<semaphore_mem>>) src(%dma_wait3A_99 : memref<128x64xf32, #tpu.memory_space<hbm>>) dst(%arg10 : memref<128x64xf32, #tpu.memory_space<vmem>>)
      %dma_wait3A_100 = arith.constant 0 : i32
      %dma_wait3A_101 = arith.constant 0 : i32
      %dma_wait3A_102 = tpu.memref_slice %arg2[%dma_wait3A_100, %dma_wait3A_101] : memref<10000x64xf32, #tpu.memory_space<hbm>> -> memref<128x64xf32, #tpu.memory_space<hbm>>
      %dma_wait3A_103 = arith.constant 0 : i32
      %dma_wait3A_104 = arith.constant 0 : i32
      %dma_wait3A_105 = tpu.memref_slice %arg2[%dma_wait3A_103, %dma_wait3A_104] : memref<10000x64xf32, #tpu.memory_space<hbm>> -> memref<128x64xf32, #tpu.memory_space<hbm>>
      tpu.wait_dma2 semaphore(%arg17 : memref<!tpu.dma_semaphore, #tpu.memory_space<semaphore_mem>>) src(%dma_wait3A_105 : memref<128x64xf32, #tpu.memory_space<hbm>>) dst(%arg11 : memref<128x64xf32, #tpu.memory_space<vmem>>)
      %dma_wait3A_106 = arith.constant 0 : i32
      %dma_wait3A_107 = arith.constant 0 : i32
      %dma_wait3A_108 = tpu.memref_slice %arg2[%dma_wait3A_106, %dma_wait3A_107] : memref<10000x64xf32, #tpu.memory_space<hbm>> -> memref<128x64xf32, #tpu.memory_space<hbm>>
      %dma_wait3A_109 = arith.constant 0 : i32
      %dma_wait3A_110 = arith.constant 0 : i32
      %dma_wait3A_111 = tpu.memref_slice %arg2[%dma_wait3A_109, %dma_wait3A_110] : memref<10000x64xf32, #tpu.memory_space<hbm>> -> memref<128x64xf32, #tpu.memory_space<hbm>>
      tpu.wait_dma2 semaphore(%arg17 : memref<!tpu.dma_semaphore, #tpu.memory_space<semaphore_mem>>) src(%dma_wait3A_111 : memref<128x64xf32, #tpu.memory_space<hbm>>) dst(%arg12 : memref<128x64xf32, #tpu.memory_space<vmem>>)
      %add3A_112 = arith.constant 0 : i32
      %add3A_113 = arith.addi %mul3A_87, %add3A_112 : i32
      %dma_start3A_114 = arith.constant 0 : i32
      %dma_start3A_115 = tpu.memref_slice %arg8[%add3A_113, %dma_start3A_114] : memref<80x128xi32, #tpu.memory_space<vmem>> -> memref<1x128xi32, #tpu.memory_space<vmem>>
      %dma_start3A_116 = tpu.memref_squeeze %dma_start3A_115 : memref<1x128xi32, #tpu.memory_space<vmem>> -> memref<128xi32, #tpu.memory_space<vmem>>
      %dma_start3A_117 = arith.constant 0 : i32
      %dma_start3A_118 = arith.constant 0 : i32
      %dma_start3A_119 = tpu.memref_slice %arg21[%dma_start3A_117, %dma_start3A_118] : memref<10240x64xf32, #tpu.memory_space<vmem_shared>> -> memref<10240x64xf32, #tpu.memory_space<vmem_shared>>
      tpu.enqueue_indirect_dma source(%arg9 : memref<128x64xf32, #tpu.memory_space<vmem>>) target(%dma_start3A_119 : memref<10240x64xf32, #tpu.memory_space<vmem_shared>>) offsets(%dma_start3A_116 : memref<128xi32, #tpu.memory_space<vmem>>) semaphore(%arg18 : memref<!tpu.dma_semaphore, #tpu.memory_space<semaphore_mem>>) {add = true}
      %add3A_120 = arith.constant 1 : i32
      %add3A_121 = arith.addi %mul3A_87, %add3A_120 : i32
      %dma_start3A_122 = arith.constant 0 : i32
      %dma_start3A_123 = tpu.memref_slice %arg8[%add3A_121, %dma_start3A_122] : memref<80x128xi32, #tpu.memory_space<vmem>> -> memref<1x128xi32, #tpu.memory_space<vmem>>
      %dma_start3A_124 = tpu.memref_squeeze %dma_start3A_123 : memref<1x128xi32, #tpu.memory_space<vmem>> -> memref<128xi32, #tpu.memory_space<vmem>>
      %dma_start3A_125 = arith.constant 0 : i32
      %dma_start3A_126 = arith.constant 0 : i32
      %dma_start3A_127 = tpu.memref_slice %arg21[%dma_start3A_125, %dma_start3A_126] : memref<10240x64xf32, #tpu.memory_space<vmem_shared>> -> memref<10240x64xf32, #tpu.memory_space<vmem_shared>>
      tpu.enqueue_indirect_dma source(%arg10 : memref<128x64xf32, #tpu.memory_space<vmem>>) target(%dma_start3A_127 : memref<10240x64xf32, #tpu.memory_space<vmem_shared>>) offsets(%dma_start3A_124 : memref<128xi32, #tpu.memory_space<vmem>>) semaphore(%arg18 : memref<!tpu.dma_semaphore, #tpu.memory_space<semaphore_mem>>) {add = true}
      %add3A_128 = arith.constant 2 : i32
      %add3A_129 = arith.addi %mul3A_87, %add3A_128 : i32
      %dma_start3A_130 = arith.constant 0 : i32
      %dma_start3A_131 = tpu.memref_slice %arg8[%add3A_129, %dma_start3A_130] : memref<80x128xi32, #tpu.memory_space<vmem>> -> memref<1x128xi32, #tpu.memory_space<vmem>>
      %dma_start3A_132 = tpu.memref_squeeze %dma_start3A_131 : memref<1x128xi32, #tpu.memory_space<vmem>> -> memref<128xi32, #tpu.memory_space<vmem>>
      %dma_start3A_133 = arith.constant 0 : i32
      %dma_start3A_134 = arith.constant 0 : i32
      %dma_start3A_135 = tpu.memref_slice %arg21[%dma_start3A_133, %dma_start3A_134] : memref<10240x64xf32, #tpu.memory_space<vmem_shared>> -> memref<10240x64xf32, #tpu.memory_space<vmem_shared>>
      tpu.enqueue_indirect_dma source(%arg11 : memref<128x64xf32, #tpu.memory_space<vmem>>) target(%dma_start3A_135 : memref<10240x64xf32, #tpu.memory_space<vmem_shared>>) offsets(%dma_start3A_132 : memref<128xi32, #tpu.memory_space<vmem>>) semaphore(%arg18 : memref<!tpu.dma_semaphore, #tpu.memory_space<semaphore_mem>>) {add = true}
      %add3A_136 = arith.constant 3 : i32
      %add3A_137 = arith.addi %mul3A_87, %add3A_136 : i32
      %dma_start3A_138 = arith.constant 0 : i32
      %dma_start3A_139 = tpu.memref_slice %arg8[%add3A_137, %dma_start3A_138] : memref<80x128xi32, #tpu.memory_space<vmem>> -> memref<1x128xi32, #tpu.memory_space<vmem>>
      %dma_start3A_140 = tpu.memref_squeeze %dma_start3A_139 : memref<1x128xi32, #tpu.memory_space<vmem>> -> memref<128xi32, #tpu.memory_space<vmem>>
      %dma_start3A_141 = arith.constant 0 : i32
      %dma_start3A_142 = arith.constant 0 : i32
      %dma_start3A_143 = tpu.memref_slice %arg21[%dma_start3A_141, %dma_start3A_142] : memref<10240x64xf32, #tpu.memory_space<vmem_shared>> -> memref<10240x64xf32, #tpu.memory_space<vmem_shared>>
      tpu.enqueue_indirect_dma source(%arg12 : memref<128x64xf32, #tpu.memory_space<vmem>>) target(%dma_start3A_143 : memref<10240x64xf32, #tpu.memory_space<vmem_shared>>) offsets(%dma_start3A_140 : memref<128xi32, #tpu.memory_space<vmem>>) semaphore(%arg18 : memref<!tpu.dma_semaphore, #tpu.memory_space<semaphore_mem>>) {add = true}
      %gt3A = arith.constant 0 : i32
      %gt3A_144 = arith.cmpi sgt, %scan3A_83, %gt3A : i32
      %convert_element_type3A = arith.extui %gt3A_144 : i1 to i32
      %cond3A = arith.constant 0 : i32
      %cond3A_145 = arith.cmpi ne, %convert_element_type3A, %cond3A : i32
      scf.if %cond3A_145 {
        %dma_wait3A_254 = arith.constant 0 : i32
        %dma_wait3A_255 = arith.constant 0 : i32
        %dma_wait3A_256 = tpu.memref_slice %arg2[%dma_wait3A_254, %dma_wait3A_255] : memref<10000x64xf32, #tpu.memory_space<hbm>> -> memref<128x64xf32, #tpu.memory_space<hbm>>
        %dma_wait3A_257 = arith.constant 0 : i32
        %dma_wait3A_258 = arith.constant 0 : i32
        %dma_wait3A_259 = tpu.memref_slice %arg2[%dma_wait3A_257, %dma_wait3A_258] : memref<10000x64xf32, #tpu.memory_space<hbm>> -> memref<128x64xf32, #tpu.memory_space<hbm>>
        tpu.wait_dma2 semaphore(%arg20 : memref<!tpu.dma_semaphore, #tpu.memory_space<semaphore_mem>>) src(%dma_wait3A_259 : memref<128x64xf32, #tpu.memory_space<hbm>>) dst(%arg13 : memref<128x64xf32, #tpu.memory_space<vmem>>)
        %dma_wait3A_260 = arith.constant 0 : i32
        %dma_wait3A_261 = arith.constant 0 : i32
        %dma_wait3A_262 = tpu.memref_slice %arg2[%dma_wait3A_260, %dma_wait3A_261] : memref<10000x64xf32, #tpu.memory_space<hbm>> -> memref<128x64xf32, #tpu.memory_space<hbm>>
        %dma_wait3A_263 = arith.constant 0 : i32
        %dma_wait3A_264 = arith.constant 0 : i32
        %dma_wait3A_265 = tpu.memref_slice %arg2[%dma_wait3A_263, %dma_wait3A_264] : memref<10000x64xf32, #tpu.memory_space<hbm>> -> memref<128x64xf32, #tpu.memory_space<hbm>>
        tpu.wait_dma2 semaphore(%arg20 : memref<!tpu.dma_semaphore, #tpu.memory_space<semaphore_mem>>) src(%dma_wait3A_265 : memref<128x64xf32, #tpu.memory_space<hbm>>) dst(%arg14 : memref<128x64xf32, #tpu.memory_space<vmem>>)
        %dma_wait3A_266 = arith.constant 0 : i32
        %dma_wait3A_267 = arith.constant 0 : i32
        %dma_wait3A_268 = tpu.memref_slice %arg2[%dma_wait3A_266, %dma_wait3A_267] : memref<10000x64xf32, #tpu.memory_space<hbm>> -> memref<128x64xf32, #tpu.memory_space<hbm>>
        %dma_wait3A_269 = arith.constant 0 : i32
        %dma_wait3A_270 = arith.constant 0 : i32
        %dma_wait3A_271 = tpu.memref_slice %arg2[%dma_wait3A_269, %dma_wait3A_270] : memref<10000x64xf32, #tpu.memory_space<hbm>> -> memref<128x64xf32, #tpu.memory_space<hbm>>
        tpu.wait_dma2 semaphore(%arg20 : memref<!tpu.dma_semaphore, #tpu.memory_space<semaphore_mem>>) src(%dma_wait3A_271 : memref<128x64xf32, #tpu.memory_space<hbm>>) dst(%arg15 : memref<128x64xf32, #tpu.memory_space<vmem>>)
        %dma_wait3A_272 = arith.constant 0 : i32
        %dma_wait3A_273 = arith.constant 0 : i32
        %dma_wait3A_274 = tpu.memref_slice %arg2[%dma_wait3A_272, %dma_wait3A_273] : memref<10000x64xf32, #tpu.memory_space<hbm>> -> memref<128x64xf32, #tpu.memory_space<hbm>>
        %dma_wait3A_275 = arith.constant 0 : i32
        %dma_wait3A_276 = arith.constant 0 : i32
        %dma_wait3A_277 = tpu.memref_slice %arg2[%dma_wait3A_275, %dma_wait3A_276] : memref<10000x64xf32, #tpu.memory_space<hbm>> -> memref<128x64xf32, #tpu.memory_space<hbm>>
        tpu.wait_dma2 semaphore(%arg20 : memref<!tpu.dma_semaphore, #tpu.memory_space<semaphore_mem>>) src(%dma_wait3A_277 : memref<128x64xf32, #tpu.memory_space<hbm>>) dst(%arg16 : memref<128x64xf32, #tpu.memory_space<vmem>>)
      } else {
      }
      %add3A_146 = arith.constant 4 : i32
      %add3A_147 = arith.addi %mul3A_87, %add3A_146 : i32
      %add3A_148 = arith.constant 0 : i32
      %add3A_149 = arith.addi %add3A_147, %add3A_148 : i32
      %dma_start3A_150 = arith.constant 0 : i32
      %dma_start3A_151 = tpu.memref_slice %arg7[%add3A_149, %dma_start3A_150] : memref<80x128xi32, #tpu.memory_space<vmem>> -> memref<1x128xi32, #tpu.memory_space<vmem>>
      %dma_start3A_152 = tpu.memref_squeeze %dma_start3A_151 : memref<1x128xi32, #tpu.memory_space<vmem>> -> memref<128xi32, #tpu.memory_space<vmem>>
      %dma_start3A_153 = arith.constant 0 : i32
      %dma_start3A_154 = arith.constant 0 : i32
      %dma_start3A_155 = tpu.memref_slice %arg2[%dma_start3A_153, %dma_start3A_154] : memref<10000x64xf32, #tpu.memory_space<hbm>> -> memref<10000x64xf32, #tpu.memory_space<hbm>>
      tpu.enqueue_indirect_dma source(%dma_start3A_155 : memref<10000x64xf32, #tpu.memory_space<hbm>>) target(%arg13 : memref<128x64xf32, #tpu.memory_space<vmem>>) offsets(%dma_start3A_152 : memref<128xi32, #tpu.memory_space<vmem>>) semaphore(%arg19 : memref<!tpu.dma_semaphore, #tpu.memory_space<semaphore_mem>>)
      %add3A_156 = arith.constant 4 : i32
      %add3A_157 = arith.addi %mul3A_87, %add3A_156 : i32
      %add3A_158 = arith.constant 1 : i32
      %add3A_159 = arith.addi %add3A_157, %add3A_158 : i32
      %dma_start3A_160 = arith.constant 0 : i32
      %dma_start3A_161 = tpu.memref_slice %arg7[%add3A_159, %dma_start3A_160] : memref<80x128xi32, #tpu.memory_space<vmem>> -> memref<1x128xi32, #tpu.memory_space<vmem>>
      %dma_start3A_162 = tpu.memref_squeeze %dma_start3A_161 : memref<1x128xi32, #tpu.memory_space<vmem>> -> memref<128xi32, #tpu.memory_space<vmem>>
      %dma_start3A_163 = arith.constant 0 : i32
      %dma_start3A_164 = arith.constant 0 : i32
      %dma_start3A_165 = tpu.memref_slice %arg2[%dma_start3A_163, %dma_start3A_164] : memref<10000x64xf32, #tpu.memory_space<hbm>> -> memref<10000x64xf32, #tpu.memory_space<hbm>>
      tpu.enqueue_indirect_dma source(%dma_start3A_165 : memref<10000x64xf32, #tpu.memory_space<hbm>>) target(%arg14 : memref<128x64xf32, #tpu.memory_space<vmem>>) offsets(%dma_start3A_162 : memref<128xi32, #tpu.memory_space<vmem>>) semaphore(%arg19 : memref<!tpu.dma_semaphore, #tpu.memory_space<semaphore_mem>>)
      %add3A_166 = arith.constant 4 : i32
      %add3A_167 = arith.addi %mul3A_87, %add3A_166 : i32
      %add3A_168 = arith.constant 2 : i32
      %add3A_169 = arith.addi %add3A_167, %add3A_168 : i32
      %dma_start3A_170 = arith.constant 0 : i32
      %dma_start3A_171 = tpu.memref_slice %arg7[%add3A_169, %dma_start3A_170] : memref<80x128xi32, #tpu.memory_space<vmem>> -> memref<1x128xi32, #tpu.memory_space<vmem>>
      %dma_start3A_172 = tpu.memref_squeeze %dma_start3A_171 : memref<1x128xi32, #tpu.memory_space<vmem>> -> memref<128xi32, #tpu.memory_space<vmem>>
      %dma_start3A_173 = arith.constant 0 : i32
      %dma_start3A_174 = arith.constant 0 : i32
      %dma_start3A_175 = tpu.memref_slice %arg2[%dma_start3A_173, %dma_start3A_174] : memref<10000x64xf32, #tpu.memory_space<hbm>> -> memref<10000x64xf32, #tpu.memory_space<hbm>>
      tpu.enqueue_indirect_dma source(%dma_start3A_175 : memref<10000x64xf32, #tpu.memory_space<hbm>>) target(%arg15 : memref<128x64xf32, #tpu.memory_space<vmem>>) offsets(%dma_start3A_172 : memref<128xi32, #tpu.memory_space<vmem>>) semaphore(%arg19 : memref<!tpu.dma_semaphore, #tpu.memory_space<semaphore_mem>>)
      %add3A_176 = arith.constant 4 : i32
      %add3A_177 = arith.addi %mul3A_87, %add3A_176 : i32
      %add3A_178 = arith.constant 3 : i32
      %add3A_179 = arith.addi %add3A_177, %add3A_178 : i32
      %dma_start3A_180 = arith.constant 0 : i32
      %dma_start3A_181 = tpu.memref_slice %arg7[%add3A_179, %dma_start3A_180] : memref<80x128xi32, #tpu.memory_space<vmem>> -> memref<1x128xi32, #tpu.memory_space<vmem>>
      %dma_start3A_182 = tpu.memref_squeeze %dma_start3A_181 : memref<1x128xi32, #tpu.memory_space<vmem>> -> memref<128xi32, #tpu.memory_space<vmem>>
      %dma_start3A_183 = arith.constant 0 : i32
      %dma_start3A_184 = arith.constant 0 : i32
      %dma_start3A_185 = tpu.memref_slice %arg2[%dma_start3A_183, %dma_start3A_184] : memref<10000x64xf32, #tpu.memory_space<hbm>> -> memref<10000x64xf32, #tpu.memory_space<hbm>>
      tpu.enqueue_indirect_dma source(%dma_start3A_185 : memref<10000x64xf32, #tpu.memory_space<hbm>>) target(%arg16 : memref<128x64xf32, #tpu.memory_space<vmem>>) offsets(%dma_start3A_182 : memref<128xi32, #tpu.memory_space<vmem>>) semaphore(%arg19 : memref<!tpu.dma_semaphore, #tpu.memory_space<semaphore_mem>>)
      %dma_wait3A_186 = arith.constant 0 : i32
      %dma_wait3A_187 = arith.constant 0 : i32
      %dma_wait3A_188 = tpu.memref_slice %arg2[%dma_wait3A_186, %dma_wait3A_187] : memref<10000x64xf32, #tpu.memory_space<hbm>> -> memref<128x64xf32, #tpu.memory_space<hbm>>
      %dma_wait3A_189 = arith.constant 0 : i32
      %dma_wait3A_190 = arith.constant 0 : i32
      %dma_wait3A_191 = tpu.memref_slice %arg2[%dma_wait3A_189, %dma_wait3A_190] : memref<10000x64xf32, #tpu.memory_space<hbm>> -> memref<128x64xf32, #tpu.memory_space<hbm>>
      tpu.wait_dma2 semaphore(%arg19 : memref<!tpu.dma_semaphore, #tpu.memory_space<semaphore_mem>>) src(%dma_wait3A_191 : memref<128x64xf32, #tpu.memory_space<hbm>>) dst(%arg13 : memref<128x64xf32, #tpu.memory_space<vmem>>)
      %dma_wait3A_192 = arith.constant 0 : i32
      %dma_wait3A_193 = arith.constant 0 : i32
      %dma_wait3A_194 = tpu.memref_slice %arg2[%dma_wait3A_192, %dma_wait3A_193] : memref<10000x64xf32, #tpu.memory_space<hbm>> -> memref<128x64xf32, #tpu.memory_space<hbm>>
      %dma_wait3A_195 = arith.constant 0 : i32
      %dma_wait3A_196 = arith.constant 0 : i32
      %dma_wait3A_197 = tpu.memref_slice %arg2[%dma_wait3A_195, %dma_wait3A_196] : memref<10000x64xf32, #tpu.memory_space<hbm>> -> memref<128x64xf32, #tpu.memory_space<hbm>>
      tpu.wait_dma2 semaphore(%arg19 : memref<!tpu.dma_semaphore, #tpu.memory_space<semaphore_mem>>) src(%dma_wait3A_197 : memref<128x64xf32, #tpu.memory_space<hbm>>) dst(%arg14 : memref<128x64xf32, #tpu.memory_space<vmem>>)
      %dma_wait3A_198 = arith.constant 0 : i32
      %dma_wait3A_199 = arith.constant 0 : i32
      %dma_wait3A_200 = tpu.memref_slice %arg2[%dma_wait3A_198, %dma_wait3A_199] : memref<10000x64xf32, #tpu.memory_space<hbm>> -> memref<128x64xf32, #tpu.memory_space<hbm>>
      %dma_wait3A_201 = arith.constant 0 : i32
      %dma_wait3A_202 = arith.constant 0 : i32
      %dma_wait3A_203 = tpu.memref_slice %arg2[%dma_wait3A_201, %dma_wait3A_202] : memref<10000x64xf32, #tpu.memory_space<hbm>> -> memref<128x64xf32, #tpu.memory_space<hbm>>
      tpu.wait_dma2 semaphore(%arg19 : memref<!tpu.dma_semaphore, #tpu.memory_space<semaphore_mem>>) src(%dma_wait3A_203 : memref<128x64xf32, #tpu.memory_space<hbm>>) dst(%arg15 : memref<128x64xf32, #tpu.memory_space<vmem>>)
      %dma_wait3A_204 = arith.constant 0 : i32
      %dma_wait3A_205 = arith.constant 0 : i32
      %dma_wait3A_206 = tpu.memref_slice %arg2[%dma_wait3A_204, %dma_wait3A_205] : memref<10000x64xf32, #tpu.memory_space<hbm>> -> memref<128x64xf32, #tpu.memory_space<hbm>>
      %dma_wait3A_207 = arith.constant 0 : i32
      %dma_wait3A_208 = arith.constant 0 : i32
      %dma_wait3A_209 = tpu.memref_slice %arg2[%dma_wait3A_207, %dma_wait3A_208] : memref<10000x64xf32, #tpu.memory_space<hbm>> -> memref<128x64xf32, #tpu.memory_space<hbm>>
      tpu.wait_dma2 semaphore(%arg19 : memref<!tpu.dma_semaphore, #tpu.memory_space<semaphore_mem>>) src(%dma_wait3A_209 : memref<128x64xf32, #tpu.memory_space<hbm>>) dst(%arg16 : memref<128x64xf32, #tpu.memory_space<vmem>>)
      %add3A_210 = arith.constant 4 : i32
      %add3A_211 = arith.addi %mul3A_87, %add3A_210 : i32
      %add3A_212 = arith.constant 0 : i32
      %add3A_213 = arith.addi %add3A_211, %add3A_212 : i32
      %dma_start3A_214 = arith.constant 0 : i32
      %dma_start3A_215 = tpu.memref_slice %arg8[%add3A_213, %dma_start3A_214] : memref<80x128xi32, #tpu.memory_space<vmem>> -> memref<1x128xi32, #tpu.memory_space<vmem>>
      %dma_start3A_216 = tpu.memref_squeeze %dma_start3A_215 : memref<1x128xi32, #tpu.memory_space<vmem>> -> memref<128xi32, #tpu.memory_space<vmem>>
      %dma_start3A_217 = arith.constant 0 : i32
      %dma_start3A_218 = arith.constant 0 : i32
      %dma_start3A_219 = tpu.memref_slice %arg21[%dma_start3A_217, %dma_start3A_218] : memref<10240x64xf32, #tpu.memory_space<vmem_shared>> -> memref<10240x64xf32, #tpu.memory_space<vmem_shared>>
      tpu.enqueue_indirect_dma source(%arg13 : memref<128x64xf32, #tpu.memory_space<vmem>>) target(%dma_start3A_219 : memref<10240x64xf32, #tpu.memory_space<vmem_shared>>) offsets(%dma_start3A_216 : memref<128xi32, #tpu.memory_space<vmem>>) semaphore(%arg20 : memref<!tpu.dma_semaphore, #tpu.memory_space<semaphore_mem>>) {add = true}
      %add3A_220 = arith.constant 4 : i32
      %add3A_221 = arith.addi %mul3A_87, %add3A_220 : i32
      %add3A_222 = arith.constant 1 : i32
      %add3A_223 = arith.addi %add3A_221, %add3A_222 : i32
      %dma_start3A_224 = arith.constant 0 : i32
      %dma_start3A_225 = tpu.memref_slice %arg8[%add3A_223, %dma_start3A_224] : memref<80x128xi32, #tpu.memory_space<vmem>> -> memref<1x128xi32, #tpu.memory_space<vmem>>
      %dma_start3A_226 = tpu.memref_squeeze %dma_start3A_225 : memref<1x128xi32, #tpu.memory_space<vmem>> -> memref<128xi32, #tpu.memory_space<vmem>>
      %dma_start3A_227 = arith.constant 0 : i32
      %dma_start3A_228 = arith.constant 0 : i32
      %dma_start3A_229 = tpu.memref_slice %arg21[%dma_start3A_227, %dma_start3A_228] : memref<10240x64xf32, #tpu.memory_space<vmem_shared>> -> memref<10240x64xf32, #tpu.memory_space<vmem_shared>>
      tpu.enqueue_indirect_dma source(%arg14 : memref<128x64xf32, #tpu.memory_space<vmem>>) target(%dma_start3A_229 : memref<10240x64xf32, #tpu.memory_space<vmem_shared>>) offsets(%dma_start3A_226 : memref<128xi32, #tpu.memory_space<vmem>>) semaphore(%arg20 : memref<!tpu.dma_semaphore, #tpu.memory_space<semaphore_mem>>) {add = true}
      %add3A_230 = arith.constant 4 : i32
      %add3A_231 = arith.addi %mul3A_87, %add3A_230 : i32
      %add3A_232 = arith.constant 2 : i32
      %add3A_233 = arith.addi %add3A_231, %add3A_232 : i32
      %dma_start3A_234 = arith.constant 0 : i32
      %dma_start3A_235 = tpu.memref_slice %arg8[%add3A_233, %dma_start3A_234] : memref<80x128xi32, #tpu.memory_space<vmem>> -> memref<1x128xi32, #tpu.memory_space<vmem>>
      %dma_start3A_236 = tpu.memref_squeeze %dma_start3A_235 : memref<1x128xi32, #tpu.memory_space<vmem>> -> memref<128xi32, #tpu.memory_space<vmem>>
      %dma_start3A_237 = arith.constant 0 : i32
      %dma_start3A_238 = arith.constant 0 : i32
      %dma_start3A_239 = tpu.memref_slice %arg21[%dma_start3A_237, %dma_start3A_238] : memref<10240x64xf32, #tpu.memory_space<vmem_shared>> -> memref<10240x64xf32, #tpu.memory_space<vmem_shared>>
      tpu.enqueue_indirect_dma source(%arg15 : memref<128x64xf32, #tpu.memory_space<vmem>>) target(%dma_start3A_239 : memref<10240x64xf32, #tpu.memory_space<vmem_shared>>) offsets(%dma_start3A_236 : memref<128xi32, #tpu.memory_space<vmem>>) semaphore(%arg20 : memref<!tpu.dma_semaphore, #tpu.memory_space<semaphore_mem>>) {add = true}
      %add3A_240 = arith.constant 4 : i32
      %add3A_241 = arith.addi %mul3A_87, %add3A_240 : i32
      %add3A_242 = arith.constant 3 : i32
      %add3A_243 = arith.addi %add3A_241, %add3A_242 : i32
      %dma_start3A_244 = arith.constant 0 : i32
      %dma_start3A_245 = tpu.memref_slice %arg8[%add3A_243, %dma_start3A_244] : memref<80x128xi32, #tpu.memory_space<vmem>> -> memref<1x128xi32, #tpu.memory_space<vmem>>
      %dma_start3A_246 = tpu.memref_squeeze %dma_start3A_245 : memref<1x128xi32, #tpu.memory_space<vmem>> -> memref<128xi32, #tpu.memory_space<vmem>>
      %dma_start3A_247 = arith.constant 0 : i32
      %dma_start3A_248 = arith.constant 0 : i32
      %dma_start3A_249 = tpu.memref_slice %arg21[%dma_start3A_247, %dma_start3A_248] : memref<10240x64xf32, #tpu.memory_space<vmem_shared>> -> memref<10240x64xf32, #tpu.memory_space<vmem_shared>>
      tpu.enqueue_indirect_dma source(%arg16 : memref<128x64xf32, #tpu.memory_space<vmem>>) target(%dma_start3A_249 : memref<10240x64xf32, #tpu.memory_space<vmem_shared>>) offsets(%dma_start3A_246 : memref<128xi32, #tpu.memory_space<vmem>>) semaphore(%arg20 : memref<!tpu.dma_semaphore, #tpu.memory_space<semaphore_mem>>) {add = true}
      %lt3A = arith.constant 9 : i32
      %lt3A_250 = arith.cmpi slt, %scan3A_83, %lt3A : i32
      %convert_element_type3A_251 = arith.extui %lt3A_250 : i1 to i32
      %cond3A_252 = arith.constant 0 : i32
      %cond3A_253 = arith.cmpi ne, %convert_element_type3A_251, %cond3A_252 : i32
      scf.if %cond3A_253 {
        %dma_wait3A_254 = arith.constant 0 : i32
        %dma_wait3A_255 = arith.constant 0 : i32
        %dma_wait3A_256 = tpu.memref_slice %arg2[%dma_wait3A_254, %dma_wait3A_255] : memref<10000x64xf32, #tpu.memory_space<hbm>> -> memref<128x64xf32, #tpu.memory_space<hbm>>
        %dma_wait3A_257 = arith.constant 0 : i32
        %dma_wait3A_258 = arith.constant 0 : i32
        %dma_wait3A_259 = tpu.memref_slice %arg2[%dma_wait3A_257, %dma_wait3A_258] : memref<10000x64xf32, #tpu.memory_space<hbm>> -> memref<128x64xf32, #tpu.memory_space<hbm>>
        tpu.wait_dma2 semaphore(%arg18 : memref<!tpu.dma_semaphore, #tpu.memory_space<semaphore_mem>>) src(%dma_wait3A_259 : memref<128x64xf32, #tpu.memory_space<hbm>>) dst(%arg9 : memref<128x64xf32, #tpu.memory_space<vmem>>)
        %dma_wait3A_260 = arith.constant 0 : i32
        %dma_wait3A_261 = arith.constant 0 : i32
        %dma_wait3A_262 = tpu.memref_slice %arg2[%dma_wait3A_260, %dma_wait3A_261] : memref<10000x64xf32, #tpu.memory_space<hbm>> -> memref<128x64xf32, #tpu.memory_space<hbm>>
        %dma_wait3A_263 = arith.constant 0 : i32
        %dma_wait3A_264 = arith.constant 0 : i32
        %dma_wait3A_265 = tpu.memref_slice %arg2[%dma_wait3A_263, %dma_wait3A_264] : memref<10000x64xf32, #tpu.memory_space<hbm>> -> memref<128x64xf32, #tpu.memory_space<hbm>>
        tpu.wait_dma2 semaphore(%arg18 : memref<!tpu.dma_semaphore, #tpu.memory_space<semaphore_mem>>) src(%dma_wait3A_265 : memref<128x64xf32, #tpu.memory_space<hbm>>) dst(%arg10 : memref<128x64xf32, #tpu.memory_space<vmem>>)
        %dma_wait3A_266 = arith.constant 0 : i32
        %dma_wait3A_267 = arith.constant 0 : i32
        %dma_wait3A_268 = tpu.memref_slice %arg2[%dma_wait3A_266, %dma_wait3A_267] : memref<10000x64xf32, #tpu.memory_space<hbm>> -> memref<128x64xf32, #tpu.memory_space<hbm>>
        %dma_wait3A_269 = arith.constant 0 : i32
        %dma_wait3A_270 = arith.constant 0 : i32
        %dma_wait3A_271 = tpu.memref_slice %arg2[%dma_wait3A_269, %dma_wait3A_270] : memref<10000x64xf32, #tpu.memory_space<hbm>> -> memref<128x64xf32, #tpu.memory_space<hbm>>
        tpu.wait_dma2 semaphore(%arg18 : memref<!tpu.dma_semaphore, #tpu.memory_space<semaphore_mem>>) src(%dma_wait3A_271 : memref<128x64xf32, #tpu.memory_space<hbm>>) dst(%arg11 : memref<128x64xf32, #tpu.memory_space<vmem>>)
        %dma_wait3A_272 = arith.constant 0 : i32
        %dma_wait3A_273 = arith.constant 0 : i32
        %dma_wait3A_274 = tpu.memref_slice %arg2[%dma_wait3A_272, %dma_wait3A_273] : memref<10000x64xf32, #tpu.memory_space<hbm>> -> memref<128x64xf32, #tpu.memory_space<hbm>>
        %dma_wait3A_275 = arith.constant 0 : i32
        %dma_wait3A_276 = arith.constant 0 : i32
        %dma_wait3A_277 = tpu.memref_slice %arg2[%dma_wait3A_275, %dma_wait3A_276] : memref<10000x64xf32, #tpu.memory_space<hbm>> -> memref<128x64xf32, #tpu.memory_space<hbm>>
        tpu.wait_dma2 semaphore(%arg18 : memref<!tpu.dma_semaphore, #tpu.memory_space<semaphore_mem>>) src(%dma_wait3A_277 : memref<128x64xf32, #tpu.memory_space<hbm>>) dst(%arg12 : memref<128x64xf32, #tpu.memory_space<vmem>>)
        %add3A_278 = arith.constant 8 : i32
        %add3A_279 = arith.addi %mul3A_87, %add3A_278 : i32
        %add3A_280 = arith.constant 0 : i32
        %add3A_281 = arith.addi %add3A_279, %add3A_280 : i32
        %dma_start3A_282 = arith.constant 0 : i32
        %dma_start3A_283 = tpu.memref_slice %arg7[%add3A_281, %dma_start3A_282] : memref<80x128xi32, #tpu.memory_space<vmem>> -> memref<1x128xi32, #tpu.memory_space<vmem>>
        %dma_start3A_284 = tpu.memref_squeeze %dma_start3A_283 : memref<1x128xi32, #tpu.memory_space<vmem>> -> memref<128xi32, #tpu.memory_space<vmem>>
        %dma_start3A_285 = arith.constant 0 : i32
        %dma_start3A_286 = arith.constant 0 : i32
        %dma_start3A_287 = tpu.memref_slice %arg2[%dma_start3A_285, %dma_start3A_286] : memref<10000x64xf32, #tpu.memory_space<hbm>> -> memref<10000x64xf32, #tpu.memory_space<hbm>>
        tpu.enqueue_indirect_dma source(%dma_start3A_287 : memref<10000x64xf32, #tpu.memory_space<hbm>>) target(%arg9 : memref<128x64xf32, #tpu.memory_space<vmem>>) offsets(%dma_start3A_284 : memref<128xi32, #tpu.memory_space<vmem>>) semaphore(%arg17 : memref<!tpu.dma_semaphore, #tpu.memory_space<semaphore_mem>>)
        %add3A_288 = arith.constant 8 : i32
        %add3A_289 = arith.addi %mul3A_87, %add3A_288 : i32
        %add3A_290 = arith.constant 1 : i32
        %add3A_291 = arith.addi %add3A_289, %add3A_290 : i32
        %dma_start3A_292 = arith.constant 0 : i32
        %dma_start3A_293 = tpu.memref_slice %arg7[%add3A_291, %dma_start3A_292] : memref<80x128xi32, #tpu.memory_space<vmem>> -> memref<1x128xi32, #tpu.memory_space<vmem>>
        %dma_start3A_294 = tpu.memref_squeeze %dma_start3A_293 : memref<1x128xi32, #tpu.memory_space<vmem>> -> memref<128xi32, #tpu.memory_space<vmem>>
        %dma_start3A_295 = arith.constant 0 : i32
        %dma_start3A_296 = arith.constant 0 : i32
        %dma_start3A_297 = tpu.memref_slice %arg2[%dma_start3A_295, %dma_start3A_296] : memref<10000x64xf32, #tpu.memory_space<hbm>> -> memref<10000x64xf32, #tpu.memory_space<hbm>>
        tpu.enqueue_indirect_dma source(%dma_start3A_297 : memref<10000x64xf32, #tpu.memory_space<hbm>>) target(%arg10 : memref<128x64xf32, #tpu.memory_space<vmem>>) offsets(%dma_start3A_294 : memref<128xi32, #tpu.memory_space<vmem>>) semaphore(%arg17 : memref<!tpu.dma_semaphore, #tpu.memory_space<semaphore_mem>>)
        %add3A_298 = arith.constant 8 : i32
        %add3A_299 = arith.addi %mul3A_87, %add3A_298 : i32
        %add3A_300 = arith.constant 2 : i32
        %add3A_301 = arith.addi %add3A_299, %add3A_300 : i32
        %dma_start3A_302 = arith.constant 0 : i32
        %dma_start3A_303 = tpu.memref_slice %arg7[%add3A_301, %dma_start3A_302] : memref<80x128xi32, #tpu.memory_space<vmem>> -> memref<1x128xi32, #tpu.memory_space<vmem>>
        %dma_start3A_304 = tpu.memref_squeeze %dma_start3A_303 : memref<1x128xi32, #tpu.memory_space<vmem>> -> memref<128xi32, #tpu.memory_space<vmem>>
        %dma_start3A_305 = arith.constant 0 : i32
        %dma_start3A_306 = arith.constant 0 : i32
        %dma_start3A_307 = tpu.memref_slice %arg2[%dma_start3A_305, %dma_start3A_306] : memref<10000x64xf32, #tpu.memory_space<hbm>> -> memref<10000x64xf32, #tpu.memory_space<hbm>>
        tpu.enqueue_indirect_dma source(%dma_start3A_307 : memref<10000x64xf32, #tpu.memory_space<hbm>>) target(%arg11 : memref<128x64xf32, #tpu.memory_space<vmem>>) offsets(%dma_start3A_304 : memref<128xi32, #tpu.memory_space<vmem>>) semaphore(%arg17 : memref<!tpu.dma_semaphore, #tpu.memory_space<semaphore_mem>>)
        %add3A_308 = arith.constant 8 : i32
        %add3A_309 = arith.addi %mul3A_87, %add3A_308 : i32
        %add3A_310 = arith.constant 3 : i32
        %add3A_311 = arith.addi %add3A_309, %add3A_310 : i32
        %dma_start3A_312 = arith.constant 0 : i32
        %dma_start3A_313 = tpu.memref_slice %arg7[%add3A_311, %dma_start3A_312] : memref<80x128xi32, #tpu.memory_space<vmem>> -> memref<1x128xi32, #tpu.memory_space<vmem>>
        %dma_start3A_314 = tpu.memref_squeeze %dma_start3A_313 : memref<1x128xi32, #tpu.memory_space<vmem>> -> memref<128xi32, #tpu.memory_space<vmem>>
        %dma_start3A_315 = arith.constant 0 : i32
        %dma_start3A_316 = arith.constant 0 : i32
        %dma_start3A_317 = tpu.memref_slice %arg2[%dma_start3A_315, %dma_start3A_316] : memref<10000x64xf32, #tpu.memory_space<hbm>> -> memref<10000x64xf32, #tpu.memory_space<hbm>>
        tpu.enqueue_indirect_dma source(%dma_start3A_317 : memref<10000x64xf32, #tpu.memory_space<hbm>>) target(%arg12 : memref<128x64xf32, #tpu.memory_space<vmem>>) offsets(%dma_start3A_314 : memref<128xi32, #tpu.memory_space<vmem>>) semaphore(%arg17 : memref<!tpu.dma_semaphore, #tpu.memory_space<semaphore_mem>>)
      } else {
      }
    }
    %scan3A_34 = arith.constant 10 : i32
    %dma_wait3A = arith.constant 0 : i32
    %dma_wait3A_35 = arith.constant 0 : i32
    %dma_wait3A_36 = tpu.memref_slice %arg2[%dma_wait3A, %dma_wait3A_35] : memref<10000x64xf32, #tpu.memory_space<hbm>> -> memref<128x64xf32, #tpu.memory_space<hbm>>
    %dma_wait3A_37 = arith.constant 0 : i32
    %dma_wait3A_38 = arith.constant 0 : i32
    %dma_wait3A_39 = tpu.memref_slice %arg2[%dma_wait3A_37, %dma_wait3A_38] : memref<10000x64xf32, #tpu.memory_space<hbm>> -> memref<128x64xf32, #tpu.memory_space<hbm>>
    tpu.wait_dma2 semaphore(%arg18 : memref<!tpu.dma_semaphore, #tpu.memory_space<semaphore_mem>>) src(%dma_wait3A_39 : memref<128x64xf32, #tpu.memory_space<hbm>>) dst(%arg9 : memref<128x64xf32, #tpu.memory_space<vmem>>)
    %dma_wait3A_40 = arith.constant 0 : i32
    %dma_wait3A_41 = arith.constant 0 : i32
    %dma_wait3A_42 = tpu.memref_slice %arg2[%dma_wait3A_40, %dma_wait3A_41] : memref<10000x64xf32, #tpu.memory_space<hbm>> -> memref<128x64xf32, #tpu.memory_space<hbm>>
    %dma_wait3A_43 = arith.constant 0 : i32
    %dma_wait3A_44 = arith.constant 0 : i32
    %dma_wait3A_45 = tpu.memref_slice %arg2[%dma_wait3A_43, %dma_wait3A_44] : memref<10000x64xf32, #tpu.memory_space<hbm>> -> memref<128x64xf32, #tpu.memory_space<hbm>>
    tpu.wait_dma2 semaphore(%arg18 : memref<!tpu.dma_semaphore, #tpu.memory_space<semaphore_mem>>) src(%dma_wait3A_45 : memref<128x64xf32, #tpu.memory_space<hbm>>) dst(%arg10 : memref<128x64xf32, #tpu.memory_space<vmem>>)
    %dma_wait3A_46 = arith.constant 0 : i32
    %dma_wait3A_47 = arith.constant 0 : i32
    %dma_wait3A_48 = tpu.memref_slice %arg2[%dma_wait3A_46, %dma_wait3A_47] : memref<10000x64xf32, #tpu.memory_space<hbm>> -> memref<128x64xf32, #tpu.memory_space<hbm>>
    %dma_wait3A_49 = arith.constant 0 : i32
    %dma_wait3A_50 = arith.constant 0 : i32
    %dma_wait3A_51 = tpu.memref_slice %arg2[%dma_wait3A_49, %dma_wait3A_50] : memref<10000x64xf32, #tpu.memory_space<hbm>> -> memref<128x64xf32, #tpu.memory_space<hbm>>
    tpu.wait_dma2 semaphore(%arg18 : memref<!tpu.dma_semaphore, #tpu.memory_space<semaphore_mem>>) src(%dma_wait3A_51 : memref<128x64xf32, #tpu.memory_space<hbm>>) dst(%arg11 : memref<128x64xf32, #tpu.memory_space<vmem>>)
    %dma_wait3A_52 = arith.constant 0 : i32
    %dma_wait3A_53 = arith.constant 0 : i32
    %dma_wait3A_54 = tpu.memref_slice %arg2[%dma_wait3A_52, %dma_wait3A_53] : memref<10000x64xf32, #tpu.memory_space<hbm>> -> memref<128x64xf32, #tpu.memory_space<hbm>>
    %dma_wait3A_55 = arith.constant 0 : i32
    %dma_wait3A_56 = arith.constant 0 : i32
    %dma_wait3A_57 = tpu.memref_slice %arg2[%dma_wait3A_55, %dma_wait3A_56] : memref<10000x64xf32, #tpu.memory_space<hbm>> -> memref<128x64xf32, #tpu.memory_space<hbm>>
    tpu.wait_dma2 semaphore(%arg18 : memref<!tpu.dma_semaphore, #tpu.memory_space<semaphore_mem>>) src(%dma_wait3A_57 : memref<128x64xf32, #tpu.memory_space<hbm>>) dst(%arg12 : memref<128x64xf32, #tpu.memory_space<vmem>>)
    %dma_wait3A_58 = arith.constant 0 : i32
    %dma_wait3A_59 = arith.constant 0 : i32
    %dma_wait3A_60 = tpu.memref_slice %arg2[%dma_wait3A_58, %dma_wait3A_59] : memref<10000x64xf32, #tpu.memory_space<hbm>> -> memref<128x64xf32, #tpu.memory_space<hbm>>
    %dma_wait3A_61 = arith.constant 0 : i32
    %dma_wait3A_62 = arith.constant 0 : i32
    %dma_wait3A_63 = tpu.memref_slice %arg2[%dma_wait3A_61, %dma_wait3A_62] : memref<10000x64xf32, #tpu.memory_space<hbm>> -> memref<128x64xf32, #tpu.memory_space<hbm>>
    tpu.wait_dma2 semaphore(%arg20 : memref<!tpu.dma_semaphore, #tpu.memory_space<semaphore_mem>>) src(%dma_wait3A_63 : memref<128x64xf32, #tpu.memory_space<hbm>>) dst(%arg13 : memref<128x64xf32, #tpu.memory_space<vmem>>)
    %dma_wait3A_64 = arith.constant 0 : i32
    %dma_wait3A_65 = arith.constant 0 : i32
    %dma_wait3A_66 = tpu.memref_slice %arg2[%dma_wait3A_64, %dma_wait3A_65] : memref<10000x64xf32, #tpu.memory_space<hbm>> -> memref<128x64xf32, #tpu.memory_space<hbm>>
    %dma_wait3A_67 = arith.constant 0 : i32
    %dma_wait3A_68 = arith.constant 0 : i32
    %dma_wait3A_69 = tpu.memref_slice %arg2[%dma_wait3A_67, %dma_wait3A_68] : memref<10000x64xf32, #tpu.memory_space<hbm>> -> memref<128x64xf32, #tpu.memory_space<hbm>>
    tpu.wait_dma2 semaphore(%arg20 : memref<!tpu.dma_semaphore, #tpu.memory_space<semaphore_mem>>) src(%dma_wait3A_69 : memref<128x64xf32, #tpu.memory_space<hbm>>) dst(%arg14 : memref<128x64xf32, #tpu.memory_space<vmem>>)
    %dma_wait3A_70 = arith.constant 0 : i32
    %dma_wait3A_71 = arith.constant 0 : i32
    %dma_wait3A_72 = tpu.memref_slice %arg2[%dma_wait3A_70, %dma_wait3A_71] : memref<10000x64xf32, #tpu.memory_space<hbm>> -> memref<128x64xf32, #tpu.memory_space<hbm>>
    %dma_wait3A_73 = arith.constant 0 : i32
    %dma_wait3A_74 = arith.constant 0 : i32
    %dma_wait3A_75 = tpu.memref_slice %arg2[%dma_wait3A_73, %dma_wait3A_74] : memref<10000x64xf32, #tpu.memory_space<hbm>> -> memref<128x64xf32, #tpu.memory_space<hbm>>
    tpu.wait_dma2 semaphore(%arg20 : memref<!tpu.dma_semaphore, #tpu.memory_space<semaphore_mem>>) src(%dma_wait3A_75 : memref<128x64xf32, #tpu.memory_space<hbm>>) dst(%arg15 : memref<128x64xf32, #tpu.memory_space<vmem>>)
    %dma_wait3A_76 = arith.constant 0 : i32
    %dma_wait3A_77 = arith.constant 0 : i32
    %dma_wait3A_78 = tpu.memref_slice %arg2[%dma_wait3A_76, %dma_wait3A_77] : memref<10000x64xf32, #tpu.memory_space<hbm>> -> memref<128x64xf32, #tpu.memory_space<hbm>>
    %dma_wait3A_79 = arith.constant 0 : i32
    %dma_wait3A_80 = arith.constant 0 : i32
    %dma_wait3A_81 = tpu.memref_slice %arg2[%dma_wait3A_79, %dma_wait3A_80] : memref<10000x64xf32, #tpu.memory_space<hbm>> -> memref<128x64xf32, #tpu.memory_space<hbm>>
    tpu.wait_dma2 semaphore(%arg20 : memref<!tpu.dma_semaphore, #tpu.memory_space<semaphore_mem>>) src(%dma_wait3A_81 : memref<128x64xf32, #tpu.memory_space<hbm>>) dst(%arg16 : memref<128x64xf32, #tpu.memory_space<vmem>>)
    %barrier3A_82 = arith.constant 0 : index
    tpu.barrier barrier_id(%barrier3A_82)
    "tpu.region"() ({
      %run_scoped3A = tpu.sem_alloc : memref<!tpu.dma_semaphore, #tpu.memory_space<semaphore_mem>>
      %dma_start3A_83 = arith.constant 0 : i32
      %dma_start3A_84 = tpu.memref_slice %arg6[%arg0, %mul3A_2, %dma_start3A_83] : memref<2x10240x64xf32, #tpu.memory_space<hbm>> -> memref<1x640x64xf32, #tpu.memory_space<hbm>>
      %dma_start3A_85 = tpu.memref_squeeze %dma_start3A_84 : memref<1x640x64xf32, #tpu.memory_space<hbm>> -> memref<640x64xf32, #tpu.memory_space<hbm>>
      %dma_start3A_86 = arith.constant 0 : i32
      %dma_start3A_87 = tpu.memref_slice %arg21[%mul3A_2, %dma_start3A_86] : memref<10240x64xf32, #tpu.memory_space<vmem_shared>> -> memref<640x64xf32, #tpu.memory_space<vmem_shared>>
      tpu.enqueue_dma source(%dma_start3A_87 : memref<640x64xf32, #tpu.memory_space<vmem_shared>>) target(%dma_start3A_85 : memref<640x64xf32, #tpu.memory_space<hbm>>) target_semaphore(%run_scoped3A : memref<!tpu.dma_semaphore, #tpu.memory_space<semaphore_mem>>)
      %dma_wait3A_88 = arith.constant 0 : i32
      %dma_wait3A_89 = tpu.memref_slice %arg6[%arg0, %mul3A_2, %dma_wait3A_88] : memref<2x10240x64xf32, #tpu.memory_space<hbm>> -> memref<1x640x64xf32, #tpu.memory_space<hbm>>
      %dma_wait3A_90 = tpu.memref_squeeze %dma_wait3A_89 : memref<1x640x64xf32, #tpu.memory_space<hbm>> -> memref<640x64xf32, #tpu.memory_space<hbm>>
      %dma_wait3A_91 = arith.constant 0 : i32
      %dma_wait3A_92 = tpu.memref_slice %arg21[%mul3A_2, %dma_wait3A_91] : memref<10240x64xf32, #tpu.memory_space<vmem_shared>> -> memref<640x64xf32, #tpu.memory_space<vmem_shared>>
      tpu.wait_dma2 semaphore(%run_scoped3A : memref<!tpu.dma_semaphore, #tpu.memory_space<semaphore_mem>>) src(%dma_wait3A_92 : memref<640x64xf32, #tpu.memory_space<vmem_shared>>) dst(%dma_wait3A_90 : memref<640x64xf32, #tpu.memory_space<hbm>>)
      tpu.yield
    }) : () -> ()
    return
  }
}

#map = affine_map<(d0, d1) -> (0, 0)>
#map1 = affine_map<(d0, d1) -> (0, 0, 0)>
module attributes {stable_mosaic.version = 14 : i64} {
  func.func @_sc_propagate(%arg0: i32, %arg1: i32, %arg2: memref<10000x64xf32, #tpu.memory_space<hbm>>, %arg3: memref<32x80x128xi32, #tpu.memory_space<hbm>>, %arg4: memref<32x80x128xi32, #tpu.memory_space<hbm>>, %arg5: memref<10240x64xf32, #tpu.memory_space<hbm>>, %arg6: memref<2x10240x64xf32, #tpu.memory_space<hbm>>, %arg7: memref<80x128xi32, #tpu.memory_space<vmem>>, %arg8: memref<80x128xi32, #tpu.memory_space<vmem>>, %arg9: memref<128x64xf32, #tpu.memory_space<vmem>>, %arg10: memref<128x64xf32, #tpu.memory_space<vmem>>, %arg11: memref<128x64xf32, #tpu.memory_space<vmem>>, %arg12: memref<128x64xf32, #tpu.memory_space<vmem>>, %arg13: memref<128x64xf32, #tpu.memory_space<vmem>>, %arg14: memref<128x64xf32, #tpu.memory_space<vmem>>, %arg15: memref<128x64xf32, #tpu.memory_space<vmem>>, %arg16: memref<128x64xf32, #tpu.memory_space<vmem>>, %arg17: memref<!tpu.dma_semaphore, #tpu.memory_space<semaphore_mem>>, %arg18: memref<!tpu.dma_semaphore, #tpu.memory_space<semaphore_mem>>, %arg19: memref<!tpu.dma_semaphore, #tpu.memory_space<semaphore_mem>>, %arg20: memref<!tpu.dma_semaphore, #tpu.memory_space<semaphore_mem>>, %arg21: memref<10240x64xf32, #tpu.memory_space<vmem_shared>>) attributes {dimension_semantics = [#tpu.dimension_semantics<core_parallel>, #tpu.dimension_semantics<subcore_parallel>], iteration_bounds = array<i64: 2, 16>, scalar_prefetch = 0 : i64, scratch_operands = 15 : i64, tpu.core_type = #tpu.core_type<sc_vector_subcore>, window_params = [{transform_indices = #map}, {transform_indices = #map1}, {transform_indices = #map1}, {transform_indices = #map}, {transform_indices = #map1}]} {
    %mul3A = arith.constant 2 : i32
    %mul3A_0 = arith.muli %arg1, %mul3A : i32
    %add3A = arith.addi %mul3A_0, %arg0 : i32
    %mul3A_1 = arith.constant 640 : i32
    %mul3A_2 = arith.muli %arg1, %mul3A_1 : i32
    "tpu.region"() ({
      %run_scoped3A = tpu.sem_alloc : memref<!tpu.dma_semaphore, #tpu.memory_space<semaphore_mem>>
      %dma_start3A_83 = arith.constant 0 : i32
      %dma_start3A_84 = arith.constant 0 : i32
      %dma_start3A_85 = tpu.memref_slice %arg3[%add3A, %dma_start3A_83, %dma_start3A_84] : memref<32x80x128xi32, #tpu.memory_space<hbm>> -> memref<1x80x128xi32, #tpu.memory_space<hbm>>
      %dma_start3A_86 = tpu.memref_squeeze %dma_start3A_85 : memref<1x80x128xi32, #tpu.memory_space<hbm>> -> memref<80x128xi32, #tpu.memory_space<hbm>>
      %dma_start3A_87 = arith.constant 0 : i32
      %dma_start3A_88 = arith.constant 0 : i32
      %dma_start3A_89 = tpu.memref_slice %arg3[%add3A, %dma_start3A_87, %dma_start3A_88] : memref<32x80x128xi32, #tpu.memory_space<hbm>> -> memref<1x80x128xi32, #tpu.memory_space<hbm>>
      %dma_start3A_90 = tpu.memref_squeeze %dma_start3A_89 : memref<1x80x128xi32, #tpu.memory_space<hbm>> -> memref<80x128xi32, #tpu.memory_space<hbm>>
      tpu.enqueue_dma source(%dma_start3A_90 : memref<80x128xi32, #tpu.memory_space<hbm>>) target(%arg7 : memref<80x128xi32, #tpu.memory_space<vmem>>) target_semaphore(%run_scoped3A : memref<!tpu.dma_semaphore, #tpu.memory_space<semaphore_mem>>)
      %dma_wait3A_91 = arith.constant 0 : i32
      %dma_wait3A_92 = arith.constant 0 : i32
      %dma_wait3A_93 = tpu.memref_slice %arg3[%add3A, %dma_wait3A_91, %dma_wait3A_92] : memref<32x80x128xi32, #tpu.memory_space<hbm>> -> memref<1x80x128xi32, #tpu.memory_space<hbm>>
      %dma_wait3A_94 = tpu.memref_squeeze %dma_wait3A_93 : memref<1x80x128xi32, #tpu.memory_space<hbm>> -> memref<80x128xi32, #tpu.memory_space<hbm>>
      %dma_wait3A_95 = arith.constant 0 : i32
      %dma_wait3A_96 = arith.constant 0 : i32
      %dma_wait3A_97 = tpu.memref_slice %arg3[%add3A, %dma_wait3A_95, %dma_wait3A_96] : memref<32x80x128xi32, #tpu.memory_space<hbm>> -> memref<1x80x128xi32, #tpu.memory_space<hbm>>
      %dma_wait3A_98 = tpu.memref_squeeze %dma_wait3A_97 : memref<1x80x128xi32, #tpu.memory_space<hbm>> -> memref<80x128xi32, #tpu.memory_space<hbm>>
      tpu.wait_dma2 semaphore(%run_scoped3A : memref<!tpu.dma_semaphore, #tpu.memory_space<semaphore_mem>>) src(%dma_wait3A_98 : memref<80x128xi32, #tpu.memory_space<hbm>>) dst(%arg7 : memref<80x128xi32, #tpu.memory_space<vmem>>)
      tpu.yield
    }) : () -> ()
    %dma_start3A = arith.constant 0 : i32
    %dma_start3A_3 = arith.constant 0 : i32
    %dma_start3A_4 = tpu.memref_slice %arg7[%dma_start3A, %dma_start3A_3] : memref<80x128xi32, #tpu.memory_space<vmem>> -> memref<1x128xi32, #tpu.memory_space<vmem>>
    %dma_start3A_5 = tpu.memref_squeeze %dma_start3A_4 : memref<1x128xi32, #tpu.memory_space<vmem>> -> memref<128xi32, #tpu.memory_space<vmem>>
    %dma_start3A_6 = arith.constant 0 : i32
    %dma_start3A_7 = arith.constant 0 : i32
    %dma_start3A_8 = tpu.memref_slice %arg2[%dma_start3A_6, %dma_start3A_7] : memref<10000x64xf32, #tpu.memory_space<hbm>> -> memref<10000x64xf32, #tpu.memory_space<hbm>>
    tpu.enqueue_indirect_dma source(%dma_start3A_8 : memref<10000x64xf32, #tpu.memory_space<hbm>>) target(%arg9 : memref<128x64xf32, #tpu.memory_space<vmem>>) offsets(%dma_start3A_5 : memref<128xi32, #tpu.memory_space<vmem>>) semaphore(%arg17 : memref<!tpu.dma_semaphore, #tpu.memory_space<semaphore_mem>>)
    %dma_start3A_9 = arith.constant 1 : i32
    %dma_start3A_10 = arith.constant 0 : i32
    %dma_start3A_11 = tpu.memref_slice %arg7[%dma_start3A_9, %dma_start3A_10] : memref<80x128xi32, #tpu.memory_space<vmem>> -> memref<1x128xi32, #tpu.memory_space<vmem>>
    %dma_start3A_12 = tpu.memref_squeeze %dma_start3A_11 : memref<1x128xi32, #tpu.memory_space<vmem>> -> memref<128xi32, #tpu.memory_space<vmem>>
    %dma_start3A_13 = arith.constant 0 : i32
    %dma_start3A_14 = arith.constant 0 : i32
    %dma_start3A_15 = tpu.memref_slice %arg2[%dma_start3A_13, %dma_start3A_14] : memref<10000x64xf32, #tpu.memory_space<hbm>> -> memref<10000x64xf32, #tpu.memory_space<hbm>>
    tpu.enqueue_indirect_dma source(%dma_start3A_15 : memref<10000x64xf32, #tpu.memory_space<hbm>>) target(%arg10 : memref<128x64xf32, #tpu.memory_space<vmem>>) offsets(%dma_start3A_12 : memref<128xi32, #tpu.memory_space<vmem>>) semaphore(%arg17 : memref<!tpu.dma_semaphore, #tpu.memory_space<semaphore_mem>>)
    %dma_start3A_16 = arith.constant 2 : i32
    %dma_start3A_17 = arith.constant 0 : i32
    %dma_start3A_18 = tpu.memref_slice %arg7[%dma_start3A_16, %dma_start3A_17] : memref<80x128xi32, #tpu.memory_space<vmem>> -> memref<1x128xi32, #tpu.memory_space<vmem>>
    %dma_start3A_19 = tpu.memref_squeeze %dma_start3A_18 : memref<1x128xi32, #tpu.memory_space<vmem>> -> memref<128xi32, #tpu.memory_space<vmem>>
    %dma_start3A_20 = arith.constant 0 : i32
    %dma_start3A_21 = arith.constant 0 : i32
    %dma_start3A_22 = tpu.memref_slice %arg2[%dma_start3A_20, %dma_start3A_21] : memref<10000x64xf32, #tpu.memory_space<hbm>> -> memref<10000x64xf32, #tpu.memory_space<hbm>>
    tpu.enqueue_indirect_dma source(%dma_start3A_22 : memref<10000x64xf32, #tpu.memory_space<hbm>>) target(%arg11 : memref<128x64xf32, #tpu.memory_space<vmem>>) offsets(%dma_start3A_19 : memref<128xi32, #tpu.memory_space<vmem>>) semaphore(%arg17 : memref<!tpu.dma_semaphore, #tpu.memory_space<semaphore_mem>>)
    %dma_start3A_23 = arith.constant 3 : i32
    %dma_start3A_24 = arith.constant 0 : i32
    %dma_start3A_25 = tpu.memref_slice %arg7[%dma_start3A_23, %dma_start3A_24] : memref<80x128xi32, #tpu.memory_space<vmem>> -> memref<1x128xi32, #tpu.memory_space<vmem>>
    %dma_start3A_26 = tpu.memref_squeeze %dma_start3A_25 : memref<1x128xi32, #tpu.memory_space<vmem>> -> memref<128xi32, #tpu.memory_space<vmem>>
    %dma_start3A_27 = arith.constant 0 : i32
    %dma_start3A_28 = arith.constant 0 : i32
    %dma_start3A_29 = tpu.memref_slice %arg2[%dma_start3A_27, %dma_start3A_28] : memref<10000x64xf32, #tpu.memory_space<hbm>> -> memref<10000x64xf32, #tpu.memory_space<hbm>>
    tpu.enqueue_indirect_dma source(%dma_start3A_29 : memref<10000x64xf32, #tpu.memory_space<hbm>>) target(%arg12 : memref<128x64xf32, #tpu.memory_space<vmem>>) offsets(%dma_start3A_26 : memref<128xi32, #tpu.memory_space<vmem>>) semaphore(%arg17 : memref<!tpu.dma_semaphore, #tpu.memory_space<semaphore_mem>>)
    "tpu.region"() ({
      %run_scoped3A = tpu.sem_alloc : memref<!tpu.dma_semaphore, #tpu.memory_space<semaphore_mem>>
      %dma_start3A_83 = arith.constant 0 : i32
      %dma_start3A_84 = tpu.memref_slice %arg21[%mul3A_2, %dma_start3A_83] : memref<10240x64xf32, #tpu.memory_space<vmem_shared>> -> memref<640x64xf32, #tpu.memory_space<vmem_shared>>
      %dma_start3A_85 = arith.constant 0 : i32
      %dma_start3A_86 = tpu.memref_slice %arg5[%mul3A_2, %dma_start3A_85] : memref<10240x64xf32, #tpu.memory_space<hbm>> -> memref<640x64xf32, #tpu.memory_space<hbm>>
      tpu.enqueue_dma source(%dma_start3A_86 : memref<640x64xf32, #tpu.memory_space<hbm>>) target(%dma_start3A_84 : memref<640x64xf32, #tpu.memory_space<vmem_shared>>) target_semaphore(%run_scoped3A : memref<!tpu.dma_semaphore, #tpu.memory_space<semaphore_mem>>)
      %dma_wait3A_87 = arith.constant 0 : i32
      %dma_wait3A_88 = tpu.memref_slice %arg21[%mul3A_2, %dma_wait3A_87] : memref<10240x64xf32, #tpu.memory_space<vmem_shared>> -> memref<640x64xf32, #tpu.memory_space<vmem_shared>>
      %dma_wait3A_89 = arith.constant 0 : i32
      %dma_wait3A_90 = tpu.memref_slice %arg5[%mul3A_2, %dma_wait3A_89] : memref<10240x64xf32, #tpu.memory_space<hbm>> -> memref<640x64xf32, #tpu.memory_space<hbm>>
      tpu.wait_dma2 semaphore(%run_scoped3A : memref<!tpu.dma_semaphore, #tpu.memory_space<semaphore_mem>>) src(%dma_wait3A_90 : memref<640x64xf32, #tpu.memory_space<hbm>>) dst(%dma_wait3A_88 : memref<640x64xf32, #tpu.memory_space<vmem_shared>>)
      tpu.yield
    }) : () -> ()
    "tpu.region"() ({
      %run_scoped3A = tpu.sem_alloc : memref<!tpu.dma_semaphore, #tpu.memory_space<semaphore_mem>>
      %dma_start3A_83 = arith.constant 0 : i32
      %dma_start3A_84 = arith.constant 0 : i32
      %dma_start3A_85 = tpu.memref_slice %arg4[%add3A, %dma_start3A_83, %dma_start3A_84] : memref<32x80x128xi32, #tpu.memory_space<hbm>> -> memref<1x80x128xi32, #tpu.memory_space<hbm>>
      %dma_start3A_86 = tpu.memref_squeeze %dma_start3A_85 : memref<1x80x128xi32, #tpu.memory_space<hbm>> -> memref<80x128xi32, #tpu.memory_space<hbm>>
      %dma_start3A_87 = arith.constant 0 : i32
      %dma_start3A_88 = arith.constant 0 : i32
      %dma_start3A_89 = tpu.memref_slice %arg4[%add3A, %dma_start3A_87, %dma_start3A_88] : memref<32x80x128xi32, #tpu.memory_space<hbm>> -> memref<1x80x128xi32, #tpu.memory_space<hbm>>
      %dma_start3A_90 = tpu.memref_squeeze %dma_start3A_89 : memref<1x80x128xi32, #tpu.memory_space<hbm>> -> memref<80x128xi32, #tpu.memory_space<hbm>>
      tpu.enqueue_dma source(%dma_start3A_90 : memref<80x128xi32, #tpu.memory_space<hbm>>) target(%arg8 : memref<80x128xi32, #tpu.memory_space<vmem>>) target_semaphore(%run_scoped3A : memref<!tpu.dma_semaphore, #tpu.memory_space<semaphore_mem>>)
      %dma_wait3A_91 = arith.constant 0 : i32
      %dma_wait3A_92 = arith.constant 0 : i32
      %dma_wait3A_93 = tpu.memref_slice %arg4[%add3A, %dma_wait3A_91, %dma_wait3A_92] : memref<32x80x128xi32, #tpu.memory_space<hbm>> -> memref<1x80x128xi32, #tpu.memory_space<hbm>>
      %dma_wait3A_94 = tpu.memref_squeeze %dma_wait3A_93 : memref<1x80x128xi32, #tpu.memory_space<hbm>> -> memref<80x128xi32, #tpu.memory_space<hbm>>
      %dma_wait3A_95 = arith.constant 0 : i32
      %dma_wait3A_96 = arith.constant 0 : i32
      %dma_wait3A_97 = tpu.memref_slice %arg4[%add3A, %dma_wait3A_95, %dma_wait3A_96] : memref<32x80x128xi32, #tpu.memory_space<hbm>> -> memref<1x80x128xi32, #tpu.memory_space<hbm>>
      %dma_wait3A_98 = tpu.memref_squeeze %dma_wait3A_97 : memref<1x80x128xi32, #tpu.memory_space<hbm>> -> memref<80x128xi32, #tpu.memory_space<hbm>>
      tpu.wait_dma2 semaphore(%run_scoped3A : memref<!tpu.dma_semaphore, #tpu.memory_space<semaphore_mem>>) src(%dma_wait3A_98 : memref<80x128xi32, #tpu.memory_space<hbm>>) dst(%arg8 : memref<80x128xi32, #tpu.memory_space<vmem>>)
      tpu.yield
    }) : () -> ()
    %barrier3A = arith.constant 0 : index
    tpu.barrier barrier_id(%barrier3A)
    %scan3A = arith.constant 0 : i32
    %scan3A_30 = arith.constant 0 : i32
    %scan3A_31 = arith.constant 10 : i32
    %scan3A_32 = arith.addi %scan3A_30, %scan3A_31 : i32
    %scan3A_33 = arith.constant 1 : i32
    scf.for %scan3A_83 = %scan3A_30 to %scan3A_32 step %scan3A_33  : i32 {
      %mul3A_84 = arith.constant 2 : i32
      %mul3A_85 = arith.muli %scan3A_83, %mul3A_84 : i32
      %mul3A_86 = arith.constant 4 : i32
      %mul3A_87 = arith.muli %mul3A_85, %mul3A_86 : i32
      %dma_wait3A_88 = arith.constant 0 : i32
      %dma_wait3A_89 = arith.constant 0 : i32
      %dma_wait3A_90 = tpu.memref_slice %arg2[%dma_wait3A_88, %dma_wait3A_89] : memref<10000x64xf32, #tpu.memory_space<hbm>> -> memref<128x64xf32, #tpu.memory_space<hbm>>
      %dma_wait3A_91 = arith.constant 0 : i32
      %dma_wait3A_92 = arith.constant 0 : i32
      %dma_wait3A_93 = tpu.memref_slice %arg2[%dma_wait3A_91, %dma_wait3A_92] : memref<10000x64xf32, #tpu.memory_space<hbm>> -> memref<128x64xf32, #tpu.memory_space<hbm>>
      tpu.wait_dma2 semaphore(%arg17 : memref<!tpu.dma_semaphore, #tpu.memory_space<semaphore_mem>>) src(%dma_wait3A_93 : memref<128x64xf32, #tpu.memory_space<hbm>>) dst(%arg9 : memref<128x64xf32, #tpu.memory_space<vmem>>)
      %dma_wait3A_94 = arith.constant 0 : i32
      %dma_wait3A_95 = arith.constant 0 : i32
      %dma_wait3A_96 = tpu.memref_slice %arg2[%dma_wait3A_94, %dma_wait3A_95] : memref<10000x64xf32, #tpu.memory_space<hbm>> -> memref<128x64xf32, #tpu.memory_space<hbm>>
      %dma_wait3A_97 = arith.constant 0 : i32
      %dma_wait3A_98 = arith.constant 0 : i32
      %dma_wait3A_99 = tpu.memref_slice %arg2[%dma_wait3A_97, %dma_wait3A_98] : memref<10000x64xf32, #tpu.memory_space<hbm>> -> memref<128x64xf32, #tpu.memory_space<hbm>>
      tpu.wait_dma2 semaphore(%arg17 : memref<!tpu.dma_semaphore, #tpu.memory_space<semaphore_mem>>) src(%dma_wait3A_99 : memref<128x64xf32, #tpu.memory_space<hbm>>) dst(%arg10 : memref<128x64xf32, #tpu.memory_space<vmem>>)
      %dma_wait3A_100 = arith.constant 0 : i32
      %dma_wait3A_101 = arith.constant 0 : i32
      %dma_wait3A_102 = tpu.memref_slice %arg2[%dma_wait3A_100, %dma_wait3A_101] : memref<10000x64xf32, #tpu.memory_space<hbm>> -> memref<128x64xf32, #tpu.memory_space<hbm>>
      %dma_wait3A_103 = arith.constant 0 : i32
      %dma_wait3A_104 = arith.constant 0 : i32
      %dma_wait3A_105 = tpu.memref_slice %arg2[%dma_wait3A_103, %dma_wait3A_104] : memref<10000x64xf32, #tpu.memory_space<hbm>> -> memref<128x64xf32, #tpu.memory_space<hbm>>
      tpu.wait_dma2 semaphore(%arg17 : memref<!tpu.dma_semaphore, #tpu.memory_space<semaphore_mem>>) src(%dma_wait3A_105 : memref<128x64xf32, #tpu.memory_space<hbm>>) dst(%arg11 : memref<128x64xf32, #tpu.memory_space<vmem>>)
      %dma_wait3A_106 = arith.constant 0 : i32
      %dma_wait3A_107 = arith.constant 0 : i32
      %dma_wait3A_108 = tpu.memref_slice %arg2[%dma_wait3A_106, %dma_wait3A_107] : memref<10000x64xf32, #tpu.memory_space<hbm>> -> memref<128x64xf32, #tpu.memory_space<hbm>>
      %dma_wait3A_109 = arith.constant 0 : i32
      %dma_wait3A_110 = arith.constant 0 : i32
      %dma_wait3A_111 = tpu.memref_slice %arg2[%dma_wait3A_109, %dma_wait3A_110] : memref<10000x64xf32, #tpu.memory_space<hbm>> -> memref<128x64xf32, #tpu.memory_space<hbm>>
      tpu.wait_dma2 semaphore(%arg17 : memref<!tpu.dma_semaphore, #tpu.memory_space<semaphore_mem>>) src(%dma_wait3A_111 : memref<128x64xf32, #tpu.memory_space<hbm>>) dst(%arg12 : memref<128x64xf32, #tpu.memory_space<vmem>>)
      %add3A_112 = arith.constant 0 : i32
      %add3A_113 = arith.addi %mul3A_87, %add3A_112 : i32
      %dma_start3A_114 = arith.constant 0 : i32
      %dma_start3A_115 = tpu.memref_slice %arg8[%add3A_113, %dma_start3A_114] : memref<80x128xi32, #tpu.memory_space<vmem>> -> memref<1x128xi32, #tpu.memory_space<vmem>>
      %dma_start3A_116 = tpu.memref_squeeze %dma_start3A_115 : memref<1x128xi32, #tpu.memory_space<vmem>> -> memref<128xi32, #tpu.memory_space<vmem>>
      %dma_start3A_117 = arith.constant 0 : i32
      %dma_start3A_118 = arith.constant 0 : i32
      %dma_start3A_119 = tpu.memref_slice %arg21[%dma_start3A_117, %dma_start3A_118] : memref<10240x64xf32, #tpu.memory_space<vmem_shared>> -> memref<10240x64xf32, #tpu.memory_space<vmem_shared>>
      tpu.enqueue_indirect_dma source(%arg9 : memref<128x64xf32, #tpu.memory_space<vmem>>) target(%dma_start3A_119 : memref<10240x64xf32, #tpu.memory_space<vmem_shared>>) offsets(%dma_start3A_116 : memref<128xi32, #tpu.memory_space<vmem>>) semaphore(%arg18 : memref<!tpu.dma_semaphore, #tpu.memory_space<semaphore_mem>>) {add = true}
      %add3A_120 = arith.constant 1 : i32
      %add3A_121 = arith.addi %mul3A_87, %add3A_120 : i32
      %dma_start3A_122 = arith.constant 0 : i32
      %dma_start3A_123 = tpu.memref_slice %arg8[%add3A_121, %dma_start3A_122] : memref<80x128xi32, #tpu.memory_space<vmem>> -> memref<1x128xi32, #tpu.memory_space<vmem>>
      %dma_start3A_124 = tpu.memref_squeeze %dma_start3A_123 : memref<1x128xi32, #tpu.memory_space<vmem>> -> memref<128xi32, #tpu.memory_space<vmem>>
      %dma_start3A_125 = arith.constant 0 : i32
      %dma_start3A_126 = arith.constant 0 : i32
      %dma_start3A_127 = tpu.memref_slice %arg21[%dma_start3A_125, %dma_start3A_126] : memref<10240x64xf32, #tpu.memory_space<vmem_shared>> -> memref<10240x64xf32, #tpu.memory_space<vmem_shared>>
      tpu.enqueue_indirect_dma source(%arg10 : memref<128x64xf32, #tpu.memory_space<vmem>>) target(%dma_start3A_127 : memref<10240x64xf32, #tpu.memory_space<vmem_shared>>) offsets(%dma_start3A_124 : memref<128xi32, #tpu.memory_space<vmem>>) semaphore(%arg18 : memref<!tpu.dma_semaphore, #tpu.memory_space<semaphore_mem>>) {add = true}
      %add3A_128 = arith.constant 2 : i32
      %add3A_129 = arith.addi %mul3A_87, %add3A_128 : i32
      %dma_start3A_130 = arith.constant 0 : i32
      %dma_start3A_131 = tpu.memref_slice %arg8[%add3A_129, %dma_start3A_130] : memref<80x128xi32, #tpu.memory_space<vmem>> -> memref<1x128xi32, #tpu.memory_space<vmem>>
      %dma_start3A_132 = tpu.memref_squeeze %dma_start3A_131 : memref<1x128xi32, #tpu.memory_space<vmem>> -> memref<128xi32, #tpu.memory_space<vmem>>
      %dma_start3A_133 = arith.constant 0 : i32
      %dma_start3A_134 = arith.constant 0 : i32
      %dma_start3A_135 = tpu.memref_slice %arg21[%dma_start3A_133, %dma_start3A_134] : memref<10240x64xf32, #tpu.memory_space<vmem_shared>> -> memref<10240x64xf32, #tpu.memory_space<vmem_shared>>
      tpu.enqueue_indirect_dma source(%arg11 : memref<128x64xf32, #tpu.memory_space<vmem>>) target(%dma_start3A_135 : memref<10240x64xf32, #tpu.memory_space<vmem_shared>>) offsets(%dma_start3A_132 : memref<128xi32, #tpu.memory_space<vmem>>) semaphore(%arg18 : memref<!tpu.dma_semaphore, #tpu.memory_space<semaphore_mem>>) {add = true}
      %add3A_136 = arith.constant 3 : i32
      %add3A_137 = arith.addi %mul3A_87, %add3A_136 : i32
      %dma_start3A_138 = arith.constant 0 : i32
      %dma_start3A_139 = tpu.memref_slice %arg8[%add3A_137, %dma_start3A_138] : memref<80x128xi32, #tpu.memory_space<vmem>> -> memref<1x128xi32, #tpu.memory_space<vmem>>
      %dma_start3A_140 = tpu.memref_squeeze %dma_start3A_139 : memref<1x128xi32, #tpu.memory_space<vmem>> -> memref<128xi32, #tpu.memory_space<vmem>>
      %dma_start3A_141 = arith.constant 0 : i32
      %dma_start3A_142 = arith.constant 0 : i32
      %dma_start3A_143 = tpu.memref_slice %arg21[%dma_start3A_141, %dma_start3A_142] : memref<10240x64xf32, #tpu.memory_space<vmem_shared>> -> memref<10240x64xf32, #tpu.memory_space<vmem_shared>>
      tpu.enqueue_indirect_dma source(%arg12 : memref<128x64xf32, #tpu.memory_space<vmem>>) target(%dma_start3A_143 : memref<10240x64xf32, #tpu.memory_space<vmem_shared>>) offsets(%dma_start3A_140 : memref<128xi32, #tpu.memory_space<vmem>>) semaphore(%arg18 : memref<!tpu.dma_semaphore, #tpu.memory_space<semaphore_mem>>) {add = true}
      %gt3A = arith.constant 0 : i32
      %gt3A_144 = arith.cmpi sgt, %scan3A_83, %gt3A : i32
      %convert_element_type3A = arith.extui %gt3A_144 : i1 to i32
      %cond3A = arith.constant 0 : i32
      %cond3A_145 = arith.cmpi ne, %convert_element_type3A, %cond3A : i32
      scf.if %cond3A_145 {
        %dma_wait3A_254 = arith.constant 0 : i32
        %dma_wait3A_255 = arith.constant 0 : i32
        %dma_wait3A_256 = tpu.memref_slice %arg2[%dma_wait3A_254, %dma_wait3A_255] : memref<10000x64xf32, #tpu.memory_space<hbm>> -> memref<128x64xf32, #tpu.memory_space<hbm>>
        %dma_wait3A_257 = arith.constant 0 : i32
        %dma_wait3A_258 = arith.constant 0 : i32
        %dma_wait3A_259 = tpu.memref_slice %arg2[%dma_wait3A_257, %dma_wait3A_258] : memref<10000x64xf32, #tpu.memory_space<hbm>> -> memref<128x64xf32, #tpu.memory_space<hbm>>
        tpu.wait_dma2 semaphore(%arg20 : memref<!tpu.dma_semaphore, #tpu.memory_space<semaphore_mem>>) src(%dma_wait3A_259 : memref<128x64xf32, #tpu.memory_space<hbm>>) dst(%arg13 : memref<128x64xf32, #tpu.memory_space<vmem>>)
        %dma_wait3A_260 = arith.constant 0 : i32
        %dma_wait3A_261 = arith.constant 0 : i32
        %dma_wait3A_262 = tpu.memref_slice %arg2[%dma_wait3A_260, %dma_wait3A_261] : memref<10000x64xf32, #tpu.memory_space<hbm>> -> memref<128x64xf32, #tpu.memory_space<hbm>>
        %dma_wait3A_263 = arith.constant 0 : i32
        %dma_wait3A_264 = arith.constant 0 : i32
        %dma_wait3A_265 = tpu.memref_slice %arg2[%dma_wait3A_263, %dma_wait3A_264] : memref<10000x64xf32, #tpu.memory_space<hbm>> -> memref<128x64xf32, #tpu.memory_space<hbm>>
        tpu.wait_dma2 semaphore(%arg20 : memref<!tpu.dma_semaphore, #tpu.memory_space<semaphore_mem>>) src(%dma_wait3A_265 : memref<128x64xf32, #tpu.memory_space<hbm>>) dst(%arg14 : memref<128x64xf32, #tpu.memory_space<vmem>>)
        %dma_wait3A_266 = arith.constant 0 : i32
        %dma_wait3A_267 = arith.constant 0 : i32
        %dma_wait3A_268 = tpu.memref_slice %arg2[%dma_wait3A_266, %dma_wait3A_267] : memref<10000x64xf32, #tpu.memory_space<hbm>> -> memref<128x64xf32, #tpu.memory_space<hbm>>
        %dma_wait3A_269 = arith.constant 0 : i32
        %dma_wait3A_270 = arith.constant 0 : i32
        %dma_wait3A_271 = tpu.memref_slice %arg2[%dma_wait3A_269, %dma_wait3A_270] : memref<10000x64xf32, #tpu.memory_space<hbm>> -> memref<128x64xf32, #tpu.memory_space<hbm>>
        tpu.wait_dma2 semaphore(%arg20 : memref<!tpu.dma_semaphore, #tpu.memory_space<semaphore_mem>>) src(%dma_wait3A_271 : memref<128x64xf32, #tpu.memory_space<hbm>>) dst(%arg15 : memref<128x64xf32, #tpu.memory_space<vmem>>)
        %dma_wait3A_272 = arith.constant 0 : i32
        %dma_wait3A_273 = arith.constant 0 : i32
        %dma_wait3A_274 = tpu.memref_slice %arg2[%dma_wait3A_272, %dma_wait3A_273] : memref<10000x64xf32, #tpu.memory_space<hbm>> -> memref<128x64xf32, #tpu.memory_space<hbm>>
        %dma_wait3A_275 = arith.constant 0 : i32
        %dma_wait3A_276 = arith.constant 0 : i32
        %dma_wait3A_277 = tpu.memref_slice %arg2[%dma_wait3A_275, %dma_wait3A_276] : memref<10000x64xf32, #tpu.memory_space<hbm>> -> memref<128x64xf32, #tpu.memory_space<hbm>>
        tpu.wait_dma2 semaphore(%arg20 : memref<!tpu.dma_semaphore, #tpu.memory_space<semaphore_mem>>) src(%dma_wait3A_277 : memref<128x64xf32, #tpu.memory_space<hbm>>) dst(%arg16 : memref<128x64xf32, #tpu.memory_space<vmem>>)
      } else {
      }
      %add3A_146 = arith.constant 4 : i32
      %add3A_147 = arith.addi %mul3A_87, %add3A_146 : i32
      %add3A_148 = arith.constant 0 : i32
      %add3A_149 = arith.addi %add3A_147, %add3A_148 : i32
      %dma_start3A_150 = arith.constant 0 : i32
      %dma_start3A_151 = tpu.memref_slice %arg7[%add3A_149, %dma_start3A_150] : memref<80x128xi32, #tpu.memory_space<vmem>> -> memref<1x128xi32, #tpu.memory_space<vmem>>
      %dma_start3A_152 = tpu.memref_squeeze %dma_start3A_151 : memref<1x128xi32, #tpu.memory_space<vmem>> -> memref<128xi32, #tpu.memory_space<vmem>>
      %dma_start3A_153 = arith.constant 0 : i32
      %dma_start3A_154 = arith.constant 0 : i32
      %dma_start3A_155 = tpu.memref_slice %arg2[%dma_start3A_153, %dma_start3A_154] : memref<10000x64xf32, #tpu.memory_space<hbm>> -> memref<10000x64xf32, #tpu.memory_space<hbm>>
      tpu.enqueue_indirect_dma source(%dma_start3A_155 : memref<10000x64xf32, #tpu.memory_space<hbm>>) target(%arg13 : memref<128x64xf32, #tpu.memory_space<vmem>>) offsets(%dma_start3A_152 : memref<128xi32, #tpu.memory_space<vmem>>) semaphore(%arg19 : memref<!tpu.dma_semaphore, #tpu.memory_space<semaphore_mem>>)
      %add3A_156 = arith.constant 4 : i32
      %add3A_157 = arith.addi %mul3A_87, %add3A_156 : i32
      %add3A_158 = arith.constant 1 : i32
      %add3A_159 = arith.addi %add3A_157, %add3A_158 : i32
      %dma_start3A_160 = arith.constant 0 : i32
      %dma_start3A_161 = tpu.memref_slice %arg7[%add3A_159, %dma_start3A_160] : memref<80x128xi32, #tpu.memory_space<vmem>> -> memref<1x128xi32, #tpu.memory_space<vmem>>
      %dma_start3A_162 = tpu.memref_squeeze %dma_start3A_161 : memref<1x128xi32, #tpu.memory_space<vmem>> -> memref<128xi32, #tpu.memory_space<vmem>>
      %dma_start3A_163 = arith.constant 0 : i32
      %dma_start3A_164 = arith.constant 0 : i32
      %dma_start3A_165 = tpu.memref_slice %arg2[%dma_start3A_163, %dma_start3A_164] : memref<10000x64xf32, #tpu.memory_space<hbm>> -> memref<10000x64xf32, #tpu.memory_space<hbm>>
      tpu.enqueue_indirect_dma source(%dma_start3A_165 : memref<10000x64xf32, #tpu.memory_space<hbm>>) target(%arg14 : memref<128x64xf32, #tpu.memory_space<vmem>>) offsets(%dma_start3A_162 : memref<128xi32, #tpu.memory_space<vmem>>) semaphore(%arg19 : memref<!tpu.dma_semaphore, #tpu.memory_space<semaphore_mem>>)
      %add3A_166 = arith.constant 4 : i32
      %add3A_167 = arith.addi %mul3A_87, %add3A_166 : i32
      %add3A_168 = arith.constant 2 : i32
      %add3A_169 = arith.addi %add3A_167, %add3A_168 : i32
      %dma_start3A_170 = arith.constant 0 : i32
      %dma_start3A_171 = tpu.memref_slice %arg7[%add3A_169, %dma_start3A_170] : memref<80x128xi32, #tpu.memory_space<vmem>> -> memref<1x128xi32, #tpu.memory_space<vmem>>
      %dma_start3A_172 = tpu.memref_squeeze %dma_start3A_171 : memref<1x128xi32, #tpu.memory_space<vmem>> -> memref<128xi32, #tpu.memory_space<vmem>>
      %dma_start3A_173 = arith.constant 0 : i32
      %dma_start3A_174 = arith.constant 0 : i32
      %dma_start3A_175 = tpu.memref_slice %arg2[%dma_start3A_173, %dma_start3A_174] : memref<10000x64xf32, #tpu.memory_space<hbm>> -> memref<10000x64xf32, #tpu.memory_space<hbm>>
      tpu.enqueue_indirect_dma source(%dma_start3A_175 : memref<10000x64xf32, #tpu.memory_space<hbm>>) target(%arg15 : memref<128x64xf32, #tpu.memory_space<vmem>>) offsets(%dma_start3A_172 : memref<128xi32, #tpu.memory_space<vmem>>) semaphore(%arg19 : memref<!tpu.dma_semaphore, #tpu.memory_space<semaphore_mem>>)
      %add3A_176 = arith.constant 4 : i32
      %add3A_177 = arith.addi %mul3A_87, %add3A_176 : i32
      %add3A_178 = arith.constant 3 : i32
      %add3A_179 = arith.addi %add3A_177, %add3A_178 : i32
      %dma_start3A_180 = arith.constant 0 : i32
      %dma_start3A_181 = tpu.memref_slice %arg7[%add3A_179, %dma_start3A_180] : memref<80x128xi32, #tpu.memory_space<vmem>> -> memref<1x128xi32, #tpu.memory_space<vmem>>
      %dma_start3A_182 = tpu.memref_squeeze %dma_start3A_181 : memref<1x128xi32, #tpu.memory_space<vmem>> -> memref<128xi32, #tpu.memory_space<vmem>>
      %dma_start3A_183 = arith.constant 0 : i32
      %dma_start3A_184 = arith.constant 0 : i32
      %dma_start3A_185 = tpu.memref_slice %arg2[%dma_start3A_183, %dma_start3A_184] : memref<10000x64xf32, #tpu.memory_space<hbm>> -> memref<10000x64xf32, #tpu.memory_space<hbm>>
      tpu.enqueue_indirect_dma source(%dma_start3A_185 : memref<10000x64xf32, #tpu.memory_space<hbm>>) target(%arg16 : memref<128x64xf32, #tpu.memory_space<vmem>>) offsets(%dma_start3A_182 : memref<128xi32, #tpu.memory_space<vmem>>) semaphore(%arg19 : memref<!tpu.dma_semaphore, #tpu.memory_space<semaphore_mem>>)
      %dma_wait3A_186 = arith.constant 0 : i32
      %dma_wait3A_187 = arith.constant 0 : i32
      %dma_wait3A_188 = tpu.memref_slice %arg2[%dma_wait3A_186, %dma_wait3A_187] : memref<10000x64xf32, #tpu.memory_space<hbm>> -> memref<128x64xf32, #tpu.memory_space<hbm>>
      %dma_wait3A_189 = arith.constant 0 : i32
      %dma_wait3A_190 = arith.constant 0 : i32
      %dma_wait3A_191 = tpu.memref_slice %arg2[%dma_wait3A_189, %dma_wait3A_190] : memref<10000x64xf32, #tpu.memory_space<hbm>> -> memref<128x64xf32, #tpu.memory_space<hbm>>
      tpu.wait_dma2 semaphore(%arg19 : memref<!tpu.dma_semaphore, #tpu.memory_space<semaphore_mem>>) src(%dma_wait3A_191 : memref<128x64xf32, #tpu.memory_space<hbm>>) dst(%arg13 : memref<128x64xf32, #tpu.memory_space<vmem>>)
      %dma_wait3A_192 = arith.constant 0 : i32
      %dma_wait3A_193 = arith.constant 0 : i32
      %dma_wait3A_194 = tpu.memref_slice %arg2[%dma_wait3A_192, %dma_wait3A_193] : memref<10000x64xf32, #tpu.memory_space<hbm>> -> memref<128x64xf32, #tpu.memory_space<hbm>>
      %dma_wait3A_195 = arith.constant 0 : i32
      %dma_wait3A_196 = arith.constant 0 : i32
      %dma_wait3A_197 = tpu.memref_slice %arg2[%dma_wait3A_195, %dma_wait3A_196] : memref<10000x64xf32, #tpu.memory_space<hbm>> -> memref<128x64xf32, #tpu.memory_space<hbm>>
      tpu.wait_dma2 semaphore(%arg19 : memref<!tpu.dma_semaphore, #tpu.memory_space<semaphore_mem>>) src(%dma_wait3A_197 : memref<128x64xf32, #tpu.memory_space<hbm>>) dst(%arg14 : memref<128x64xf32, #tpu.memory_space<vmem>>)
      %dma_wait3A_198 = arith.constant 0 : i32
      %dma_wait3A_199 = arith.constant 0 : i32
      %dma_wait3A_200 = tpu.memref_slice %arg2[%dma_wait3A_198, %dma_wait3A_199] : memref<10000x64xf32, #tpu.memory_space<hbm>> -> memref<128x64xf32, #tpu.memory_space<hbm>>
      %dma_wait3A_201 = arith.constant 0 : i32
      %dma_wait3A_202 = arith.constant 0 : i32
      %dma_wait3A_203 = tpu.memref_slice %arg2[%dma_wait3A_201, %dma_wait3A_202] : memref<10000x64xf32, #tpu.memory_space<hbm>> -> memref<128x64xf32, #tpu.memory_space<hbm>>
      tpu.wait_dma2 semaphore(%arg19 : memref<!tpu.dma_semaphore, #tpu.memory_space<semaphore_mem>>) src(%dma_wait3A_203 : memref<128x64xf32, #tpu.memory_space<hbm>>) dst(%arg15 : memref<128x64xf32, #tpu.memory_space<vmem>>)
      %dma_wait3A_204 = arith.constant 0 : i32
      %dma_wait3A_205 = arith.constant 0 : i32
      %dma_wait3A_206 = tpu.memref_slice %arg2[%dma_wait3A_204, %dma_wait3A_205] : memref<10000x64xf32, #tpu.memory_space<hbm>> -> memref<128x64xf32, #tpu.memory_space<hbm>>
      %dma_wait3A_207 = arith.constant 0 : i32
      %dma_wait3A_208 = arith.constant 0 : i32
      %dma_wait3A_209 = tpu.memref_slice %arg2[%dma_wait3A_207, %dma_wait3A_208] : memref<10000x64xf32, #tpu.memory_space<hbm>> -> memref<128x64xf32, #tpu.memory_space<hbm>>
      tpu.wait_dma2 semaphore(%arg19 : memref<!tpu.dma_semaphore, #tpu.memory_space<semaphore_mem>>) src(%dma_wait3A_209 : memref<128x64xf32, #tpu.memory_space<hbm>>) dst(%arg16 : memref<128x64xf32, #tpu.memory_space<vmem>>)
      %add3A_210 = arith.constant 4 : i32
      %add3A_211 = arith.addi %mul3A_87, %add3A_210 : i32
      %add3A_212 = arith.constant 0 : i32
      %add3A_213 = arith.addi %add3A_211, %add3A_212 : i32
      %dma_start3A_214 = arith.constant 0 : i32
      %dma_start3A_215 = tpu.memref_slice %arg8[%add3A_213, %dma_start3A_214] : memref<80x128xi32, #tpu.memory_space<vmem>> -> memref<1x128xi32, #tpu.memory_space<vmem>>
      %dma_start3A_216 = tpu.memref_squeeze %dma_start3A_215 : memref<1x128xi32, #tpu.memory_space<vmem>> -> memref<128xi32, #tpu.memory_space<vmem>>
      %dma_start3A_217 = arith.constant 0 : i32
      %dma_start3A_218 = arith.constant 0 : i32
      %dma_start3A_219 = tpu.memref_slice %arg21[%dma_start3A_217, %dma_start3A_218] : memref<10240x64xf32, #tpu.memory_space<vmem_shared>> -> memref<10240x64xf32, #tpu.memory_space<vmem_shared>>
      tpu.enqueue_indirect_dma source(%arg13 : memref<128x64xf32, #tpu.memory_space<vmem>>) target(%dma_start3A_219 : memref<10240x64xf32, #tpu.memory_space<vmem_shared>>) offsets(%dma_start3A_216 : memref<128xi32, #tpu.memory_space<vmem>>) semaphore(%arg20 : memref<!tpu.dma_semaphore, #tpu.memory_space<semaphore_mem>>) {add = true}
      %add3A_220 = arith.constant 4 : i32
      %add3A_221 = arith.addi %mul3A_87, %add3A_220 : i32
      %add3A_222 = arith.constant 1 : i32
      %add3A_223 = arith.addi %add3A_221, %add3A_222 : i32
      %dma_start3A_224 = arith.constant 0 : i32
      %dma_start3A_225 = tpu.memref_slice %arg8[%add3A_223, %dma_start3A_224] : memref<80x128xi32, #tpu.memory_space<vmem>> -> memref<1x128xi32, #tpu.memory_space<vmem>>
      %dma_start3A_226 = tpu.memref_squeeze %dma_start3A_225 : memref<1x128xi32, #tpu.memory_space<vmem>> -> memref<128xi32, #tpu.memory_space<vmem>>
      %dma_start3A_227 = arith.constant 0 : i32
      %dma_start3A_228 = arith.constant 0 : i32
      %dma_start3A_229 = tpu.memref_slice %arg21[%dma_start3A_227, %dma_start3A_228] : memref<10240x64xf32, #tpu.memory_space<vmem_shared>> -> memref<10240x64xf32, #tpu.memory_space<vmem_shared>>
      tpu.enqueue_indirect_dma source(%arg14 : memref<128x64xf32, #tpu.memory_space<vmem>>) target(%dma_start3A_229 : memref<10240x64xf32, #tpu.memory_space<vmem_shared>>) offsets(%dma_start3A_226 : memref<128xi32, #tpu.memory_space<vmem>>) semaphore(%arg20 : memref<!tpu.dma_semaphore, #tpu.memory_space<semaphore_mem>>) {add = true}
      %add3A_230 = arith.constant 4 : i32
      %add3A_231 = arith.addi %mul3A_87, %add3A_230 : i32
      %add3A_232 = arith.constant 2 : i32
      %add3A_233 = arith.addi %add3A_231, %add3A_232 : i32
      %dma_start3A_234 = arith.constant 0 : i32
      %dma_start3A_235 = tpu.memref_slice %arg8[%add3A_233, %dma_start3A_234] : memref<80x128xi32, #tpu.memory_space<vmem>> -> memref<1x128xi32, #tpu.memory_space<vmem>>
      %dma_start3A_236 = tpu.memref_squeeze %dma_start3A_235 : memref<1x128xi32, #tpu.memory_space<vmem>> -> memref<128xi32, #tpu.memory_space<vmem>>
      %dma_start3A_237 = arith.constant 0 : i32
      %dma_start3A_238 = arith.constant 0 : i32
      %dma_start3A_239 = tpu.memref_slice %arg21[%dma_start3A_237, %dma_start3A_238] : memref<10240x64xf32, #tpu.memory_space<vmem_shared>> -> memref<10240x64xf32, #tpu.memory_space<vmem_shared>>
      tpu.enqueue_indirect_dma source(%arg15 : memref<128x64xf32, #tpu.memory_space<vmem>>) target(%dma_start3A_239 : memref<10240x64xf32, #tpu.memory_space<vmem_shared>>) offsets(%dma_start3A_236 : memref<128xi32, #tpu.memory_space<vmem>>) semaphore(%arg20 : memref<!tpu.dma_semaphore, #tpu.memory_space<semaphore_mem>>) {add = true}
      %add3A_240 = arith.constant 4 : i32
      %add3A_241 = arith.addi %mul3A_87, %add3A_240 : i32
      %add3A_242 = arith.constant 3 : i32
      %add3A_243 = arith.addi %add3A_241, %add3A_242 : i32
      %dma_start3A_244 = arith.constant 0 : i32
      %dma_start3A_245 = tpu.memref_slice %arg8[%add3A_243, %dma_start3A_244] : memref<80x128xi32, #tpu.memory_space<vmem>> -> memref<1x128xi32, #tpu.memory_space<vmem>>
      %dma_start3A_246 = tpu.memref_squeeze %dma_start3A_245 : memref<1x128xi32, #tpu.memory_space<vmem>> -> memref<128xi32, #tpu.memory_space<vmem>>
      %dma_start3A_247 = arith.constant 0 : i32
      %dma_start3A_248 = arith.constant 0 : i32
      %dma_start3A_249 = tpu.memref_slice %arg21[%dma_start3A_247, %dma_start3A_248] : memref<10240x64xf32, #tpu.memory_space<vmem_shared>> -> memref<10240x64xf32, #tpu.memory_space<vmem_shared>>
      tpu.enqueue_indirect_dma source(%arg16 : memref<128x64xf32, #tpu.memory_space<vmem>>) target(%dma_start3A_249 : memref<10240x64xf32, #tpu.memory_space<vmem_shared>>) offsets(%dma_start3A_246 : memref<128xi32, #tpu.memory_space<vmem>>) semaphore(%arg20 : memref<!tpu.dma_semaphore, #tpu.memory_space<semaphore_mem>>) {add = true}
      %lt3A = arith.constant 9 : i32
      %lt3A_250 = arith.cmpi slt, %scan3A_83, %lt3A : i32
      %convert_element_type3A_251 = arith.extui %lt3A_250 : i1 to i32
      %cond3A_252 = arith.constant 0 : i32
      %cond3A_253 = arith.cmpi ne, %convert_element_type3A_251, %cond3A_252 : i32
      scf.if %cond3A_253 {
        %dma_wait3A_254 = arith.constant 0 : i32
        %dma_wait3A_255 = arith.constant 0 : i32
        %dma_wait3A_256 = tpu.memref_slice %arg2[%dma_wait3A_254, %dma_wait3A_255] : memref<10000x64xf32, #tpu.memory_space<hbm>> -> memref<128x64xf32, #tpu.memory_space<hbm>>
        %dma_wait3A_257 = arith.constant 0 : i32
        %dma_wait3A_258 = arith.constant 0 : i32
        %dma_wait3A_259 = tpu.memref_slice %arg2[%dma_wait3A_257, %dma_wait3A_258] : memref<10000x64xf32, #tpu.memory_space<hbm>> -> memref<128x64xf32, #tpu.memory_space<hbm>>
        tpu.wait_dma2 semaphore(%arg18 : memref<!tpu.dma_semaphore, #tpu.memory_space<semaphore_mem>>) src(%dma_wait3A_259 : memref<128x64xf32, #tpu.memory_space<hbm>>) dst(%arg9 : memref<128x64xf32, #tpu.memory_space<vmem>>)
        %dma_wait3A_260 = arith.constant 0 : i32
        %dma_wait3A_261 = arith.constant 0 : i32
        %dma_wait3A_262 = tpu.memref_slice %arg2[%dma_wait3A_260, %dma_wait3A_261] : memref<10000x64xf32, #tpu.memory_space<hbm>> -> memref<128x64xf32, #tpu.memory_space<hbm>>
        %dma_wait3A_263 = arith.constant 0 : i32
        %dma_wait3A_264 = arith.constant 0 : i32
        %dma_wait3A_265 = tpu.memref_slice %arg2[%dma_wait3A_263, %dma_wait3A_264] : memref<10000x64xf32, #tpu.memory_space<hbm>> -> memref<128x64xf32, #tpu.memory_space<hbm>>
        tpu.wait_dma2 semaphore(%arg18 : memref<!tpu.dma_semaphore, #tpu.memory_space<semaphore_mem>>) src(%dma_wait3A_265 : memref<128x64xf32, #tpu.memory_space<hbm>>) dst(%arg10 : memref<128x64xf32, #tpu.memory_space<vmem>>)
        %dma_wait3A_266 = arith.constant 0 : i32
        %dma_wait3A_267 = arith.constant 0 : i32
        %dma_wait3A_268 = tpu.memref_slice %arg2[%dma_wait3A_266, %dma_wait3A_267] : memref<10000x64xf32, #tpu.memory_space<hbm>> -> memref<128x64xf32, #tpu.memory_space<hbm>>
        %dma_wait3A_269 = arith.constant 0 : i32
        %dma_wait3A_270 = arith.constant 0 : i32
        %dma_wait3A_271 = tpu.memref_slice %arg2[%dma_wait3A_269, %dma_wait3A_270] : memref<10000x64xf32, #tpu.memory_space<hbm>> -> memref<128x64xf32, #tpu.memory_space<hbm>>
        tpu.wait_dma2 semaphore(%arg18 : memref<!tpu.dma_semaphore, #tpu.memory_space<semaphore_mem>>) src(%dma_wait3A_271 : memref<128x64xf32, #tpu.memory_space<hbm>>) dst(%arg11 : memref<128x64xf32, #tpu.memory_space<vmem>>)
        %dma_wait3A_272 = arith.constant 0 : i32
        %dma_wait3A_273 = arith.constant 0 : i32
        %dma_wait3A_274 = tpu.memref_slice %arg2[%dma_wait3A_272, %dma_wait3A_273] : memref<10000x64xf32, #tpu.memory_space<hbm>> -> memref<128x64xf32, #tpu.memory_space<hbm>>
        %dma_wait3A_275 = arith.constant 0 : i32
        %dma_wait3A_276 = arith.constant 0 : i32
        %dma_wait3A_277 = tpu.memref_slice %arg2[%dma_wait3A_275, %dma_wait3A_276] : memref<10000x64xf32, #tpu.memory_space<hbm>> -> memref<128x64xf32, #tpu.memory_space<hbm>>
        tpu.wait_dma2 semaphore(%arg18 : memref<!tpu.dma_semaphore, #tpu.memory_space<semaphore_mem>>) src(%dma_wait3A_277 : memref<128x64xf32, #tpu.memory_space<hbm>>) dst(%arg12 : memref<128x64xf32, #tpu.memory_space<vmem>>)
        %add3A_278 = arith.constant 8 : i32
        %add3A_279 = arith.addi %mul3A_87, %add3A_278 : i32
        %add3A_280 = arith.constant 0 : i32
        %add3A_281 = arith.addi %add3A_279, %add3A_280 : i32
        %dma_start3A_282 = arith.constant 0 : i32
        %dma_start3A_283 = tpu.memref_slice %arg7[%add3A_281, %dma_start3A_282] : memref<80x128xi32, #tpu.memory_space<vmem>> -> memref<1x128xi32, #tpu.memory_space<vmem>>
        %dma_start3A_284 = tpu.memref_squeeze %dma_start3A_283 : memref<1x128xi32, #tpu.memory_space<vmem>> -> memref<128xi32, #tpu.memory_space<vmem>>
        %dma_start3A_285 = arith.constant 0 : i32
        %dma_start3A_286 = arith.constant 0 : i32
        %dma_start3A_287 = tpu.memref_slice %arg2[%dma_start3A_285, %dma_start3A_286] : memref<10000x64xf32, #tpu.memory_space<hbm>> -> memref<10000x64xf32, #tpu.memory_space<hbm>>
        tpu.enqueue_indirect_dma source(%dma_start3A_287 : memref<10000x64xf32, #tpu.memory_space<hbm>>) target(%arg9 : memref<128x64xf32, #tpu.memory_space<vmem>>) offsets(%dma_start3A_284 : memref<128xi32, #tpu.memory_space<vmem>>) semaphore(%arg17 : memref<!tpu.dma_semaphore, #tpu.memory_space<semaphore_mem>>)
        %add3A_288 = arith.constant 8 : i32
        %add3A_289 = arith.addi %mul3A_87, %add3A_288 : i32
        %add3A_290 = arith.constant 1 : i32
        %add3A_291 = arith.addi %add3A_289, %add3A_290 : i32
        %dma_start3A_292 = arith.constant 0 : i32
        %dma_start3A_293 = tpu.memref_slice %arg7[%add3A_291, %dma_start3A_292] : memref<80x128xi32, #tpu.memory_space<vmem>> -> memref<1x128xi32, #tpu.memory_space<vmem>>
        %dma_start3A_294 = tpu.memref_squeeze %dma_start3A_293 : memref<1x128xi32, #tpu.memory_space<vmem>> -> memref<128xi32, #tpu.memory_space<vmem>>
        %dma_start3A_295 = arith.constant 0 : i32
        %dma_start3A_296 = arith.constant 0 : i32
        %dma_start3A_297 = tpu.memref_slice %arg2[%dma_start3A_295, %dma_start3A_296] : memref<10000x64xf32, #tpu.memory_space<hbm>> -> memref<10000x64xf32, #tpu.memory_space<hbm>>
        tpu.enqueue_indirect_dma source(%dma_start3A_297 : memref<10000x64xf32, #tpu.memory_space<hbm>>) target(%arg10 : memref<128x64xf32, #tpu.memory_space<vmem>>) offsets(%dma_start3A_294 : memref<128xi32, #tpu.memory_space<vmem>>) semaphore(%arg17 : memref<!tpu.dma_semaphore, #tpu.memory_space<semaphore_mem>>)
        %add3A_298 = arith.constant 8 : i32
        %add3A_299 = arith.addi %mul3A_87, %add3A_298 : i32
        %add3A_300 = arith.constant 2 : i32
        %add3A_301 = arith.addi %add3A_299, %add3A_300 : i32
        %dma_start3A_302 = arith.constant 0 : i32
        %dma_start3A_303 = tpu.memref_slice %arg7[%add3A_301, %dma_start3A_302] : memref<80x128xi32, #tpu.memory_space<vmem>> -> memref<1x128xi32, #tpu.memory_space<vmem>>
        %dma_start3A_304 = tpu.memref_squeeze %dma_start3A_303 : memref<1x128xi32, #tpu.memory_space<vmem>> -> memref<128xi32, #tpu.memory_space<vmem>>
        %dma_start3A_305 = arith.constant 0 : i32
        %dma_start3A_306 = arith.constant 0 : i32
        %dma_start3A_307 = tpu.memref_slice %arg2[%dma_start3A_305, %dma_start3A_306] : memref<10000x64xf32, #tpu.memory_space<hbm>> -> memref<10000x64xf32, #tpu.memory_space<hbm>>
        tpu.enqueue_indirect_dma source(%dma_start3A_307 : memref<10000x64xf32, #tpu.memory_space<hbm>>) target(%arg11 : memref<128x64xf32, #tpu.memory_space<vmem>>) offsets(%dma_start3A_304 : memref<128xi32, #tpu.memory_space<vmem>>) semaphore(%arg17 : memref<!tpu.dma_semaphore, #tpu.memory_space<semaphore_mem>>)
        %add3A_308 = arith.constant 8 : i32
        %add3A_309 = arith.addi %mul3A_87, %add3A_308 : i32
        %add3A_310 = arith.constant 3 : i32
        %add3A_311 = arith.addi %add3A_309, %add3A_310 : i32
        %dma_start3A_312 = arith.constant 0 : i32
        %dma_start3A_313 = tpu.memref_slice %arg7[%add3A_311, %dma_start3A_312] : memref<80x128xi32, #tpu.memory_space<vmem>> -> memref<1x128xi32, #tpu.memory_space<vmem>>
        %dma_start3A_314 = tpu.memref_squeeze %dma_start3A_313 : memref<1x128xi32, #tpu.memory_space<vmem>> -> memref<128xi32, #tpu.memory_space<vmem>>
        %dma_start3A_315 = arith.constant 0 : i32
        %dma_start3A_316 = arith.constant 0 : i32
        %dma_start3A_317 = tpu.memref_slice %arg2[%dma_start3A_315, %dma_start3A_316] : memref<10000x64xf32, #tpu.memory_space<hbm>> -> memref<10000x64xf32, #tpu.memory_space<hbm>>
        tpu.enqueue_indirect_dma source(%dma_start3A_317 : memref<10000x64xf32, #tpu.memory_space<hbm>>) target(%arg12 : memref<128x64xf32, #tpu.memory_space<vmem>>) offsets(%dma_start3A_314 : memref<128xi32, #tpu.memory_space<vmem>>) semaphore(%arg17 : memref<!tpu.dma_semaphore, #tpu.memory_space<semaphore_mem>>)
      } else {
      }
    }
    %scan3A_34 = arith.constant 10 : i32
    %dma_wait3A = arith.constant 0 : i32
    %dma_wait3A_35 = arith.constant 0 : i32
    %dma_wait3A_36 = tpu.memref_slice %arg2[%dma_wait3A, %dma_wait3A_35] : memref<10000x64xf32, #tpu.memory_space<hbm>> -> memref<128x64xf32, #tpu.memory_space<hbm>>
    %dma_wait3A_37 = arith.constant 0 : i32
    %dma_wait3A_38 = arith.constant 0 : i32
    %dma_wait3A_39 = tpu.memref_slice %arg2[%dma_wait3A_37, %dma_wait3A_38] : memref<10000x64xf32, #tpu.memory_space<hbm>> -> memref<128x64xf32, #tpu.memory_space<hbm>>
    tpu.wait_dma2 semaphore(%arg18 : memref<!tpu.dma_semaphore, #tpu.memory_space<semaphore_mem>>) src(%dma_wait3A_39 : memref<128x64xf32, #tpu.memory_space<hbm>>) dst(%arg9 : memref<128x64xf32, #tpu.memory_space<vmem>>)
    %dma_wait3A_40 = arith.constant 0 : i32
    %dma_wait3A_41 = arith.constant 0 : i32
    %dma_wait3A_42 = tpu.memref_slice %arg2[%dma_wait3A_40, %dma_wait3A_41] : memref<10000x64xf32, #tpu.memory_space<hbm>> -> memref<128x64xf32, #tpu.memory_space<hbm>>
    %dma_wait3A_43 = arith.constant 0 : i32
    %dma_wait3A_44 = arith.constant 0 : i32
    %dma_wait3A_45 = tpu.memref_slice %arg2[%dma_wait3A_43, %dma_wait3A_44] : memref<10000x64xf32, #tpu.memory_space<hbm>> -> memref<128x64xf32, #tpu.memory_space<hbm>>
    tpu.wait_dma2 semaphore(%arg18 : memref<!tpu.dma_semaphore, #tpu.memory_space<semaphore_mem>>) src(%dma_wait3A_45 : memref<128x64xf32, #tpu.memory_space<hbm>>) dst(%arg10 : memref<128x64xf32, #tpu.memory_space<vmem>>)
    %dma_wait3A_46 = arith.constant 0 : i32
    %dma_wait3A_47 = arith.constant 0 : i32
    %dma_wait3A_48 = tpu.memref_slice %arg2[%dma_wait3A_46, %dma_wait3A_47] : memref<10000x64xf32, #tpu.memory_space<hbm>> -> memref<128x64xf32, #tpu.memory_space<hbm>>
    %dma_wait3A_49 = arith.constant 0 : i32
    %dma_wait3A_50 = arith.constant 0 : i32
    %dma_wait3A_51 = tpu.memref_slice %arg2[%dma_wait3A_49, %dma_wait3A_50] : memref<10000x64xf32, #tpu.memory_space<hbm>> -> memref<128x64xf32, #tpu.memory_space<hbm>>
    tpu.wait_dma2 semaphore(%arg18 : memref<!tpu.dma_semaphore, #tpu.memory_space<semaphore_mem>>) src(%dma_wait3A_51 : memref<128x64xf32, #tpu.memory_space<hbm>>) dst(%arg11 : memref<128x64xf32, #tpu.memory_space<vmem>>)
    %dma_wait3A_52 = arith.constant 0 : i32
    %dma_wait3A_53 = arith.constant 0 : i32
    %dma_wait3A_54 = tpu.memref_slice %arg2[%dma_wait3A_52, %dma_wait3A_53] : memref<10000x64xf32, #tpu.memory_space<hbm>> -> memref<128x64xf32, #tpu.memory_space<hbm>>
    %dma_wait3A_55 = arith.constant 0 : i32
    %dma_wait3A_56 = arith.constant 0 : i32
    %dma_wait3A_57 = tpu.memref_slice %arg2[%dma_wait3A_55, %dma_wait3A_56] : memref<10000x64xf32, #tpu.memory_space<hbm>> -> memref<128x64xf32, #tpu.memory_space<hbm>>
    tpu.wait_dma2 semaphore(%arg18 : memref<!tpu.dma_semaphore, #tpu.memory_space<semaphore_mem>>) src(%dma_wait3A_57 : memref<128x64xf32, #tpu.memory_space<hbm>>) dst(%arg12 : memref<128x64xf32, #tpu.memory_space<vmem>>)
    %dma_wait3A_58 = arith.constant 0 : i32
    %dma_wait3A_59 = arith.constant 0 : i32
    %dma_wait3A_60 = tpu.memref_slice %arg2[%dma_wait3A_58, %dma_wait3A_59] : memref<10000x64xf32, #tpu.memory_space<hbm>> -> memref<128x64xf32, #tpu.memory_space<hbm>>
    %dma_wait3A_61 = arith.constant 0 : i32
    %dma_wait3A_62 = arith.constant 0 : i32
    %dma_wait3A_63 = tpu.memref_slice %arg2[%dma_wait3A_61, %dma_wait3A_62] : memref<10000x64xf32, #tpu.memory_space<hbm>> -> memref<128x64xf32, #tpu.memory_space<hbm>>
    tpu.wait_dma2 semaphore(%arg20 : memref<!tpu.dma_semaphore, #tpu.memory_space<semaphore_mem>>) src(%dma_wait3A_63 : memref<128x64xf32, #tpu.memory_space<hbm>>) dst(%arg13 : memref<128x64xf32, #tpu.memory_space<vmem>>)
    %dma_wait3A_64 = arith.constant 0 : i32
    %dma_wait3A_65 = arith.constant 0 : i32
    %dma_wait3A_66 = tpu.memref_slice %arg2[%dma_wait3A_64, %dma_wait3A_65] : memref<10000x64xf32, #tpu.memory_space<hbm>> -> memref<128x64xf32, #tpu.memory_space<hbm>>
    %dma_wait3A_67 = arith.constant 0 : i32
    %dma_wait3A_68 = arith.constant 0 : i32
    %dma_wait3A_69 = tpu.memref_slice %arg2[%dma_wait3A_67, %dma_wait3A_68] : memref<10000x64xf32, #tpu.memory_space<hbm>> -> memref<128x64xf32, #tpu.memory_space<hbm>>
    tpu.wait_dma2 semaphore(%arg20 : memref<!tpu.dma_semaphore, #tpu.memory_space<semaphore_mem>>) src(%dma_wait3A_69 : memref<128x64xf32, #tpu.memory_space<hbm>>) dst(%arg14 : memref<128x64xf32, #tpu.memory_space<vmem>>)
    %dma_wait3A_70 = arith.constant 0 : i32
    %dma_wait3A_71 = arith.constant 0 : i32
    %dma_wait3A_72 = tpu.memref_slice %arg2[%dma_wait3A_70, %dma_wait3A_71] : memref<10000x64xf32, #tpu.memory_space<hbm>> -> memref<128x64xf32, #tpu.memory_space<hbm>>
    %dma_wait3A_73 = arith.constant 0 : i32
    %dma_wait3A_74 = arith.constant 0 : i32
    %dma_wait3A_75 = tpu.memref_slice %arg2[%dma_wait3A_73, %dma_wait3A_74] : memref<10000x64xf32, #tpu.memory_space<hbm>> -> memref<128x64xf32, #tpu.memory_space<hbm>>
    tpu.wait_dma2 semaphore(%arg20 : memref<!tpu.dma_semaphore, #tpu.memory_space<semaphore_mem>>) src(%dma_wait3A_75 : memref<128x64xf32, #tpu.memory_space<hbm>>) dst(%arg15 : memref<128x64xf32, #tpu.memory_space<vmem>>)
    %dma_wait3A_76 = arith.constant 0 : i32
    %dma_wait3A_77 = arith.constant 0 : i32
    %dma_wait3A_78 = tpu.memref_slice %arg2[%dma_wait3A_76, %dma_wait3A_77] : memref<10000x64xf32, #tpu.memory_space<hbm>> -> memref<128x64xf32, #tpu.memory_space<hbm>>
    %dma_wait3A_79 = arith.constant 0 : i32
    %dma_wait3A_80 = arith.constant 0 : i32
    %dma_wait3A_81 = tpu.memref_slice %arg2[%dma_wait3A_79, %dma_wait3A_80] : memref<10000x64xf32, #tpu.memory_space<hbm>> -> memref<128x64xf32, #tpu.memory_space<hbm>>
    tpu.wait_dma2 semaphore(%arg20 : memref<!tpu.dma_semaphore, #tpu.memory_space<semaphore_mem>>) src(%dma_wait3A_81 : memref<128x64xf32, #tpu.memory_space<hbm>>) dst(%arg16 : memref<128x64xf32, #tpu.memory_space<vmem>>)
    %barrier3A_82 = arith.constant 0 : index
    tpu.barrier barrier_id(%barrier3A_82)
    "tpu.region"() ({
      %run_scoped3A = tpu.sem_alloc : memref<!tpu.dma_semaphore, #tpu.memory_space<semaphore_mem>>
      %dma_start3A_83 = arith.constant 0 : i32
      %dma_start3A_84 = tpu.memref_slice %arg6[%arg0, %mul3A_2, %dma_start3A_83] : memref<2x10240x64xf32, #tpu.memory_space<hbm>> -> memref<1x640x64xf32, #tpu.memory_space<hbm>>
      %dma_start3A_85 = tpu.memref_squeeze %dma_start3A_84 : memref<1x640x64xf32, #tpu.memory_space<hbm>> -> memref<640x64xf32, #tpu.memory_space<hbm>>
      %dma_start3A_86 = arith.constant 0 : i32
      %dma_start3A_87 = tpu.memref_slice %arg21[%mul3A_2, %dma_start3A_86] : memref<10240x64xf32, #tpu.memory_space<vmem_shared>> -> memref<640x64xf32, #tpu.memory_space<vmem_shared>>
      tpu.enqueue_dma source(%dma_start3A_87 : memref<640x64xf32, #tpu.memory_space<vmem_shared>>) target(%dma_start3A_85 : memref<640x64xf32, #tpu.memory_space<hbm>>) target_semaphore(%run_scoped3A : memref<!tpu.dma_semaphore, #tpu.memory_space<semaphore_mem>>)
      %dma_wait3A_88 = arith.constant 0 : i32
      %dma_wait3A_89 = tpu.memref_slice %arg6[%arg0, %mul3A_2, %dma_wait3A_88] : memref<2x10240x64xf32, #tpu.memory_space<hbm>> -> memref<1x640x64xf32, #tpu.memory_space<hbm>>
      %dma_wait3A_90 = tpu.memref_squeeze %dma_wait3A_89 : memref<1x640x64xf32, #tpu.memory_space<hbm>> -> memref<640x64xf32, #tpu.memory_space<hbm>>
      %dma_wait3A_91 = arith.constant 0 : i32
      %dma_wait3A_92 = tpu.memref_slice %arg21[%mul3A_2, %dma_wait3A_91] : memref<10240x64xf32, #tpu.memory_space<vmem_shared>> -> memref<640x64xf32, #tpu.memory_space<vmem_shared>>
      tpu.wait_dma2 semaphore(%run_scoped3A : memref<!tpu.dma_semaphore, #tpu.memory_space<semaphore_mem>>) src(%dma_wait3A_92 : memref<640x64xf32, #tpu.memory_space<vmem_shared>>) dst(%dma_wait3A_90 : memref<640x64xf32, #tpu.memory_space<hbm>>)
      tpu.yield
    }) : () -> ()
    return
  }
}

module attributes {stable_mosaic.version = 14 : i64} {
  func.func @_tc_first_body(%arg0: memref<10000x128xf32, #tpu.memory_space<vmem>>, %arg1: memref<128x64xf32, #tpu.memory_space<vmem>>, %arg2: memref<2x10240x8xf32, #tpu.memory_space<vmem>>, %arg3: memref<10000x64xf32, #tpu.memory_space<vmem>>, %arg4: memref<10000x1xf32, #tpu.memory_space<vmem>>) attributes {dimension_semantics = [], scalar_prefetch = 0 : i64, scratch_operands = 0 : i64, tpu.core_type = #tpu.core_type<tc>} {
    %get3A = arith.constant 0 : index
    %get3A_0 = arith.constant 0 : index
    %get3A_1 = arith.constant 0 : index
    %get3A_2 = vector.load %arg2[%get3A, %get3A_0, %get3A_1] : memref<2x10240x8xf32, #tpu.memory_space<vmem>>, vector<1x10000x1xf32>
    %get3A_3 = vector.shape_cast %get3A_2 : vector<1x10000x1xf32> to vector<10000x1xf32>
    %get3A_4 = arith.constant 1 : index
    %get3A_5 = arith.constant 0 : index
    %get3A_6 = arith.constant 0 : index
    %get3A_7 = vector.load %arg2[%get3A_4, %get3A_5, %get3A_6] : memref<2x10240x8xf32, #tpu.memory_space<vmem>>, vector<1x10000x1xf32>
    %get3A_8 = vector.shape_cast %get3A_7 : vector<1x10000x1xf32> to vector<10000x1xf32>
    %add3A = arith.addf %get3A_3, %get3A_8 : vector<10000x1xf32>
    %add3A_9 = arith.constant 1.000000e+00 : f32
    %add3A_10 = vector.broadcast %add3A_9 : f32 to vector<10000x1xf32>
    %add3A_11 = arith.addf %add3A, %add3A_10 : vector<10000x1xf32>
    %rsqrt3A = math.rsqrt %add3A_11 : vector<10000x1xf32>
    %get3A_12 = arith.constant 0 : index
    %get3A_13 = arith.constant 0 : index
    %get3A_14 = vector.load %arg0[%get3A_12, %get3A_13] : memref<10000x128xf32, #tpu.memory_space<vmem>>, vector<10000x128xf32>
    %get3A_15 = arith.constant 0 : index
    %get3A_16 = arith.constant 0 : index
    %get3A_17 = vector.load %arg1[%get3A_15, %get3A_16] : memref<128x64xf32, #tpu.memory_space<vmem>>, vector<128x64xf32>
    %dot_general3A = arith.constant dense<0.000000e+00> : vector<10000x64xf32>
    %dot_general3A_18 = tpu.matmul %get3A_14, %get3A_17, %dot_general3A {dimension_numbers = #tpu.dot_dimension_numbers<[1], [0], [0], [1], [0, 0, 1, 1], [], []>, transpose_lhs_hint = false} : vector<10000x128xf32>, vector<128x64xf32>, vector<10000x64xf32> -> vector<10000x64xf32>
    %mul3A = vector.broadcast %rsqrt3A : vector<10000x1xf32> to vector<10000x64xf32>
    %mul3A_19 = arith.mulf %dot_general3A_18, %mul3A : vector<10000x64xf32>
    %swap3A = arith.constant 0 : index
    %swap3A_20 = arith.constant 0 : index
    %swap3A_21 = vector.load %arg3[%swap3A, %swap3A_20] : memref<10000x64xf32, #tpu.memory_space<vmem>>, vector<10000x64xf32>
    tpu.vector_store %arg3[%swap3A, %swap3A_20], %mul3A_19 {strides = array<i32>} : memref<10000x64xf32, #tpu.memory_space<vmem>>, vector<10000x64xf32>,
    %swap3A_22 = arith.constant 0 : index
    %swap3A_23 = arith.constant 0 : index
    %swap3A_24 = vector.load %arg4[%swap3A_22, %swap3A_23] : memref<10000x1xf32, #tpu.memory_space<vmem>>, vector<10000x1xf32>
    tpu.vector_store %arg4[%swap3A_22, %swap3A_23], %rsqrt3A {strides = array<i32>} : memref<10000x1xf32, #tpu.memory_space<vmem>>, vector<10000x1xf32>,
    return
  }
}

module attributes {stable_mosaic.version = 14 : i64} {
  func.func @_tc_mid_body(%arg0: memref<2x10240x64xf32, #tpu.memory_space<vmem>>, %arg1: memref<10000x64xf32, #tpu.memory_space<vmem>>, %arg2: memref<10000x1xf32, #tpu.memory_space<vmem>>, %arg3: memref<1x64xf32, #tpu.memory_space<vmem>>, %arg4: memref<64x64xf32, #tpu.memory_space<vmem>>, %arg5: memref<10000x64xf32, #tpu.memory_space<vmem>>) attributes {dimension_semantics = [], scalar_prefetch = 0 : i64, scratch_operands = 0 : i64, tpu.core_type = #tpu.core_type<tc>} {
    %get3A = arith.constant 0 : index
    %get3A_0 = arith.constant 0 : index
    %get3A_1 = arith.constant 0 : index
    %get3A_2 = vector.load %arg0[%get3A, %get3A_0, %get3A_1] : memref<2x10240x64xf32, #tpu.memory_space<vmem>>, vector<1x10000x64xf32>
    %get3A_3 = vector.shape_cast %get3A_2 : vector<1x10000x64xf32> to vector<10000x64xf32>
    %get3A_4 = arith.constant 1 : index
    %get3A_5 = arith.constant 0 : index
    %get3A_6 = arith.constant 0 : index
    %get3A_7 = vector.load %arg0[%get3A_4, %get3A_5, %get3A_6] : memref<2x10240x64xf32, #tpu.memory_space<vmem>>, vector<1x10000x64xf32>
    %get3A_8 = vector.shape_cast %get3A_7 : vector<1x10000x64xf32> to vector<10000x64xf32>
    %add3A = arith.addf %get3A_3, %get3A_8 : vector<10000x64xf32>
    %get3A_9 = arith.constant 0 : index
    %get3A_10 = arith.constant 0 : index
    %get3A_11 = vector.load %arg1[%get3A_9, %get3A_10] : memref<10000x64xf32, #tpu.memory_space<vmem>>, vector<10000x64xf32>
    %add3A_12 = arith.addf %add3A, %get3A_11 : vector<10000x64xf32>
    %get3A_13 = arith.constant 0 : index
    %get3A_14 = arith.constant 0 : index
    %get3A_15 = vector.load %arg2[%get3A_13, %get3A_14] : memref<10000x1xf32, #tpu.memory_space<vmem>>, vector<10000x1xf32>
    %mul3A = vector.broadcast %get3A_15 : vector<10000x1xf32> to vector<10000x64xf32>
    %mul3A_16 = arith.mulf %add3A_12, %mul3A : vector<10000x64xf32>
    %get3A_17 = arith.constant 0 : index
    %get3A_18 = arith.constant 0 : index
    %get3A_19 = vector.load %arg3[%get3A_17, %get3A_18] : memref<1x64xf32, #tpu.memory_space<vmem>>, vector<1x64xf32>
    %add3A_20 = vector.broadcast %get3A_19 : vector<1x64xf32> to vector<10000x64xf32>
    %add3A_21 = arith.addf %mul3A_16, %add3A_20 : vector<10000x64xf32>
    %max3A = arith.constant 0.000000e+00 : f32
    %max3A_22 = vector.broadcast %max3A : f32 to vector<10000x64xf32>
    %max3A_23 = arith.maximumf %add3A_21, %max3A_22 : vector<10000x64xf32>
    %get3A_24 = arith.constant 0 : index
    %get3A_25 = arith.constant 0 : index
    %get3A_26 = vector.load %arg4[%get3A_24, %get3A_25] : memref<64x64xf32, #tpu.memory_space<vmem>>, vector<64x64xf32>
    %dot_general3A = arith.constant dense<0.000000e+00> : vector<10000x64xf32>
    %dot_general3A_27 = tpu.matmul %max3A_23, %get3A_26, %dot_general3A {dimension_numbers = #tpu.dot_dimension_numbers<[1], [0], [0], [1], [0, 0, 1, 1], [], []>, transpose_lhs_hint = false} : vector<10000x64xf32>, vector<64x64xf32>, vector<10000x64xf32> -> vector<10000x64xf32>
    %get3A_28 = arith.constant 0 : index
    %get3A_29 = arith.constant 0 : index
    %get3A_30 = vector.load %arg2[%get3A_28, %get3A_29] : memref<10000x1xf32, #tpu.memory_space<vmem>>, vector<10000x1xf32>
    %mul3A_31 = vector.broadcast %get3A_30 : vector<10000x1xf32> to vector<10000x64xf32>
    %mul3A_32 = arith.mulf %dot_general3A_27, %mul3A_31 : vector<10000x64xf32>
    %swap3A = arith.constant 0 : index
    %swap3A_33 = arith.constant 0 : index
    %swap3A_34 = vector.load %arg5[%swap3A, %swap3A_33] : memref<10000x64xf32, #tpu.memory_space<vmem>>, vector<10000x64xf32>
    tpu.vector_store %arg5[%swap3A, %swap3A_33], %mul3A_32 {strides = array<i32>} : memref<10000x64xf32, #tpu.memory_space<vmem>>, vector<10000x64xf32>,
    return
  }
}

module attributes {stable_mosaic.version = 14 : i64} {
  func.func @_tc_final_body(%arg0: memref<2x10240x64xf32, #tpu.memory_space<vmem>>, %arg1: memref<10000x64xf32, #tpu.memory_space<vmem>>, %arg2: memref<10000x1xf32, #tpu.memory_space<vmem>>, %arg3: memref<1x64xf32, #tpu.memory_space<vmem>>, %arg4: memref<10000x1xi32, #tpu.memory_space<vmem>>, %arg5: memref<64x1xf32, #tpu.memory_space<vmem>>, %arg6: memref<1x1xf32, #tpu.memory_space<vmem>>, %arg7: memref<64x1xf32, #tpu.memory_space<vmem>>) attributes {dimension_semantics = [], scalar_prefetch = 0 : i64, scratch_operands = 0 : i64, tpu.core_type = #tpu.core_type<tc>} {
    %get3A = arith.constant 0 : index
    %get3A_0 = arith.constant 0 : index
    %get3A_1 = arith.constant 0 : index
    %get3A_2 = vector.load %arg0[%get3A, %get3A_0, %get3A_1] : memref<2x10240x64xf32, #tpu.memory_space<vmem>>, vector<1x10000x64xf32>
    %get3A_3 = vector.shape_cast %get3A_2 : vector<1x10000x64xf32> to vector<10000x64xf32>
    %get3A_4 = arith.constant 1 : index
    %get3A_5 = arith.constant 0 : index
    %get3A_6 = arith.constant 0 : index
    %get3A_7 = vector.load %arg0[%get3A_4, %get3A_5, %get3A_6] : memref<2x10240x64xf32, #tpu.memory_space<vmem>>, vector<1x10000x64xf32>
    %get3A_8 = vector.shape_cast %get3A_7 : vector<1x10000x64xf32> to vector<10000x64xf32>
    %add3A = arith.addf %get3A_3, %get3A_8 : vector<10000x64xf32>
    %get3A_9 = arith.constant 0 : index
    %get3A_10 = arith.constant 0 : index
    %get3A_11 = vector.load %arg1[%get3A_9, %get3A_10] : memref<10000x64xf32, #tpu.memory_space<vmem>>, vector<10000x64xf32>
    %add3A_12 = arith.addf %add3A, %get3A_11 : vector<10000x64xf32>
    %get3A_13 = arith.constant 0 : index
    %get3A_14 = arith.constant 0 : index
    %get3A_15 = vector.load %arg2[%get3A_13, %get3A_14] : memref<10000x1xf32, #tpu.memory_space<vmem>>, vector<10000x1xf32>
    %mul3A = vector.broadcast %get3A_15 : vector<10000x1xf32> to vector<10000x64xf32>
    %mul3A_16 = arith.mulf %add3A_12, %mul3A : vector<10000x64xf32>
    %get3A_17 = arith.constant 0 : index
    %get3A_18 = arith.constant 0 : index
    %get3A_19 = vector.load %arg3[%get3A_17, %get3A_18] : memref<1x64xf32, #tpu.memory_space<vmem>>, vector<1x64xf32>
    %add3A_20 = vector.broadcast %get3A_19 : vector<1x64xf32> to vector<10000x64xf32>
    %add3A_21 = arith.addf %mul3A_16, %add3A_20 : vector<10000x64xf32>
    %iota3A = tpu.iota {dimensions = array<i32: 1>} : vector<1x64xi32>
    %get3A_22 = arith.constant 0 : index
    %get3A_23 = arith.constant 0 : index
    %get3A_24 = vector.load %arg4[%get3A_22, %get3A_23] : memref<10000x1xi32, #tpu.memory_space<vmem>>, vector<10000x1xi32>
    %eq3A = vector.broadcast %get3A_24 : vector<10000x1xi32> to vector<10000x64xi32>
    %eq3A_25 = vector.broadcast %iota3A : vector<1x64xi32> to vector<10000x64xi32>
    %eq3A_26 = arith.cmpi eq, %eq3A, %eq3A_25 : vector<10000x64xi32>
    %convert_element_type3A = arith.extui %eq3A_26 : vector<10000x64xi1> to vector<10000x64xi32>
    %convert_element_type3A_27 = arith.sitofp %convert_element_type3A : vector<10000x64xi32> to vector<10000x64xf32>
    %dot_general3A = arith.constant dense<0.000000e+00> : vector<64x64xf32>
    %dot_general3A_28 = tpu.matmul %convert_element_type3A_27, %add3A_21, %dot_general3A {dimension_numbers = #tpu.dot_dimension_numbers<[0], [0], [1], [1], [0, 1, 1, 1], [], []>, transpose_lhs_hint = false} : vector<10000x64xf32>, vector<10000x64xf32>, vector<64x64xf32> -> vector<64x64xf32>
    %broadcast_in_dim3A = arith.constant 1.000000e+00 : f32
    %broadcast_in_dim3A_29 = vector.broadcast %broadcast_in_dim3A : f32 to vector<10000x1xf32>
    %dot_general3A_30 = arith.constant dense<0.000000e+00> : vector<64x1xf32>
    %dot_general3A_31 = tpu.matmul %convert_element_type3A_27, %broadcast_in_dim3A_29, %dot_general3A_30 {dimension_numbers = #tpu.dot_dimension_numbers<[0], [0], [1], [1], [0, 1, 1, 1], [], []>, transpose_lhs_hint = false} : vector<10000x64xf32>, vector<10000x1xf32>, vector<64x1xf32> -> vector<64x1xf32>
    %max3A = arith.constant 1.000000e+00 : f32
    %max3A_32 = vector.broadcast %max3A : f32 to vector<64x1xf32>
    %max3A_33 = arith.maximumf %dot_general3A_31, %max3A_32 : vector<64x1xf32>
    %div3A = vector.broadcast %max3A_33 : vector<64x1xf32> to vector<64x64xf32>
    %div3A_34 = arith.divf %dot_general3A_28, %div3A : vector<64x64xf32>
    %get3A_35 = arith.constant 0 : index
    %get3A_36 = arith.constant 0 : index
    %get3A_37 = vector.load %arg5[%get3A_35, %get3A_36] : memref<64x1xf32, #tpu.memory_space<vmem>>, vector<64x1xf32>
    %dot_general3A_38 = arith.constant dense<0.000000e+00> : vector<64x1xf32>
    %dot_general3A_39 = tpu.matmul %div3A_34, %get3A_37, %dot_general3A_38 {dimension_numbers = #tpu.dot_dimension_numbers<[1], [0], [0], [1], [0, 0, 1, 1], [], []>, transpose_lhs_hint = false} : vector<64x64xf32>, vector<64x1xf32>, vector<64x1xf32> -> vector<64x1xf32>
    %get3A_40 = arith.constant 0 : index
    %get3A_41 = arith.constant 0 : index
    %get3A_42 = vector.load %arg6[%get3A_40, %get3A_41] : memref<1x1xf32, #tpu.memory_space<vmem>>, vector<1x1xf32>
    %add3A_43 = vector.broadcast %get3A_42 : vector<1x1xf32> to vector<64x1xf32>
    %add3A_44 = arith.addf %dot_general3A_39, %add3A_43 : vector<64x1xf32>
    %swap3A = arith.constant 0 : index
    %swap3A_45 = arith.constant 0 : index
    %swap3A_46 = vector.load %arg7[%swap3A, %swap3A_45] : memref<64x1xf32, #tpu.memory_space<vmem>>, vector<64x1xf32>
    tpu.vector_store %arg7[%swap3A, %swap3A_45], %add3A_44 {strides = array<i32>} : memref<64x1xf32, #tpu.memory_space<vmem>>, vector<64x1xf32>,
    return
  }
}

</mosaic_0001>

<sc_bundles>
// kernel: kernel.10.cloned.1.call-start
scs
__scs_entry_jumppad:
0x0: {  	(pc) =	sbr.rel $0x88, $3  }
0x1: {  	(tag) =	ssettag $0x0;
	lr =	simm.s32 $0x1  }
0x2: {  	[smem:$0x3F96] =	sst lr;
	_ =	strace $0xD0000000  }
0x3: {  	_ = 	snop  }
0x4: {  	_ = 	snop  }
0x5: {  	_ = 	snop  }
0x6: {  	_ = 	snop  }
0x7: {  	_ = 	snop  }
__scs_overlays_trampoline_lowered:
0x8: {  	[smem:$0x3FA5] =	sst s0  }
0x9: {  	[smem:$0x3FA6] =	sst s1  }
0xa: {  	[smem:$0x3FA7] =	sst s2  }
0xb: {  	[smem:$0x3FA8] =	sst s3  }
0xc: {  	[smem:$0x3FA9] =	sst s4  }
0xd: {  	[smem:$0x3FAA] =	sst s5  }
0xe: {  	[smem:$0x3FAB] =	sst s6  }
0xf: {  	[smem:$0x3FAC] =	sst s7  }
0x10: {  	[smem:$0x3FAD] =	sst s8  }
0x11: {  	[smem:$0x3FAE] =	sst s9;
	s0 =	simm.s32 @!p0 $0x0  }
0x12: {  	s1 =	sld [smem:$0x3F94];
	s0 =	simm.s32 @p0 $0x1  }
0x13: {  	[smem:$0x3FAF] =	sst s0;
	s0 =	simm.s32 @!p1 $0x0  }
0x14: {  	s2 =	sld [smem:$0x3F93];
	s0 =	simm.s32 @p1 $0x1  }
0x15: {  	[smem:$0x3FB0] =	sst s0;
	s0 =	simm.s32 @!p2 $0x0  }
0x16: {  	s3 =	sld [smem:$0x3FDB];
	s0 =	simm.s32 @p2 $0x1  }
0x17: {  	s4 =	simm.s32 $0x1BF5;
	[smem:$0x3FB2] =	sst s0  }
0x18: {  	s0 =	sld [smem:$0x3F95];
	_ =	swait.ge [sflag:s4], $0x0  }
0x19: {  	s7 =	sld [smem:$0x3F96]  }
0x1a: {  	s8 =	sadd.s32 $0xFFFFE003, lr  }
0x1b: {  	s9 =	sadd.s32 $0xFFFFFEF7, lr;
	s5 =	simm.s32 $0xFFFFFFFF;
	p2 =	slt.u32 s8, $0xFFFFF086  }
0x1c: {  	p1 =	slt.u32 s9, $0xF7A;
	s5 =	simm.s32 @!p2 $0x0  }
0x1d: {  	s5 =	simm.s32 @p1 $0x1;
	p0 =	seq.s32 s7, s2  }
0x1e: {  	s7 =	smul.u32 @!p0 $0xF7A, s2;
	p2 =	seq.s32 @!p0 s5, $0x0  }
0x1f: {  	s9 =	smul.u32 $0xF7A, s1;
	s8 =	simm.s32 @!p0 $0x1BF5;
	p2 =	por !p2, p0  }
0x20: {  	[sflag:s8] =	ssyncset.s32 @!p0 $0xFFFFF086;
	s6 =	sadd.s32 @!p0 s3, s7;
	s7 =	simm.s32 @!p0 $0x108  }
0x21: {  	s3 =	sadd.s32 s3, s9;
	s6 =	sadd.s32 @!p0 $0x88, s6;
	s7 =	simm.s32 @p2 $0x1082  }
0x22: {  	[simem:s7], [sflag:s8] =	dma.local @!p0 [hbm:s6], $0xF7A  }
0x23: {  	s9 =	sor.u32 $0xD0000000, s2;
	s6 =	simm.s32 $0x108;
	_ =	swait.ge @!p0 [sflag:s8], $0x0  }
0x24: {  	s3 =	sadd.s32 $0x88, s3;
	s6 =	simm.s32 @!p1 $0x1082;
	[sflag:s4] =	ssyncset.s32 $0xFFFFF086  }
0x25: {  	[simem:s6], [sflag:s4] =	dma.local [hbm:s3], $0xF7A  }
0x26: {  	[smem:$0x3F96] =	sst s1;
	(tag) =	ssettag s2;
	_ =	strace s9  }
0x27: {  	s1 =	sld [smem:$0x3FA6]  }
0x28: {  	s2 =	sld [smem:$0x3FA7]  }
0x29: {  	s4 =	sld [smem:$0x3FA9]  }
0x2a: {  	p0 =	seq.s32 s5, $0x0;
	s5 =	sld [smem:$0x3FAA]  }
0x2b: {  	s6 =	sld [smem:$0x3FAB]  }
0x2c: {  	s7 =	sld [smem:$0x3FAC]  }
0x2d: {  	s3 =	simm.s32 $0x108;
	s8 =	sld [smem:$0x3FAD]  }
0x2e: {  	s3 =	simm.s32 @!p0 $0x1082;
	s9 =	sld [smem:$0x3FAE]  }
0x2f: {  	lr =	sadd.s32 s0, s3;
	s0 =	sld [smem:$0x3FA5]  }
0x30: {  	s3 =	sld [smem:$0x3FA8]  }
0x31: {  	[smem:$0x3FB1] =	sst s10  }
0x32: {  	s10 =	sld [smem:$0x3FAF];
	_ =	sdelay $0x3  }
0x33: {  	p0 =	seq.s32 s10, $0x1;
	s10 =	sld [smem:$0x3FB1];
	_ =	sdelay $0x3  }
0x34: {  	[smem:$0x3FB1] =	sst s10  }
0x35: {  	s10 =	sld [smem:$0x3FB0];
	_ =	sdelay $0x3  }
0x36: {  	p1 =	seq.s32 s10, $0x1;
	s10 =	sld [smem:$0x3FB1];
	_ =	sdelay $0x3  }
0x37: {  	[smem:$0x3FB1] =	sst s10  }
0x38: {  	s10 =	sld [smem:$0x3FB2]  }
0x39: {  	_ = 	snop;
	(pc) =	sbr.ind lr, $3  }
0x3a: {  	_ = 	snop  }
0x3b: {  	_ = 	snop  }
0x3c: {  	p2 =	seq.s32 s10, $0x1;
	s10 =	sld [smem:$0x3FB1]  }
0x3d: {  	_ =	shalt  }
0x3e: {  	_ =	shalt  }
0x3f: {  	_ =	shalt  }
0x40: {  	_ =	shalt  }
0x41: {  	_ =	shalt  }
0x42: {  	_ =	shalt  }
0x43: {  	_ =	shalt  }
0x44: {  	_ =	shalt  }
0x45: {  	_ =	shalt  }
0x46: {  	_ =	shalt  }
0x47: {  	_ =	shalt  }
0x48: {  	_ =	shalt  }
0x49: {  	_ =	shalt  }
0x4a: {  	_ =	shalt  }
0x4b: {  	_ =	shalt  }
0x4c: {  	_ =	shalt  }
0x4d: {  	_ =	shalt  }
0x4e: {  	_ =	shalt  }
0x4f: {  	_ =	shalt  }
0x50: {  	_ =	shalt  }
0x51: {  	_ =	shalt  }
0x52: {  	_ =	shalt  }
0x53: {  	_ =	shalt  }
0x54: {  	_ =	shalt  }
0x55: {  	_ =	shalt  }
0x56: {  	_ =	shalt  }
0x57: {  	_ =	shalt  }
0x58: {  	_ =	shalt  }
0x59: {  	_ =	shalt  }
0x5a: {  	_ =	shalt  }
0x5b: {  	_ =	shalt  }
0x5c: {  	_ =	shalt  }
0x5d: {  	_ =	shalt  }
0x5e: {  	_ =	shalt  }
0x5f: {  	_ =	shalt  }
0x60: {  	_ =	shalt  }
0x61: {  	_ =	shalt  }
0x62: {  	_ =	shalt  }
0x63: {  	_ =	shalt  }
0x64: {  	_ =	shalt  }
0x65: {  	_ =	shalt  }
0x66: {  	_ =	shalt  }
0x67: {  	_ =	shalt  }
0x68: {  	_ =	shalt  }
0x69: {  	_ =	shalt  }
0x6a: {  	_ =	shalt  }
0x6b: {  	_ =	shalt  }
0x6c: {  	_ =	shalt  }
0x6d: {  	_ =	shalt  }
0x6e: {  	_ =	shalt  }
0x6f: {  	_ =	shalt  }
0x70: {  	_ =	shalt  }
0x71: {  	_ =	shalt  }
0x72: {  	_ =	shalt  }
0x73: {  	_ =	shalt  }
0x74: {  	_ =	shalt  }
0x75: {  	_ =	shalt  }
0x76: {  	_ =	shalt  }
0x77: {  	_ =	shalt  }
0x78: {  	_ =	shalt  }
0x79: {  	_ =	shalt  }
0x7a: {  	_ =	shalt  }
0x7b: {  	_ =	shalt  }
0x7c: {  	_ =	shalt  }
0x7d: {  	_ =	shalt  }
0x7e: {  	_ =	shalt  }
0x7f: {  	_ =	shalt  }
0x80: {  	_ =	shalt  }
0x81: {  	_ =	shalt  }
0x82: {  	_ =	shalt  }
0x83: {  	_ =	shalt  }
0x84: {  	_ =	shalt  }
0x85: {  	_ =	shalt  }
0x86: {  	_ =	shalt  }
0x87: {  	_ =	shalt  }
.Lfunc_end0:
.L_simem_size_0:
called_computation_lowered:
.L_overlay_start_0:
0x88: {  	s2 =	sld [smem:$0x3FD9]  }
0x89: {  	s3 =	sld [smem:$0x3FFE];
	_ =	sdelay $0x1  }
0x8a: {  	s1 =	srdreg.scid  }
0x8b: {  	s0 =	sand.u32 $0x1, s1  }
0x8c: {  	s16 =	sshll.u32 s0, $0xA;
	s2 =	sadd.s32 s3, s2  }
0x8d: {  	s2 =	sadd.s32 s2, s16  }
0x8e: {  	[smem:$0x3FBD] =	sst s2  }
0x8f: {  	_ = 	snop  }
0x90: {  	(tm) =	ssettm $0x1  }
0x91: {  	s17 =	sld [smem:$0x3FFB];
	_ =	sdelay $0x3  }
0x92: {  	_ =	strace s17  }
0x93: {  	s2 =	sld [smem:$0x3FFC];
	_ =	sdelay $0x3  }
0x94: {  	_ =	strace s2  }
0x95: {  	s2 =	sld [smem:$0x3FFD];
	_ =	sdelay $0x3  }
0x96: {  	_ =	strace s2  }
0x97: {  	_ =	strace $0x8FFFFFFF  }
0x98: {  	s18 =	sld [smem:$0x3FDB];
	_ =	sdelay $0x1  }
0x99: {  	s19 =	simm.s32 $_scs_section_size  }
0x9a: {  	s4 =	simm.s32 $_size__tile_overlayer_lowered;
	s5 =	simm.s32 $_tile_overlayer_lowered  }
0x9b: {  	s22 =	simm.s32 $0x1BFF;
	s21 =	sshll.u32 s5, $0x1;
	s2 =	sadd.s32 s19, s18  }
0x9c: {  	s6 =	simm.s32 $0x0;
	s20 =	sshll.u32 s4, $0x1;
	s4 =	sadd.s32 s21, s2  }
0x9d: {  	[timem:s6], [sflag:s22] =	dma.local [hbm:s4], s20  }
0x9e: {  	_ =	swait.ge [sflag:s22], s20  }
0x9f: {  	s3 =	ssub.s32 $0x0, s20;
	[sflag:s22] =	ssyncset.done $0x0  }
0xa0: {  	[sflag:s22] =	ssyncadd.s32 s3;
	_ =	sdelay $0x1  }
0xa1: {  	s23 =	simm.s32 $0x1B8B  }
0xa2: {  	_ =	swait.ge [sflag:s23], $0x1  }
0xa3: {  	[sflag:s23] =	ssyncset.done $0x0  }
0xa4: {  	s25 =	simm.s32 $0x1B8E;
	s24 =	sld [smem:$0x3FFE];
	[sflag:s23] =	ssyncadd.s32 $0xFFFFFFFF  }
0xa5: {  	s26 =	simm.s32 $execute0_lowered;
	[smem:$0x3FD2] =	sst s25  }
0xa6: {  	s4 =	sshll.u32 s26, $0x1;
	_ =	strace $0x80000046;
	[dreg:$0x1] =	wrdreg $0xFFFFFFFF  }
0xa7: {  	s28 =	simm.s32 $_size_execute0_lowered;
	s2 =	sadd.s32 s2, s4;
	[dreg:$0x0] =	wrdreg $0x0  }
0xa8: {  	s4 =	sshll.u32 s28, $0x1;
	[dreg:$0x2] =	wrdreg s2  }
0xa9: {  	[dreg:$0x3] =	wrdreg s4  }
0xaa: {  	[dreg:$0x4] =	wrdreg $0xC0  }
0xab: {  	_ =	task [dreg:s6], $0x5FFFF  }
0xac: {  	[dreg:$0x1] =	wrdreg $0xFFFFFFFF  }
0xad: {  	[dreg:$0x0] =	wrdreg $0x60  }
0xae: {  	[dreg:$0x2] =	wrdreg s24  }
0xaf: {  	[dreg:$0x3] =	wrdreg $0x2C000  }
0xb0: {  	[dreg:$0x4] =	wrdreg $0x9  }
0xb1: {  	_ =	task.clear_ibuf [dreg:s6], $0x5FFFF;
	_ =	strace $0x90000046  }
0xb2: {  	s29 =	simm.s32 $0x9;
	_ =	strace $0x80000048  }
0xb3: {  	_ =	swait.ge [sflag:s29], $0x1  }
0xb4: {  	[sflag:s29] =	ssyncadd.s32 $0xFFFFFFFF  }
0xb5: {  	_ =	strace $0x90000048  }
0xb6: {  	_ =	sfence  }
0xb7: {  	s30 =	sld [smem:$0x0];
	_ =	sdelay $0x2  }
0xb8: {  	s31 =	sshll.u32 s1, $0xD;
	s1 =	sshrl.u32 s1, $0x2  }
0xb9: {  	s3 =	sand.u32 $0x4000, s31;
	s1 =	sadd.s32 s1, s30  }
0xba: {  	s0 =	sor.u32 s3, s0;
	s1 =	sshll.u32 s1, $0x11  }
0xbb: {  	s0 =	sor.u32 s1, s0  }
0xbc: {  	s0 =	sadd.s32 $0x8F2B, s0  }
0xbd: {  	[sflag:s0] =	ssyncadd.remote.s32 $0x1  }
0xbe: {  	_ =	sfence.sel $0xFFFF  }
0xbf: {  	[dreg:$0x0] =	wrdreg $0xFFFFFFFF;
	(pc) =	sbr.abs _section_cstart, $3  }
0xc0: {  	[dreg:$0x1] =	wrdreg $0xFFFFFFFF  }
0xc1: {  	_ =	task.clear_ibuf [dreg:s6], $0x2FFFF;
	_ =	strace $0x9FFFFFFF  }
0xc2: {  	(tm) =	ssettm $0x7FFFFFFF  }
0xc3: {  	_ =	shalt  }
tec
execute0_lowered:
.L_overlay_start_1:
0x0: {  	(tag) =	ssettag $0x1  }
0x1: {  	s1 =	srdreg.scid;
	s5 =	rddreg [dreg:$0x0]  }
0x2: {  	s0 =	stileid.u32;
	s2 =	rddreg [dreg:$0x1]  }
0x3: {  	s3 =	simm.s32 $0x0;
	s13 =	simm.s32 $0x80;
	s14 =	simm.s32 $0x1  }
0x4: {  	s15 =	simm.s32 $0x0;
	s4 =	sand.u32 $0x1, s1;
	s29 =	sshll.u32 s0, $0x1  }
0x5: {  	s7 =	smul.u32 $0x1400, s0;
	[smem:$0x7FF] =	sst s3;
	s31 =	sshll.u32 s0, $0x6  }
0x6: {  	s1 =	sor.u32 s4, s29;
	s8 =	smul.u32 $0x14000, s4;
	s10 =	ssub.s32 $0x2, s4  }
0x7: {  	s4 =	sadd.s32 $0x18C00, s5;
	s6 =	smul.u32 $0x500, s1;
	s1 =	rddreg [dreg:$0x2]  }
0x8: {  	_ =	strace $0x80000047;
	s30 =	sshrl.u32 s7, $0x3;
	s11 =	sshrl.u32 s10, $0x1  }
0x9: {  	s12 =	sadd.s32 s7, s2;
	s8 =	sadd.s32 s7, s8;
	s10 =	ssub.s32 s10, s11  }
0xa: {  	s9 =	sadd.s32 s6, s5;
	s6 =	sadd.s32 s30, s5;
	s8 =	sshrl.u32 s8, $0x3  }
0xb: {  	s11 =	simm.s32 $0x2;
	s8 =	sadd.s32 s8, s5;
	s5 =	sadd.s32 $0x16400, s6  }
0xc: {  	s6 =	sor.u32 $0x1C02, s31;
	s7 =	sadd.s32 $0x2400, s9;
	s9 =	smax.u32 s10, $0x1  }
0xd: {  	s10 =	sshrl.u32 s12, $0x3;
	s12 =	simm.s32 $0x2800;
	s8 =	sadd.s32 $0x18E00, s8  }
.LBB2_1:
0xe: {  	[spmem:s10], [sflag:s6] =	dma.local [hbm:s5], $0x280  }
0xf: {  	_ =	swait.ge [sflag:s11], $0x280  }
0x10: {  	[sflag:s11] =	ssyncset.done $0x0  }
0x11: {  	[sflag:s11] =	ssyncadd.s32 $0xFFFFFD80  }
0x12: {  	[tilespmem:s3], [sflag:$0x2] =	stream.linear.gather [hbm4b:s7+s3], $0x2800, $0x38;
	[tilespmem:$0x4000] =	vst v63  }
0x13: {  	_ =	swait.ge [sflag:s11], $0x2800  }
0x14: {  	[sflag:s11] =	ssyncset.done $0x0  }
0x15: {  	[sflag:s11] =	ssyncadd.s32 $0xFFFFD800  }
0x16: {  	[tilespmem:s12], [sflag:$0x2] =	stream.linear.gather [hbm4b:s4+s3], $0x400, $0x38;
	[tilespmem:$0x4000] =	vst v63  }
0x17: {  	_ =	swait.ge [sflag:s11], $0x400  }
0x18: {  	[sflag:s11] =	ssyncset.done $0x0  }
0x19: {  	p0 =	por $0x1, $0x1;
	[sflag:s11] =	ssyncadd.s32 $0xFFFFFC00  }
0x1a: {  	s18 =	simm.s32 @!p0 $0x1;
	[bflag:$0x0] =	sbarrier.arrive $0xFFFF  }
0x1b: {  	[spmem:s2] =	stream.indirect.scatter.add.f32 [tilespmem:s12], [sflag:$0x1], $0x8, s3, s13, $0xb8;
	[tilespmem:$0x4000] =	vst v63  }
0x1c: {  	_ =	swait.ge @!p0 [sflag:s18], $0x400  }
0x1d: {  	s16 =	simm.s32 $0x1;
	s17 =	simm.s32 $0x0;
	[sflag:s18] =	ssyncset.done @!p0 $0x0  }
.LBB2_2:
0x1e: {  	[sflag:s18] =	ssyncadd.s32 @!p0 $0xFFFFFC00  }
0x1f: {  	s17 =	sadd.s32 $0x80, s17;
	s18 =	smov.u32 s16;
	s16 =	sadd.s32 $0x1, s16  }
0x20: {  	p1 =	sne.s32 s16, $0x50  }
0x21: {  	[spmem:s2] =	stream.indirect.scatter.add.f32 [tilespmem:s12], [sflag:$0x1], $0x8, s17, s13, $0xb8;
	[tilespmem:$0x4000] =	vst v63  }
.Ltmp0:
0x22: {  	_ = 	snop;
	(pc) =	sbr.rel @p1 .LBB2_2-.Ltmp0, $4  }
0x23: {  	p0 =	slt.u32 s18, $0x8  }
0x24: {  	s18 =	simm.s32 @!p0 $0x1  }
0x25: {  	_ =	swait.ge @!p0 [sflag:s18], $0x400  }
0x26: {  	[sflag:s18] =	ssyncset.done @!p0 $0x0  }
0x27: {  	[sflag:s18] =	ssyncadd.s32 @!p0 $0xFFFFFC00  }
0x28: {  	_ =	swait.ge [sflag:s14], $0x400  }
0x29: {  	[sflag:s14] =	ssyncset.done $0x0  }
0x2a: {  	[sflag:s14] =	ssyncadd.s32 $0xFFFFFC00  }
0x2b: {  	_ =	swait.ge [sflag:s14], $0x400  }
0x2c: {  	[sflag:s14] =	ssyncset.done $0x0  }
0x2d: {  	[sflag:s14] =	ssyncadd.s32 $0xFFFFFC00  }
0x2e: {  	_ =	swait.ge [sflag:s14], $0x400  }
0x2f: {  	[sflag:s14] =	ssyncset.done $0x0  }
0x30: {  	[sflag:s14] =	ssyncadd.s32 $0xFFFFFC00  }
0x31: {  	_ =	swait.ge [sflag:s14], $0x400  }
0x32: {  	[sflag:s14] =	ssyncset.done $0x0  }
0x33: {  	[sflag:s14] =	ssyncadd.s32 $0xFFFFFC00  }
0x34: {  	_ =	swait.ge [sflag:s14], $0x400  }
0x35: {  	[sflag:s14] =	ssyncset.done $0x0  }
0x36: {  	[sflag:s14] =	ssyncadd.s32 $0xFFFFFC00  }
0x37: {  	_ =	swait.ge [sflag:s14], $0x400  }
0x38: {  	[sflag:s14] =	ssyncset.done $0x0  }
0x39: {  	[sflag:s14] =	ssyncadd.s32 $0xFFFFFC00  }
0x3a: {  	_ =	swait.ge [sflag:s14], $0x400  }
0x3b: {  	[sflag:s14] =	ssyncset.done $0x0  }
0x3c: {  	[sflag:s14] =	ssyncadd.s32 $0xFFFFFC00  }
0x3d: {  	_ =	swait.ge [sflag:s14], $0x400  }
0x3e: {  	s15 =	sadd.s32 $0x1, s15;
	[sflag:s14] =	ssyncset.done $0x0  }
0x3f: {  	p0 =	sne.s32 s15, s9;
	[sflag:s14] =	ssyncadd.s32 $0xFFFFFC00  }
.Ltmp1:
0x40: {  	[bflag:$0x0] =	sbarrier.arrive $0xFFFF;
	(pc) =	sbr.rel @p0 .LBB2_1-.Ltmp1, $4  }
0x41: {  	[hbm:s8], [sflag:s6] =	dma.local [spmem:s10], $0x280  }
0x42: {  	_ =	swait.ge [sflag:s11], $0x280  }
0x43: {  	[sflag:s11] =	ssyncset.done $0x0  }
0x44: {  	[sflag:s11] =	ssyncadd.s32 $0xFFFFFD80  }
0x45: {  	_ =	sfence.sel $0x180000  }
0x46: {  	[bflag:$0x0] =	sbarrier.arrive $0xFFFF  }
0x47: {  	p0 =	sne.s32 s0, $0x0;
	_ =	strace $0x90000047  }
0x48: {  	s0 =	sadd.s32 @!p0 $0x100000, s1;
	[bflag:$0x2] =	sbarrier.arrive $0xFFFF  }
0x49: {  	[sflag:s0] =	ssyncadd.tile.s32 @!p0 $0x1;
	_ =	shalt  }
.Lfunc_end2:
_tile_overlayer_lowered:
.L_overlay_start_2:
0x4a: {  	(tag) =	ssettag $0x2  }
0x4b: {  	s0 =	rddreg [dreg:$0x0];
	s2 =	stileid.u32  }
0x4c: {  	s1 =	rddreg [dreg:$0x1];
	p0 =	sne.s32 s2, $0x0  }
0x4d: {  	s3 =	rddreg [dreg:$0x2];
	[bflag:$0x3] =	sbarrier.arrive $0xFFFF;
	s2 =	simm.s32 @!p0 $0x1C02  }
0x4e: {  	[timem:s3], [sflag:s2] =	dma.local @!p0 [hbm:s0], s1  }
0x4f: {  	s0 =	simm.s32 @!p0 $0x2  }
0x50: {  	_ =	swait.ge @!p0 [sflag:s0], s1  }
0x51: {  	s1 =	ssub.s32 @!p0 $0x0, s1;
	[sflag:s0] =	ssyncset.done @!p0 $0x0  }
0x52: {  	[sflag:s0] =	ssyncadd.s32 @!p0 s1  }
0x53: {  	[bflag:$0x3] =	sbarrier.arrive $0xFFFF  }
0x54: {  	_ =	shalt  }

// kernel: kernel.13.cloned.1.call-start
scs
__scs_entry_jumppad:
0x0: {  	(pc) =	sbr.rel $0x88, $3  }
0x1: {  	(tag) =	ssettag $0x0;
	lr =	simm.s32 $0x1  }
0x2: {  	[smem:$0x3F96] =	sst lr;
	_ =	strace $0xD0000000  }
0x3: {  	_ = 	snop  }
0x4: {  	_ = 	snop  }
0x5: {  	_ = 	snop  }
0x6: {  	_ = 	snop  }
0x7: {  	_ = 	snop  }
__scs_overlays_trampoline_lowered:
0x8: {  	[smem:$0x3FA5] =	sst s0  }
0x9: {  	[smem:$0x3FA6] =	sst s1  }
0xa: {  	[smem:$0x3FA7] =	sst s2  }
0xb: {  	[smem:$0x3FA8] =	sst s3  }
0xc: {  	[smem:$0x3FA9] =	sst s4  }
0xd: {  	[smem:$0x3FAA] =	sst s5  }
0xe: {  	[smem:$0x3FAB] =	sst s6  }
0xf: {  	[smem:$0x3FAC] =	sst s7  }
0x10: {  	[smem:$0x3FAD] =	sst s8  }
0x11: {  	[smem:$0x3FAE] =	sst s9;
	s0 =	simm.s32 @!p0 $0x0  }
0x12: {  	s1 =	sld [smem:$0x3F94];
	s0 =	simm.s32 @p0 $0x1  }
0x13: {  	[smem:$0x3FAF] =	sst s0;
	s0 =	simm.s32 @!p1 $0x0  }
0x14: {  	s2 =	sld [smem:$0x3F93];
	s0 =	simm.s32 @p1 $0x1  }
0x15: {  	[smem:$0x3FB0] =	sst s0;
	s0 =	simm.s32 @!p2 $0x0  }
0x16: {  	s3 =	sld [smem:$0x3FDB];
	s0 =	simm.s32 @p2 $0x1  }
0x17: {  	s4 =	simm.s32 $0x1BF5;
	[smem:$0x3FB2] =	sst s0  }
0x18: {  	s0 =	sld [smem:$0x3F95];
	_ =	swait.ge [sflag:s4], $0x0  }
0x19: {  	s7 =	sld [smem:$0x3F96]  }
0x1a: {  	s8 =	sadd.s32 $0xFFFFE003, lr  }
0x1b: {  	s9 =	sadd.s32 $0xFFFFFEF7, lr;
	s5 =	simm.s32 $0xFFFFFFFF;
	p2 =	slt.u32 s8, $0xFFFFF086  }
0x1c: {  	p1 =	slt.u32 s9, $0xF7A;
	s5 =	simm.s32 @!p2 $0x0  }
0x1d: {  	s5 =	simm.s32 @p1 $0x1;
	p0 =	seq.s32 s7, s2  }
0x1e: {  	s7 =	smul.u32 @!p0 $0xF7A, s2;
	p2 =	seq.s32 @!p0 s5, $0x0  }
0x1f: {  	s9 =	smul.u32 $0xF7A, s1;
	s8 =	simm.s32 @!p0 $0x1BF5;
	p2 =	por !p2, p0  }
0x20: {  	[sflag:s8] =	ssyncset.s32 @!p0 $0xFFFFF086;
	s6 =	sadd.s32 @!p0 s3, s7;
	s7 =	simm.s32 @!p0 $0x108  }
0x21: {  	s3 =	sadd.s32 s3, s9;
	s6 =	sadd.s32 @!p0 $0x88, s6;
	s7 =	simm.s32 @p2 $0x1082  }
0x22: {  	[simem:s7], [sflag:s8] =	dma.local @!p0 [hbm:s6], $0xF7A  }
0x23: {  	s9 =	sor.u32 $0xD0000000, s2;
	s6 =	simm.s32 $0x108;
	_ =	swait.ge @!p0 [sflag:s8], $0x0  }
0x24: {  	s3 =	sadd.s32 $0x88, s3;
	s6 =	simm.s32 @!p1 $0x1082;
	[sflag:s4] =	ssyncset.s32 $0xFFFFF086  }
0x25: {  	[simem:s6], [sflag:s4] =	dma.local [hbm:s3], $0xF7A  }
0x26: {  	[smem:$0x3F96] =	sst s1;
	(tag) =	ssettag s2;
	_ =	strace s9  }
0x27: {  	s1 =	sld [smem:$0x3FA6]  }
0x28: {  	s2 =	sld [smem:$0x3FA7]  }
0x29: {  	s4 =	sld [smem:$0x3FA9]  }
0x2a: {  	p0 =	seq.s32 s5, $0x0;
	s5 =	sld [smem:$0x3FAA]  }
0x2b: {  	s6 =	sld [smem:$0x3FAB]  }
0x2c: {  	s7 =	sld [smem:$0x3FAC]  }
0x2d: {  	s3 =	simm.s32 $0x108;
	s8 =	sld [smem:$0x3FAD]  }
0x2e: {  	s3 =	simm.s32 @!p0 $0x1082;
	s9 =	sld [smem:$0x3FAE]  }
0x2f: {  	lr =	sadd.s32 s0, s3;
	s0 =	sld [smem:$0x3FA5]  }
0x30: {  	s3 =	sld [smem:$0x3FA8]  }
0x31: {  	[smem:$0x3FB1] =	sst s10  }
0x32: {  	s10 =	sld [smem:$0x3FAF];
	_ =	sdelay $0x3  }
0x33: {  	p0 =	seq.s32 s10, $0x1;
	s10 =	sld [smem:$0x3FB1];
	_ =	sdelay $0x3  }
0x34: {  	[smem:$0x3FB1] =	sst s10  }
0x35: {  	s10 =	sld [smem:$0x3FB0];
	_ =	sdelay $0x3  }
0x36: {  	p1 =	seq.s32 s10, $0x1;
	s10 =	sld [smem:$0x3FB1];
	_ =	sdelay $0x3  }
0x37: {  	[smem:$0x3FB1] =	sst s10  }
0x38: {  	s10 =	sld [smem:$0x3FB2]  }
0x39: {  	_ = 	snop;
	(pc) =	sbr.ind lr, $3  }
0x3a: {  	_ = 	snop  }
0x3b: {  	_ = 	snop  }
0x3c: {  	p2 =	seq.s32 s10, $0x1;
	s10 =	sld [smem:$0x3FB1]  }
0x3d: {  	_ =	shalt  }
0x3e: {  	_ =	shalt  }
0x3f: {  	_ =	shalt  }
0x40: {  	_ =	shalt  }
0x41: {  	_ =	shalt  }
0x42: {  	_ =	shalt  }
0x43: {  	_ =	shalt  }
0x44: {  	_ =	shalt  }
0x45: {  	_ =	shalt  }
0x46: {  	_ =	shalt  }
0x47: {  	_ =	shalt  }
0x48: {  	_ =	shalt  }
0x49: {  	_ =	shalt  }
0x4a: {  	_ =	shalt  }
0x4b: {  	_ =	shalt  }
0x4c: {  	_ =	shalt  }
0x4d: {  	_ =	shalt  }
0x4e: {  	_ =	shalt  }
0x4f: {  	_ =	shalt  }
0x50: {  	_ =	shalt  }
0x51: {  	_ =	shalt  }
0x52: {  	_ =	shalt  }
0x53: {  	_ =	shalt  }
0x54: {  	_ =	shalt  }
0x55: {  	_ =	shalt  }
0x56: {  	_ =	shalt  }
0x57: {  	_ =	shalt  }
0x58: {  	_ =	shalt  }
0x59: {  	_ =	shalt  }
0x5a: {  	_ =	shalt  }
0x5b: {  	_ =	shalt  }
0x5c: {  	_ =	shalt  }
0x5d: {  	_ =	shalt  }
0x5e: {  	_ =	shalt  }
0x5f: {  	_ =	shalt  }
0x60: {  	_ =	shalt  }
0x61: {  	_ =	shalt  }
0x62: {  	_ =	shalt  }
0x63: {  	_ =	shalt  }
0x64: {  	_ =	shalt  }
0x65: {  	_ =	shalt  }
0x66: {  	_ =	shalt  }
0x67: {  	_ =	shalt  }
0x68: {  	_ =	shalt  }
0x69: {  	_ =	shalt  }
0x6a: {  	_ =	shalt  }
0x6b: {  	_ =	shalt  }
0x6c: {  	_ =	shalt  }
0x6d: {  	_ =	shalt  }
0x6e: {  	_ =	shalt  }
0x6f: {  	_ =	shalt  }
0x70: {  	_ =	shalt  }
0x71: {  	_ =	shalt  }
0x72: {  	_ =	shalt  }
0x73: {  	_ =	shalt  }
0x74: {  	_ =	shalt  }
0x75: {  	_ =	shalt  }
0x76: {  	_ =	shalt  }
0x77: {  	_ =	shalt  }
0x78: {  	_ =	shalt  }
0x79: {  	_ =	shalt  }
0x7a: {  	_ =	shalt  }
0x7b: {  	_ =	shalt  }
0x7c: {  	_ =	shalt  }
0x7d: {  	_ =	shalt  }
0x7e: {  	_ =	shalt  }
0x7f: {  	_ =	shalt  }
0x80: {  	_ =	shalt  }
0x81: {  	_ =	shalt  }
0x82: {  	_ =	shalt  }
0x83: {  	_ =	shalt  }
0x84: {  	_ =	shalt  }
0x85: {  	_ =	shalt  }
0x86: {  	_ =	shalt  }
0x87: {  	_ =	shalt  }
.Lfunc_end0:
.L_simem_size_0:
called_computation.1_lowered:
.L_overlay_start_0:
0x88: {  	s2 =	sld [smem:$0x3FD9]  }
0x89: {  	s3 =	sld [smem:$0x3FFE];
	_ =	sdelay $0x1  }
0x8a: {  	s1 =	srdreg.scid  }
0x8b: {  	s0 =	sand.u32 $0x1, s1  }
0x8c: {  	s16 =	sshll.u32 s0, $0xA;
	s2 =	sadd.s32 s3, s2  }
0x8d: {  	s2 =	sadd.s32 s2, s16  }
0x8e: {  	[smem:$0x3FBD] =	sst s2  }
0x8f: {  	_ = 	snop  }
0x90: {  	(tm) =	ssettm $0x1  }
0x91: {  	s17 =	sld [smem:$0x3FFB];
	_ =	sdelay $0x3  }
0x92: {  	_ =	strace s17  }
0x93: {  	s2 =	sld [smem:$0x3FFC];
	_ =	sdelay $0x3  }
0x94: {  	_ =	strace s2  }
0x95: {  	s2 =	sld [smem:$0x3FFD];
	_ =	sdelay $0x3  }
0x96: {  	_ =	strace s2  }
0x97: {  	_ =	strace $0x8FFFFFFF  }
0x98: {  	s18 =	sld [smem:$0x3FDB];
	_ =	sdelay $0x1  }
0x99: {  	s19 =	simm.s32 $_scs_section_size  }
0x9a: {  	s4 =	simm.s32 $_size__tile_overlayer_lowered;
	s5 =	simm.s32 $_tile_overlayer_lowered  }
0x9b: {  	s22 =	simm.s32 $0x1BFF;
	s21 =	sshll.u32 s5, $0x1;
	s2 =	sadd.s32 s19, s18  }
0x9c: {  	s6 =	simm.s32 $0x0;
	s20 =	sshll.u32 s4, $0x1;
	s4 =	sadd.s32 s21, s2  }
0x9d: {  	[timem:s6], [sflag:s22] =	dma.local [hbm:s4], s20  }
0x9e: {  	_ =	swait.ge [sflag:s22], s20  }
0x9f: {  	s3 =	ssub.s32 $0x0, s20;
	[sflag:s22] =	ssyncset.done $0x0  }
0xa0: {  	[sflag:s22] =	ssyncadd.s32 s3;
	_ =	sdelay $0x1  }
0xa1: {  	s23 =	simm.s32 $0x1B8B  }
0xa2: {  	_ =	swait.ge [sflag:s23], $0x1  }
0xa3: {  	[sflag:s23] =	ssyncset.done $0x0  }
0xa4: {  	s25 =	simm.s32 $0x1B8E;
	s24 =	sld [smem:$0x3FFE];
	[sflag:s23] =	ssyncadd.s32 $0xFFFFFFFF  }
0xa5: {  	s26 =	simm.s32 $execute0_lowered;
	[smem:$0x3FD2] =	sst s25  }
0xa6: {  	s4 =	sshll.u32 s26, $0x1;
	_ =	strace $0x80000049;
	[dreg:$0x1] =	wrdreg $0xFFFFFFFF  }
0xa7: {  	s28 =	simm.s32 $_size_execute0_lowered;
	s2 =	sadd.s32 s2, s4;
	[dreg:$0x0] =	wrdreg $0x0  }
0xa8: {  	s4 =	sshll.u32 s28, $0x1;
	[dreg:$0x2] =	wrdreg s2  }
0xa9: {  	[dreg:$0x3] =	wrdreg s4  }
0xaa: {  	[dreg:$0x4] =	wrdreg $0xC0  }
0xab: {  	_ =	task [dreg:s6], $0x5FFFF  }
0xac: {  	[dreg:$0x1] =	wrdreg $0xFFFFFFFF  }
0xad: {  	[dreg:$0x0] =	wrdreg $0x60  }
0xae: {  	[dreg:$0x2] =	wrdreg s24  }
0xaf: {  	[dreg:$0x3] =	wrdreg $0x150000  }
0xb0: {  	[dreg:$0x4] =	wrdreg $0x9  }
0xb1: {  	_ =	task.clear_ibuf [dreg:s6], $0x5FFFF;
	_ =	strace $0x90000049  }
0xb2: {  	s29 =	simm.s32 $0x9;
	_ =	strace $0x8000004B  }
0xb3: {  	_ =	swait.ge [sflag:s29], $0x1  }
0xb4: {  	[sflag:s29] =	ssyncadd.s32 $0xFFFFFFFF  }
0xb5: {  	_ =	strace $0x9000004B  }
0xb6: {  	_ =	sfence  }
0xb7: {  	s30 =	sld [smem:$0x0];
	_ =	sdelay $0x2  }
0xb8: {  	s31 =	sshll.u32 s1, $0xD;
	s1 =	sshrl.u32 s1, $0x2  }
0xb9: {  	s3 =	sand.u32 $0x4000, s31;
	s1 =	sadd.s32 s1, s30  }
0xba: {  	s0 =	sor.u32 s3, s0;
	s1 =	sshll.u32 s1, $0x11  }
0xbb: {  	s0 =	sor.u32 s1, s0  }
0xbc: {  	s0 =	sadd.s32 $0x8F2B, s0  }
0xbd: {  	[sflag:s0] =	ssyncadd.remote.s32 $0x1  }
0xbe: {  	_ =	sfence.sel $0xFFFF  }
0xbf: {  	[dreg:$0x0] =	wrdreg $0xFFFFFFFF;
	(pc) =	sbr.abs _section_cstart, $3  }
0xc0: {  	[dreg:$0x1] =	wrdreg $0xFFFFFFFF  }
0xc1: {  	_ =	task.clear_ibuf [dreg:s6], $0x2FFFF;
	_ =	strace $0x9FFFFFFF  }
0xc2: {  	(tm) =	ssettm $0x7FFFFFFF  }
0xc3: {  	_ =	shalt  }
tec
execute0_lowered:
.L_overlay_start_1:
0x0: {  	(tag) =	ssettag $0x1  }
0x1: {  	s1 =	srdreg.scid  }
0x2: {  	s0 =	stileid.u32;
	s5 =	rddreg [dreg:$0x0]  }
0x3: {  	s12 =	simm.s32 $0x5000;
	s13 =	simm.s32 $0x7000;
	s14 =	simm.s32 $0x100  }
0x4: {  	s15 =	simm.s32 $0x9000;
	s16 =	simm.s32 $0x180;
	s17 =	simm.s32 $0xB000  }
0x5: {  	s20 =	simm.s32 $0x2800;
	s21 =	simm.s32 $0x1;
	s22 =	simm.s32 $0xD000  }
0x6: {  	s23 =	simm.s32 $0xF000;
	s24 =	simm.s32 $0x11000;
	s28 =	simm.s32 $0x2  }
0x7: {  	s29 =	simm.s32 $0x4;
	s30 =	simm.s32 $0x0;
	s1 =	sand.u32 $0x1, s1  }
0x8: {  	s2 =	sshll.u32 s0, $0x1;
	s7 =	smul.u32 $0xA000, s0;
	s4 =	sadd.s32 $0x16400, s5  }
0x9: {  	s31 =	sshll.u32 s0, $0x6;
	s3 =	sor.u32 s1, s2;
	s2 =	rddreg [dreg:$0x1]  }
0xa: {  	s8 =	smul.u32 $0xA0000, s1;
	s1 =	ssub.s32 $0x2, s1;
	s18 =	sor.u32 $0x1C05, s31  }
0xb: {  	s6 =	smul.u32 $0x500, s3;
	s3 =	simm.s32 $0x0;
	s26 =	sshrl.u32 s7, $0x3  }
0xc: {  	s10 =	sshrl.u32 s1, $0x1;
	s19 =	sadd.s32 s7, s2;
	[smem:$0x7FF] =	sst s3  }
0xd: {  	s25 =	sadd.s32 s7, s8;
	s8 =	sadd.s32 s26, s5;
	s1 =	ssub.s32 s1, s10  }
.Ltmp0:
0xe: {  	s10 =	simm.s32 $0x5;
	s19 =	sshrl.u32 s19, $0x3;
	(pc) =	sbr.rel .LBB2_1-.Ltmp0, $4  }
0xf: {  	s26 =	simm.s32 $0x3;
	s9 =	sadd.s32 s6, s5;
	s6 =	sshrl.u32 s25, $0x3  }
0x10: {  	_ =	strace $0x8000004A;
	s25 =	simm.s32 $0x13000;
	s11 =	sadd.s32 s6, s5  }
0x11: {  	s5 =	sadd.s32 $0xC400, s9;
	s6 =	sadd.s32 $0x29E00, s8;
	s7 =	sadd.s32 $0x2400, s9  }
0x12: {  	s9 =	smax.u32 s1, $0x1;
	s8 =	sadd.s32 $0x3DE00, s11;
	s11 =	simm.s32 $0x80  }
.LBB2_4:
0x13: {  	_ =	swait.ge [sflag:s29], $0x2000  }
0x14: {  	[sflag:s29] =	ssyncset.done $0x0  }
0x15: {  	[sflag:s29] =	ssyncadd.s32 $0xFFFFE000  }
0x16: {  	_ =	swait.ge [sflag:s29], $0x2000  }
0x17: {  	[sflag:s29] =	ssyncset.done $0x0  }
0x18: {  	[sflag:s29] =	ssyncadd.s32 $0xFFFFE000  }
0x19: {  	_ =	swait.ge [sflag:s29], $0x2000  }
0x1a: {  	[sflag:s29] =	ssyncset.done $0x0  }
0x1b: {  	[sflag:s29] =	ssyncadd.s32 $0xFFFFE000  }
0x1c: {  	_ =	swait.ge [sflag:s29], $0x2000  }
0x1d: {  	s30 =	sadd.s32 $0x1, s30;
	[sflag:s29] =	ssyncset.done $0x0  }
0x1e: {  	p0 =	sne.s32 s30, s9;
	[sflag:s29] =	ssyncadd.s32 $0xFFFFE000  }
.Ltmp1:
0x1f: {  	[bflag:$0x0] =	sbarrier.arrive $0xFFFF;
	(pc) =	sbr.rel @!p0 .LBB2_5-.Ltmp1, $4  }
0x20: {  	[hbm:s8], [sflag:s18] =	dma.local [spmem:s19], $0x1400  }
0x21: {  	_ =	swait.ge [sflag:s10], $0x1400  }
0x22: {  	[sflag:s10] =	ssyncset.done $0x0  }
0x23: {  	[sflag:s10] =	ssyncadd.s32 $0xFFFFEC00  }
.LBB2_1:
0x24: {  	[tilespmem:s3], [sflag:$0x5] =	stream.linear.gather [hbm4b:s5+s3], $0x2800, $0x38;
	[tilespmem:$0x1F000] =	vst v63  }
0x25: {  	_ =	swait.ge [sflag:s10], $0x2800  }
0x26: {  	[sflag:s10] =	ssyncset.done $0x0  }
0x27: {  	[sflag:s10] =	ssyncadd.s32 $0xFFFFD800  }
0x28: {  	[tilespmem:s12], [sflag:$0x1] =	stream.indirect.gather [hbm4b:s4+s11], $0x40, s3, s11, $0xb8;
	[tilespmem:$0x1F000] =	vst v63  }
0x29: {  	_ = 	snop  }
0x2a: {  	[tilespmem:s13], [sflag:$0x1] =	stream.indirect.gather [hbm4b:s4+s11], $0x40, s11, s11, $0xb8;
	[tilespmem:$0x1F000] =	vst v63  }
0x2b: {  	_ = 	snop  }
0x2c: {  	[tilespmem:s15], [sflag:$0x1] =	stream.indirect.gather [hbm4b:s4+s11], $0x40, s14, s11, $0xb8;
	[tilespmem:$0x1F000] =	vst v63  }
0x2d: {  	_ = 	snop  }
0x2e: {  	[tilespmem:s17], [sflag:$0x1] =	stream.indirect.gather [hbm4b:s4+s11], $0x40, s16, s11, $0xb8;
	[tilespmem:$0x1F000] =	vst v63  }
0x2f: {  	[spmem:s19], [sflag:s18] =	dma.local [hbm:s6], $0x1400  }
0x30: {  	_ =	swait.ge [sflag:s10], $0x1400  }
0x31: {  	[sflag:s10] =	ssyncset.done $0x0  }
0x32: {  	[sflag:s10] =	ssyncadd.s32 $0xFFFFEC00  }
0x33: {  	[tilespmem:s20], [sflag:$0x5] =	stream.linear.gather [hbm4b:s7+s3], $0x2800, $0x38;
	[tilespmem:$0x1F000] =	vst v63  }
0x34: {  	_ =	swait.ge [sflag:s10], $0x2800  }
0x35: {  	[sflag:s10] =	ssyncset.done $0x0  }
0x36: {  	[sflag:s10] =	ssyncadd.s32 $0xFFFFD800  }
0x37: {  	s31 =	simm.s32 $0x0;
	[bflag:$0x0] =	sbarrier.arrive $0xFFFF  }
.LBB2_2:
0x38: {  	_ =	swait.ge [sflag:s21], $0x2000  }
0x39: {  	[sflag:s21] =	ssyncset.done $0x0  }
0x3a: {  	[sflag:s21] =	ssyncadd.s32 $0xFFFFE000  }
0x3b: {  	_ =	swait.ge [sflag:s21], $0x2000  }
0x3c: {  	[sflag:s21] =	ssyncset.done $0x0  }
0x3d: {  	[sflag:s21] =	ssyncadd.s32 $0xFFFFE000  }
0x3e: {  	_ =	swait.ge [sflag:s21], $0x2000  }
0x3f: {  	[sflag:s21] =	ssyncset.done $0x0  }
0x40: {  	[sflag:s21] =	ssyncadd.s32 $0xFFFFE000  }
0x41: {  	_ =	swait.ge [sflag:s21], $0x2000  }
0x42: {  	s1 =	sshra.s32 s31, $0x2;
	[sflag:s21] =	ssyncset.done $0x0  }
0x43: {  	s0 =	sadd.s32 $0x2800, s1;
	[sflag:s21] =	ssyncadd.s32 $0xFFFFE000  }
0x44: {  	[spmem:s2] =	stream.indirect.scatter.add.f32 [tilespmem:s12], [sflag:$0x2], $0x40, s0, s11, $0xb8;
	[tilespmem:$0x1F000] =	vst v63  }
0x45: {  	s0 =	sadd.s32 $0x2880, s1  }
0x46: {  	[spmem:s2] =	stream.indirect.scatter.add.f32 [tilespmem:s13], [sflag:$0x2], $0x40, s0, s11, $0xb8;
	[tilespmem:$0x1F000] =	vst v63  }
0x47: {  	s0 =	sadd.s32 $0x2900, s1  }
0x48: {  	[spmem:s2] =	stream.indirect.scatter.add.f32 [tilespmem:s15], [sflag:$0x2], $0x40, s0, s11, $0xb8;
	[tilespmem:$0x1F000] =	vst v63  }
0x49: {  	p0 =	seq.s32 s31, $0x0;
	s0 =	sadd.s32 $0x2980, s1  }
0x4a: {  	[spmem:s2] =	stream.indirect.scatter.add.f32 [tilespmem:s17], [sflag:$0x2], $0x40, s0, s11, $0xb8;
	[tilespmem:$0x1F000] =	vst v63  }
0x4b: {  	s0 =	simm.s32 @!p0 $0x4  }
0x4c: {  	_ =	swait.ge @!p0 [sflag:s0], $0x2000  }
0x4d: {  	[sflag:s0] =	ssyncset.done @!p0 $0x0  }
0x4e: {  	[sflag:s0] =	ssyncadd.s32 @!p0 $0xFFFFE000  }
0x4f: {  	_ =	swait.ge @!p0 [sflag:s0], $0x2000  }
0x50: {  	[sflag:s0] =	ssyncset.done @!p0 $0x0  }
0x51: {  	[sflag:s0] =	ssyncadd.s32 @!p0 $0xFFFFE000  }
0x52: {  	_ =	swait.ge @!p0 [sflag:s0], $0x2000  }
0x53: {  	[sflag:s0] =	ssyncset.done @!p0 $0x0  }
0x54: {  	[sflag:s0] =	ssyncadd.s32 @!p0 $0xFFFFE000  }
0x55: {  	_ =	swait.ge @!p0 [sflag:s0], $0x2000  }
0x56: {  	[sflag:s0] =	ssyncset.done @!p0 $0x0  }
0x57: {  	[sflag:s0] =	ssyncadd.s32 @!p0 $0xFFFFE000;
	s0 =	sadd.s32 $0x200, s1  }
0x58: {  	[tilespmem:s22], [sflag:$0x3] =	stream.indirect.gather [hbm4b:s4+s11], $0x40, s0, s11, $0xb8;
	[tilespmem:$0x1F000] =	vst v63  }
0x59: {  	s0 =	sadd.s32 $0x280, s1  }
0x5a: {  	[tilespmem:s23], [sflag:$0x3] =	stream.indirect.gather [hbm4b:s4+s11], $0x40, s0, s11, $0xb8;
	[tilespmem:$0x1F000] =	vst v63  }
0x5b: {  	s0 =	sadd.s32 $0x300, s1  }
0x5c: {  	[tilespmem:s24], [sflag:$0x3] =	stream.indirect.gather [hbm4b:s4+s11], $0x40, s0, s11, $0xb8;
	[tilespmem:$0x1F000] =	vst v63  }
0x5d: {  	s0 =	sadd.s32 $0x380, s1  }
0x5e: {  	[tilespmem:s25], [sflag:$0x3] =	stream.indirect.gather [hbm4b:s4+s11], $0x40, s0, s11, $0xb8;
	[tilespmem:$0x1F000] =	vst v63  }
0x5f: {  	_ =	swait.ge [sflag:s26], $0x2000  }
0x60: {  	[sflag:s26] =	ssyncset.done $0x0  }
0x61: {  	[sflag:s26] =	ssyncadd.s32 $0xFFFFE000  }
0x62: {  	_ =	swait.ge [sflag:s26], $0x2000  }
0x63: {  	[sflag:s26] =	ssyncset.done $0x0  }
0x64: {  	[sflag:s26] =	ssyncadd.s32 $0xFFFFE000  }
0x65: {  	_ =	swait.ge [sflag:s26], $0x2000  }
0x66: {  	[sflag:s26] =	ssyncset.done $0x0  }
0x67: {  	[sflag:s26] =	ssyncadd.s32 $0xFFFFE000  }
0x68: {  	_ =	swait.ge [sflag:s26], $0x2000  }
0x69: {  	[sflag:s26] =	ssyncset.done $0x0  }
0x6a: {  	s0 =	sadd.s32 $0x2A00, s1;
	[sflag:s26] =	ssyncadd.s32 $0xFFFFE000  }
0x6b: {  	[spmem:s2] =	stream.indirect.scatter.add.f32 [tilespmem:s22], [sflag:$0x4], $0x40, s0, s11, $0xb8;
	[tilespmem:$0x1F000] =	vst v63  }
0x6c: {  	s0 =	sadd.s32 $0x2A80, s1  }
0x6d: {  	[spmem:s2] =	stream.indirect.scatter.add.f32 [tilespmem:s23], [sflag:$0x4], $0x40, s0, s11, $0xb8;
	[tilespmem:$0x1F000] =	vst v63  }
0x6e: {  	s0 =	sadd.s32 $0x2B00, s1  }
0x6f: {  	[spmem:s2] =	stream.indirect.scatter.add.f32 [tilespmem:s24], [sflag:$0x4], $0x40, s0, s11, $0xb8;
	[tilespmem:$0x1F000] =	vst v63  }
0x70: {  	s0 =	sadd.s32 $0x2B80, s1  }
0x71: {  	[spmem:s2] =	stream.indirect.scatter.add.f32 [tilespmem:s25], [sflag:$0x4], $0x40, s0, s11, $0xb8;
	[tilespmem:$0x1F000] =	vst v63  }
0x72: {  	_ =	swait.ge [sflag:s28], $0x2000  }
0x73: {  	[sflag:s28] =	ssyncset.done $0x0  }
0x74: {  	[sflag:s28] =	ssyncadd.s32 $0xFFFFE000  }
0x75: {  	_ =	swait.ge [sflag:s28], $0x2000  }
0x76: {  	[sflag:s28] =	ssyncset.done $0x0  }
0x77: {  	[sflag:s28] =	ssyncadd.s32 $0xFFFFE000  }
0x78: {  	p0 =	seq.s32 s31, $0x9000;
	_ =	swait.ge [sflag:s28], $0x2000  }
.Ltmp2:
0x79: {  	[sflag:s28] =	ssyncset.done $0x0;
	(pc) =	sbr.rel @p0 .LBB2_4-.Ltmp2, $4  }
0x7a: {  	[sflag:s28] =	ssyncadd.s32 $0xFFFFE000  }
0x7b: {  	_ =	swait.ge [sflag:s28], $0x2000  }
0x7c: {  	[sflag:s28] =	ssyncset.done $0x0  }
0x7d: {  	[sflag:s28] =	ssyncadd.s32 $0xFFFFE000  }
0x7e: {  	s0 =	sadd.s32 $0x400, s1  }
0x7f: {  	[tilespmem:s12], [sflag:$0x1] =	stream.indirect.gather [hbm4b:s4+s11], $0x40, s0, s11, $0xb8;
	[tilespmem:$0x1F000] =	vst v63  }
0x80: {  	s0 =	sadd.s32 $0x480, s1  }
0x81: {  	[tilespmem:s13], [sflag:$0x1] =	stream.indirect.gather [hbm4b:s4+s11], $0x40, s0, s11, $0xb8;
	[tilespmem:$0x1F000] =	vst v63  }
.Ltmp3:
0x82: {  	_ = 	snop;
	(pc) =	sbr.rel .LBB2_2-.Ltmp3, $4  }
0x83: {  	s0 =	sadd.s32 $0x500, s1  }
0x84: {  	[tilespmem:s15], [sflag:$0x1] =	stream.indirect.gather [hbm4b:s4+s11], $0x40, s0, s11, $0xb8;
	[tilespmem:$0x1F000] =	vst v63  }
0x85: {  	s31 =	sadd.s32 $0x1000, s31;
	s1 =	sadd.s32 $0x580, s1  }
0x86: {  	[tilespmem:s17], [sflag:$0x1] =	stream.indirect.gather [hbm4b:s4+s11], $0x40, s1, s11, $0xb8;
	[tilespmem:$0x1F000] =	vst v63  }
.LBB2_5:
0x87: {  	_ =	sfence.sel $0x180000  }
0x88: {  	[bflag:$0x0] =	sbarrier.arrive $0xFFFF  }
0x89: {  	_ =	strace $0x9000004A  }
0x8a: {  	s0 =	stileid.u32;
	[bflag:$0x2] =	sbarrier.arrive $0xFFFF  }
0x8b: {  	p0 =	sne.s32 s0, $0x0;
	s0 =	rddreg [dreg:$0x2]  }
0x8c: {  	s0 =	sadd.s32 @!p0 $0x100000, s0  }
0x8d: {  	[sflag:s0] =	ssyncadd.tile.s32 @!p0 $0x1;
	_ =	shalt  }
.Lfunc_end2:
_tile_overlayer_lowered:
.L_overlay_start_2:
0x8e: {  	(tag) =	ssettag $0x2  }
0x8f: {  	s0 =	rddreg [dreg:$0x0];
	s2 =	stileid.u32  }
0x90: {  	s1 =	rddreg [dreg:$0x1];
	p0 =	sne.s32 s2, $0x0  }
0x91: {  	s3 =	rddreg [dreg:$0x2];
	[bflag:$0x3] =	sbarrier.arrive $0xFFFF;
	s2 =	simm.s32 @!p0 $0x1C05  }
0x92: {  	[timem:s3], [sflag:s2] =	dma.local @!p0 [hbm:s0], s1  }
0x93: {  	s0 =	simm.s32 @!p0 $0x5  }
0x94: {  	_ =	swait.ge @!p0 [sflag:s0], s1  }
0x95: {  	s1 =	ssub.s32 @!p0 $0x0, s1;
	[sflag:s0] =	ssyncset.done @!p0 $0x0  }
0x96: {  	[sflag:s0] =	ssyncadd.s32 @!p0 s1  }
0x97: {  	[bflag:$0x3] =	sbarrier.arrive $0xFFFF  }
0x98: {  	_ =	shalt  }

// kernel: kernel.16.cloned.1.call-start
scs
__scs_entry_jumppad:
0x0: {  	(pc) =	sbr.rel $0x88, $3  }
0x1: {  	(tag) =	ssettag $0x0;
	lr =	simm.s32 $0x1  }
0x2: {  	[smem:$0x3F96] =	sst lr;
	_ =	strace $0xD0000000  }
0x3: {  	_ = 	snop  }
0x4: {  	_ = 	snop  }
0x5: {  	_ = 	snop  }
0x6: {  	_ = 	snop  }
0x7: {  	_ = 	snop  }
__scs_overlays_trampoline_lowered:
0x8: {  	[smem:$0x3FA5] =	sst s0  }
0x9: {  	[smem:$0x3FA6] =	sst s1  }
0xa: {  	[smem:$0x3FA7] =	sst s2  }
0xb: {  	[smem:$0x3FA8] =	sst s3  }
0xc: {  	[smem:$0x3FA9] =	sst s4  }
0xd: {  	[smem:$0x3FAA] =	sst s5  }
0xe: {  	[smem:$0x3FAB] =	sst s6  }
0xf: {  	[smem:$0x3FAC] =	sst s7  }
0x10: {  	[smem:$0x3FAD] =	sst s8  }
0x11: {  	[smem:$0x3FAE] =	sst s9;
	s0 =	simm.s32 @!p0 $0x0  }
0x12: {  	s1 =	sld [smem:$0x3F94];
	s0 =	simm.s32 @p0 $0x1  }
0x13: {  	[smem:$0x3FAF] =	sst s0;
	s0 =	simm.s32 @!p1 $0x0  }
0x14: {  	s2 =	sld [smem:$0x3F93];
	s0 =	simm.s32 @p1 $0x1  }
0x15: {  	[smem:$0x3FB0] =	sst s0;
	s0 =	simm.s32 @!p2 $0x0  }
0x16: {  	s3 =	sld [smem:$0x3FDB];
	s0 =	simm.s32 @p2 $0x1  }
0x17: {  	s4 =	simm.s32 $0x1BF5;
	[smem:$0x3FB2] =	sst s0  }
0x18: {  	s0 =	sld [smem:$0x3F95];
	_ =	swait.ge [sflag:s4], $0x0  }
0x19: {  	s7 =	sld [smem:$0x3F96]  }
0x1a: {  	s8 =	sadd.s32 $0xFFFFE003, lr  }
0x1b: {  	s9 =	sadd.s32 $0xFFFFFEF7, lr;
	s5 =	simm.s32 $0xFFFFFFFF;
	p2 =	slt.u32 s8, $0xFFFFF086  }
0x1c: {  	p1 =	slt.u32 s9, $0xF7A;
	s5 =	simm.s32 @!p2 $0x0  }
0x1d: {  	s5 =	simm.s32 @p1 $0x1;
	p0 =	seq.s32 s7, s2  }
0x1e: {  	s7 =	smul.u32 @!p0 $0xF7A, s2;
	p2 =	seq.s32 @!p0 s5, $0x0  }
0x1f: {  	s9 =	smul.u32 $0xF7A, s1;
	s8 =	simm.s32 @!p0 $0x1BF5;
	p2 =	por !p2, p0  }
0x20: {  	[sflag:s8] =	ssyncset.s32 @!p0 $0xFFFFF086;
	s6 =	sadd.s32 @!p0 s3, s7;
	s7 =	simm.s32 @!p0 $0x108  }
0x21: {  	s3 =	sadd.s32 s3, s9;
	s6 =	sadd.s32 @!p0 $0x88, s6;
	s7 =	simm.s32 @p2 $0x1082  }
0x22: {  	[simem:s7], [sflag:s8] =	dma.local @!p0 [hbm:s6], $0xF7A  }
0x23: {  	s9 =	sor.u32 $0xD0000000, s2;
	s6 =	simm.s32 $0x108;
	_ =	swait.ge @!p0 [sflag:s8], $0x0  }
0x24: {  	s3 =	sadd.s32 $0x88, s3;
	s6 =	simm.s32 @!p1 $0x1082;
	[sflag:s4] =	ssyncset.s32 $0xFFFFF086  }
0x25: {  	[simem:s6], [sflag:s4] =	dma.local [hbm:s3], $0xF7A  }
0x26: {  	[smem:$0x3F96] =	sst s1;
	(tag) =	ssettag s2;
	_ =	strace s9  }
0x27: {  	s1 =	sld [smem:$0x3FA6]  }
0x28: {  	s2 =	sld [smem:$0x3FA7]  }
0x29: {  	s4 =	sld [smem:$0x3FA9]  }
0x2a: {  	p0 =	seq.s32 s5, $0x0;
	s5 =	sld [smem:$0x3FAA]  }
0x2b: {  	s6 =	sld [smem:$0x3FAB]  }
0x2c: {  	s7 =	sld [smem:$0x3FAC]  }
0x2d: {  	s3 =	simm.s32 $0x108;
	s8 =	sld [smem:$0x3FAD]  }
0x2e: {  	s3 =	simm.s32 @!p0 $0x1082;
	s9 =	sld [smem:$0x3FAE]  }
0x2f: {  	lr =	sadd.s32 s0, s3;
	s0 =	sld [smem:$0x3FA5]  }
0x30: {  	s3 =	sld [smem:$0x3FA8]  }
0x31: {  	[smem:$0x3FB1] =	sst s10  }
0x32: {  	s10 =	sld [smem:$0x3FAF];
	_ =	sdelay $0x3  }
0x33: {  	p0 =	seq.s32 s10, $0x1;
	s10 =	sld [smem:$0x3FB1];
	_ =	sdelay $0x3  }
0x34: {  	[smem:$0x3FB1] =	sst s10  }
0x35: {  	s10 =	sld [smem:$0x3FB0];
	_ =	sdelay $0x3  }
0x36: {  	p1 =	seq.s32 s10, $0x1;
	s10 =	sld [smem:$0x3FB1];
	_ =	sdelay $0x3  }
0x37: {  	[smem:$0x3FB1] =	sst s10  }
0x38: {  	s10 =	sld [smem:$0x3FB2]  }
0x39: {  	_ = 	snop;
	(pc) =	sbr.ind lr, $3  }
0x3a: {  	_ = 	snop  }
0x3b: {  	_ = 	snop  }
0x3c: {  	p2 =	seq.s32 s10, $0x1;
	s10 =	sld [smem:$0x3FB1]  }
0x3d: {  	_ =	shalt  }
0x3e: {  	_ =	shalt  }
0x3f: {  	_ =	shalt  }
0x40: {  	_ =	shalt  }
0x41: {  	_ =	shalt  }
0x42: {  	_ =	shalt  }
0x43: {  	_ =	shalt  }
0x44: {  	_ =	shalt  }
0x45: {  	_ =	shalt  }
0x46: {  	_ =	shalt  }
0x47: {  	_ =	shalt  }
0x48: {  	_ =	shalt  }
0x49: {  	_ =	shalt  }
0x4a: {  	_ =	shalt  }
0x4b: {  	_ =	shalt  }
0x4c: {  	_ =	shalt  }
0x4d: {  	_ =	shalt  }
0x4e: {  	_ =	shalt  }
0x4f: {  	_ =	shalt  }
0x50: {  	_ =	shalt  }
0x51: {  	_ =	shalt  }
0x52: {  	_ =	shalt  }
0x53: {  	_ =	shalt  }
0x54: {  	_ =	shalt  }
0x55: {  	_ =	shalt  }
0x56: {  	_ =	shalt  }
0x57: {  	_ =	shalt  }
0x58: {  	_ =	shalt  }
0x59: {  	_ =	shalt  }
0x5a: {  	_ =	shalt  }
0x5b: {  	_ =	shalt  }
0x5c: {  	_ =	shalt  }
0x5d: {  	_ =	shalt  }
0x5e: {  	_ =	shalt  }
0x5f: {  	_ =	shalt  }
0x60: {  	_ =	shalt  }
0x61: {  	_ =	shalt  }
0x62: {  	_ =	shalt  }
0x63: {  	_ =	shalt  }
0x64: {  	_ =	shalt  }
0x65: {  	_ =	shalt  }
0x66: {  	_ =	shalt  }
0x67: {  	_ =	shalt  }
0x68: {  	_ =	shalt  }
0x69: {  	_ =	shalt  }
0x6a: {  	_ =	shalt  }
0x6b: {  	_ =	shalt  }
0x6c: {  	_ =	shalt  }
0x6d: {  	_ =	shalt  }
0x6e: {  	_ =	shalt  }
0x6f: {  	_ =	shalt  }
0x70: {  	_ =	shalt  }
0x71: {  	_ =	shalt  }
0x72: {  	_ =	shalt  }
0x73: {  	_ =	shalt  }
0x74: {  	_ =	shalt  }
0x75: {  	_ =	shalt  }
0x76: {  	_ =	shalt  }
0x77: {  	_ =	shalt  }
0x78: {  	_ =	shalt  }
0x79: {  	_ =	shalt  }
0x7a: {  	_ =	shalt  }
0x7b: {  	_ =	shalt  }
0x7c: {  	_ =	shalt  }
0x7d: {  	_ =	shalt  }
0x7e: {  	_ =	shalt  }
0x7f: {  	_ =	shalt  }
0x80: {  	_ =	shalt  }
0x81: {  	_ =	shalt  }
0x82: {  	_ =	shalt  }
0x83: {  	_ =	shalt  }
0x84: {  	_ =	shalt  }
0x85: {  	_ =	shalt  }
0x86: {  	_ =	shalt  }
0x87: {  	_ =	shalt  }
.Lfunc_end0:
.L_simem_size_0:
called_computation.2_lowered:
.L_overlay_start_0:
0x88: {  	s2 =	sld [smem:$0x3FD9]  }
0x89: {  	s3 =	sld [smem:$0x3FFE];
	_ =	sdelay $0x1  }
0x8a: {  	s1 =	srdreg.scid  }
0x8b: {  	s0 =	sand.u32 $0x1, s1  }
0x8c: {  	s16 =	sshll.u32 s0, $0xA;
	s2 =	sadd.s32 s3, s2  }
0x8d: {  	s2 =	sadd.s32 s2, s16  }
0x8e: {  	[smem:$0x3FBD] =	sst s2  }
0x8f: {  	_ = 	snop  }
0x90: {  	(tm) =	ssettm $0x1  }
0x91: {  	s17 =	sld [smem:$0x3FFB];
	_ =	sdelay $0x3  }
0x92: {  	_ =	strace s17  }
0x93: {  	s2 =	sld [smem:$0x3FFC];
	_ =	sdelay $0x3  }
0x94: {  	_ =	strace s2  }
0x95: {  	s2 =	sld [smem:$0x3FFD];
	_ =	sdelay $0x3  }
0x96: {  	_ =	strace s2  }
0x97: {  	_ =	strace $0x8FFFFFFF  }
0x98: {  	s18 =	sld [smem:$0x3FDB];
	_ =	sdelay $0x1  }
0x99: {  	s19 =	simm.s32 $_scs_section_size  }
0x9a: {  	s4 =	simm.s32 $_size__tile_overlayer_lowered;
	s5 =	simm.s32 $_tile_overlayer_lowered  }
0x9b: {  	s22 =	simm.s32 $0x1BFF;
	s21 =	sshll.u32 s5, $0x1;
	s2 =	sadd.s32 s19, s18  }
0x9c: {  	s6 =	simm.s32 $0x0;
	s20 =	sshll.u32 s4, $0x1;
	s4 =	sadd.s32 s21, s2  }
0x9d: {  	[timem:s6], [sflag:s22] =	dma.local [hbm:s4], s20  }
0x9e: {  	_ =	swait.ge [sflag:s22], s20  }
0x9f: {  	s3 =	ssub.s32 $0x0, s20;
	[sflag:s22] =	ssyncset.done $0x0  }
0xa0: {  	[sflag:s22] =	ssyncadd.s32 s3;
	_ =	sdelay $0x1  }
0xa1: {  	s23 =	simm.s32 $0x1B8B  }
0xa2: {  	_ =	swait.ge [sflag:s23], $0x1  }
0xa3: {  	[sflag:s23] =	ssyncset.done $0x0  }
0xa4: {  	s25 =	simm.s32 $0x1B8E;
	s24 =	sld [smem:$0x3FFE];
	[sflag:s23] =	ssyncadd.s32 $0xFFFFFFFF  }
0xa5: {  	s26 =	simm.s32 $execute0_lowered;
	[smem:$0x3FD2] =	sst s25  }
0xa6: {  	s4 =	sshll.u32 s26, $0x1;
	_ =	strace $0x8000004C;
	[dreg:$0x1] =	wrdreg $0xFFFFFFFF  }
0xa7: {  	s28 =	simm.s32 $_size_execute0_lowered;
	s2 =	sadd.s32 s2, s4;
	[dreg:$0x0] =	wrdreg $0x0  }
0xa8: {  	s4 =	sshll.u32 s28, $0x1;
	[dreg:$0x2] =	wrdreg s2  }
0xa9: {  	[dreg:$0x3] =	wrdreg s4  }
0xaa: {  	[dreg:$0x4] =	wrdreg $0xC0  }
0xab: {  	_ =	task [dreg:s6], $0x5FFFF  }
0xac: {  	[dreg:$0x1] =	wrdreg $0xFFFFFFFF  }
0xad: {  	[dreg:$0x0] =	wrdreg $0x60  }
0xae: {  	[dreg:$0x2] =	wrdreg s24  }
0xaf: {  	[dreg:$0x3] =	wrdreg $0x150000  }
0xb0: {  	[dreg:$0x4] =	wrdreg $0x9  }
0xb1: {  	_ =	task.clear_ibuf [dreg:s6], $0x5FFFF;
	_ =	strace $0x9000004C  }
0xb2: {  	s29 =	simm.s32 $0x9;
	_ =	strace $0x8000004E  }
0xb3: {  	_ =	swait.ge [sflag:s29], $0x1  }
0xb4: {  	[sflag:s29] =	ssyncadd.s32 $0xFFFFFFFF  }
0xb5: {  	_ =	strace $0x9000004E  }
0xb6: {  	_ =	sfence  }
0xb7: {  	s30 =	sld [smem:$0x0];
	_ =	sdelay $0x2  }
0xb8: {  	s31 =	sshll.u32 s1, $0xD;
	s1 =	sshrl.u32 s1, $0x2  }
0xb9: {  	s3 =	sand.u32 $0x4000, s31;
	s1 =	sadd.s32 s1, s30  }
0xba: {  	s0 =	sor.u32 s3, s0;
	s1 =	sshll.u32 s1, $0x11  }
0xbb: {  	s0 =	sor.u32 s1, s0  }
0xbc: {  	s0 =	sadd.s32 $0x8F2B, s0  }
0xbd: {  	[sflag:s0] =	ssyncadd.remote.s32 $0x1  }
0xbe: {  	_ =	sfence.sel $0xFFFF  }
0xbf: {  	[dreg:$0x0] =	wrdreg $0xFFFFFFFF;
	(pc) =	sbr.abs _section_cstart, $3  }
0xc0: {  	[dreg:$0x1] =	wrdreg $0xFFFFFFFF  }
0xc1: {  	_ =	task.clear_ibuf [dreg:s6], $0x2FFFF;
	_ =	strace $0x9FFFFFFF  }
0xc2: {  	(tm) =	ssettm $0x7FFFFFFF  }
0xc3: {  	_ =	shalt  }
tec
execute0_lowered:
.L_overlay_start_1:
0x0: {  	(tag) =	ssettag $0x1  }
0x1: {  	s1 =	srdreg.scid  }
0x2: {  	s0 =	stileid.u32;
	s5 =	rddreg [dreg:$0x0]  }
0x3: {  	s12 =	simm.s32 $0x5000;
	s13 =	simm.s32 $0x7000;
	s14 =	simm.s32 $0x100  }
0x4: {  	s15 =	simm.s32 $0x9000;
	s16 =	simm.s32 $0x180;
	s17 =	simm.s32 $0xB000  }
0x5: {  	s20 =	simm.s32 $0x2800;
	s21 =	simm.s32 $0x1;
	s22 =	simm.s32 $0xD000  }
0x6: {  	s23 =	simm.s32 $0xF000;
	s24 =	simm.s32 $0x11000;
	s28 =	simm.s32 $0x2  }
0x7: {  	s29 =	simm.s32 $0x4;
	s30 =	simm.s32 $0x0;
	s1 =	sand.u32 $0x1, s1  }
0x8: {  	s2 =	sshll.u32 s0, $0x1;
	s7 =	smul.u32 $0xA000, s0;
	s4 =	sadd.s32 $0x16400, s5  }
0x9: {  	s31 =	sshll.u32 s0, $0x6;
	s3 =	sor.u32 s1, s2;
	s2 =	rddreg [dreg:$0x1]  }
0xa: {  	s8 =	smul.u32 $0xA0000, s1;
	s1 =	ssub.s32 $0x2, s1;
	s18 =	sor.u32 $0x1C05, s31  }
0xb: {  	s6 =	smul.u32 $0x500, s3;
	s3 =	simm.s32 $0x0;
	s26 =	sshrl.u32 s7, $0x3  }
0xc: {  	s10 =	sshrl.u32 s1, $0x1;
	s19 =	sadd.s32 s7, s2;
	[smem:$0x7FF] =	sst s3  }
0xd: {  	s25 =	sadd.s32 s7, s8;
	s8 =	sadd.s32 s26, s5;
	s1 =	ssub.s32 s1, s10  }
.Ltmp0:
0xe: {  	s10 =	simm.s32 $0x5;
	s19 =	sshrl.u32 s19, $0x3;
	(pc) =	sbr.rel .LBB2_1-.Ltmp0, $4  }
0xf: {  	s26 =	simm.s32 $0x3;
	s9 =	sadd.s32 s6, s5;
	s6 =	sshrl.u32 s25, $0x3  }
0x10: {  	_ =	strace $0x8000004D;
	s25 =	simm.s32 $0x13000;
	s11 =	sadd.s32 s6, s5  }
0x11: {  	s5 =	sadd.s32 $0xC400, s9;
	s6 =	sadd.s32 $0x29E00, s8;
	s7 =	sadd.s32 $0x2400, s9  }
0x12: {  	s9 =	smax.u32 s1, $0x1;
	s8 =	sadd.s32 $0x3DE00, s11;
	s11 =	simm.s32 $0x80  }
.LBB2_4:
0x13: {  	_ =	swait.ge [sflag:s29], $0x2000  }
0x14: {  	[sflag:s29] =	ssyncset.done $0x0  }
0x15: {  	[sflag:s29] =	ssyncadd.s32 $0xFFFFE000  }
0x16: {  	_ =	swait.ge [sflag:s29], $0x2000  }
0x17: {  	[sflag:s29] =	ssyncset.done $0x0  }
0x18: {  	[sflag:s29] =	ssyncadd.s32 $0xFFFFE000  }
0x19: {  	_ =	swait.ge [sflag:s29], $0x2000  }
0x1a: {  	[sflag:s29] =	ssyncset.done $0x0  }
0x1b: {  	[sflag:s29] =	ssyncadd.s32 $0xFFFFE000  }
0x1c: {  	_ =	swait.ge [sflag:s29], $0x2000  }
0x1d: {  	s30 =	sadd.s32 $0x1, s30;
	[sflag:s29] =	ssyncset.done $0x0  }
0x1e: {  	p0 =	sne.s32 s30, s9;
	[sflag:s29] =	ssyncadd.s32 $0xFFFFE000  }
.Ltmp1:
0x1f: {  	[bflag:$0x0] =	sbarrier.arrive $0xFFFF;
	(pc) =	sbr.rel @!p0 .LBB2_5-.Ltmp1, $4  }
0x20: {  	[hbm:s8], [sflag:s18] =	dma.local [spmem:s19], $0x1400  }
0x21: {  	_ =	swait.ge [sflag:s10], $0x1400  }
0x22: {  	[sflag:s10] =	ssyncset.done $0x0  }
0x23: {  	[sflag:s10] =	ssyncadd.s32 $0xFFFFEC00  }
.LBB2_1:
0x24: {  	[tilespmem:s3], [sflag:$0x5] =	stream.linear.gather [hbm4b:s5+s3], $0x2800, $0x38;
	[tilespmem:$0x1F000] =	vst v63  }
0x25: {  	_ =	swait.ge [sflag:s10], $0x2800  }
0x26: {  	[sflag:s10] =	ssyncset.done $0x0  }
0x27: {  	[sflag:s10] =	ssyncadd.s32 $0xFFFFD800  }
0x28: {  	[tilespmem:s12], [sflag:$0x1] =	stream.indirect.gather [hbm4b:s4+s11], $0x40, s3, s11, $0xb8;
	[tilespmem:$0x1F000] =	vst v63  }
0x29: {  	_ = 	snop  }
0x2a: {  	[tilespmem:s13], [sflag:$0x1] =	stream.indirect.gather [hbm4b:s4+s11], $0x40, s11, s11, $0xb8;
	[tilespmem:$0x1F000] =	vst v63  }
0x2b: {  	_ = 	snop  }
0x2c: {  	[tilespmem:s15], [sflag:$0x1] =	stream.indirect.gather [hbm4b:s4+s11], $0x40, s14, s11, $0xb8;
	[tilespmem:$0x1F000] =	vst v63  }
0x2d: {  	_ = 	snop  }
0x2e: {  	[tilespmem:s17], [sflag:$0x1] =	stream.indirect.gather [hbm4b:s4+s11], $0x40, s16, s11, $0xb8;
	[tilespmem:$0x1F000] =	vst v63  }
0x2f: {  	[spmem:s19], [sflag:s18] =	dma.local [hbm:s6], $0x1400  }
0x30: {  	_ =	swait.ge [sflag:s10], $0x1400  }
0x31: {  	[sflag:s10] =	ssyncset.done $0x0  }
0x32: {  	[sflag:s10] =	ssyncadd.s32 $0xFFFFEC00  }
0x33: {  	[tilespmem:s20], [sflag:$0x5] =	stream.linear.gather [hbm4b:s7+s3], $0x2800, $0x38;
	[tilespmem:$0x1F000] =	vst v63  }
0x34: {  	_ =	swait.ge [sflag:s10], $0x2800  }
0x35: {  	[sflag:s10] =	ssyncset.done $0x0  }
0x36: {  	[sflag:s10] =	ssyncadd.s32 $0xFFFFD800  }
0x37: {  	s31 =	simm.s32 $0x0;
	[bflag:$0x0] =	sbarrier.arrive $0xFFFF  }
.LBB2_2:
0x38: {  	_ =	swait.ge [sflag:s21], $0x2000  }
0x39: {  	[sflag:s21] =	ssyncset.done $0x0  }
0x3a: {  	[sflag:s21] =	ssyncadd.s32 $0xFFFFE000  }
0x3b: {  	_ =	swait.ge [sflag:s21], $0x2000  }
0x3c: {  	[sflag:s21] =	ssyncset.done $0x0  }
0x3d: {  	[sflag:s21] =	ssyncadd.s32 $0xFFFFE000  }
0x3e: {  	_ =	swait.ge [sflag:s21], $0x2000  }
0x3f: {  	[sflag:s21] =	ssyncset.done $0x0  }
0x40: {  	[sflag:s21] =	ssyncadd.s32 $0xFFFFE000  }
0x41: {  	_ =	swait.ge [sflag:s21], $0x2000  }
0x42: {  	s1 =	sshra.s32 s31, $0x2;
	[sflag:s21] =	ssyncset.done $0x0  }
0x43: {  	s0 =	sadd.s32 $0x2800, s1;
	[sflag:s21] =	ssyncadd.s32 $0xFFFFE000  }
0x44: {  	[spmem:s2] =	stream.indirect.scatter.add.f32 [tilespmem:s12], [sflag:$0x2], $0x40, s0, s11, $0xb8;
	[tilespmem:$0x1F000] =	vst v63  }
0x45: {  	s0 =	sadd.s32 $0x2880, s1  }
0x46: {  	[spmem:s2] =	stream.indirect.scatter.add.f32 [tilespmem:s13], [sflag:$0x2], $0x40, s0, s11, $0xb8;
	[tilespmem:$0x1F000] =	vst v63  }
0x47: {  	s0 =	sadd.s32 $0x2900, s1  }
0x48: {  	[spmem:s2] =	stream.indirect.scatter.add.f32 [tilespmem:s15], [sflag:$0x2], $0x40, s0, s11, $0xb8;
	[tilespmem:$0x1F000] =	vst v63  }
0x49: {  	p0 =	seq.s32 s31, $0x0;
	s0 =	sadd.s32 $0x2980, s1  }
0x4a: {  	[spmem:s2] =	stream.indirect.scatter.add.f32 [tilespmem:s17], [sflag:$0x2], $0x40, s0, s11, $0xb8;
	[tilespmem:$0x1F000] =	vst v63  }
0x4b: {  	s0 =	simm.s32 @!p0 $0x4  }
0x4c: {  	_ =	swait.ge @!p0 [sflag:s0], $0x2000  }
0x4d: {  	[sflag:s0] =	ssyncset.done @!p0 $0x0  }
0x4e: {  	[sflag:s0] =	ssyncadd.s32 @!p0 $0xFFFFE000  }
0x4f: {  	_ =	swait.ge @!p0 [sflag:s0], $0x2000  }
0x50: {  	[sflag:s0] =	ssyncset.done @!p0 $0x0  }
0x51: {  	[sflag:s0] =	ssyncadd.s32 @!p0 $0xFFFFE000  }
0x52: {  	_ =	swait.ge @!p0 [sflag:s0], $0x2000  }
0x53: {  	[sflag:s0] =	ssyncset.done @!p0 $0x0  }
0x54: {  	[sflag:s0] =	ssyncadd.s32 @!p0 $0xFFFFE000  }
0x55: {  	_ =	swait.ge @!p0 [sflag:s0], $0x2000  }
0x56: {  	[sflag:s0] =	ssyncset.done @!p0 $0x0  }
0x57: {  	[sflag:s0] =	ssyncadd.s32 @!p0 $0xFFFFE000;
	s0 =	sadd.s32 $0x200, s1  }
0x58: {  	[tilespmem:s22], [sflag:$0x3] =	stream.indirect.gather [hbm4b:s4+s11], $0x40, s0, s11, $0xb8;
	[tilespmem:$0x1F000] =	vst v63  }
0x59: {  	s0 =	sadd.s32 $0x280, s1  }
0x5a: {  	[tilespmem:s23], [sflag:$0x3] =	stream.indirect.gather [hbm4b:s4+s11], $0x40, s0, s11, $0xb8;
	[tilespmem:$0x1F000] =	vst v63  }
0x5b: {  	s0 =	sadd.s32 $0x300, s1  }
0x5c: {  	[tilespmem:s24], [sflag:$0x3] =	stream.indirect.gather [hbm4b:s4+s11], $0x40, s0, s11, $0xb8;
	[tilespmem:$0x1F000] =	vst v63  }
0x5d: {  	s0 =	sadd.s32 $0x380, s1  }
0x5e: {  	[tilespmem:s25], [sflag:$0x3] =	stream.indirect.gather [hbm4b:s4+s11], $0x40, s0, s11, $0xb8;
	[tilespmem:$0x1F000] =	vst v63  }
0x5f: {  	_ =	swait.ge [sflag:s26], $0x2000  }
0x60: {  	[sflag:s26] =	ssyncset.done $0x0  }
0x61: {  	[sflag:s26] =	ssyncadd.s32 $0xFFFFE000  }
0x62: {  	_ =	swait.ge [sflag:s26], $0x2000  }
0x63: {  	[sflag:s26] =	ssyncset.done $0x0  }
0x64: {  	[sflag:s26] =	ssyncadd.s32 $0xFFFFE000  }
0x65: {  	_ =	swait.ge [sflag:s26], $0x2000  }
0x66: {  	[sflag:s26] =	ssyncset.done $0x0  }
0x67: {  	[sflag:s26] =	ssyncadd.s32 $0xFFFFE000  }
0x68: {  	_ =	swait.ge [sflag:s26], $0x2000  }
0x69: {  	[sflag:s26] =	ssyncset.done $0x0  }
0x6a: {  	s0 =	sadd.s32 $0x2A00, s1;
	[sflag:s26] =	ssyncadd.s32 $0xFFFFE000  }
0x6b: {  	[spmem:s2] =	stream.indirect.scatter.add.f32 [tilespmem:s22], [sflag:$0x4], $0x40, s0, s11, $0xb8;
	[tilespmem:$0x1F000] =	vst v63  }
0x6c: {  	s0 =	sadd.s32 $0x2A80, s1  }
0x6d: {  	[spmem:s2] =	stream.indirect.scatter.add.f32 [tilespmem:s23], [sflag:$0x4], $0x40, s0, s11, $0xb8;
	[tilespmem:$0x1F000] =	vst v63  }
0x6e: {  	s0 =	sadd.s32 $0x2B00, s1  }
0x6f: {  	[spmem:s2] =	stream.indirect.scatter.add.f32 [tilespmem:s24], [sflag:$0x4], $0x40, s0, s11, $0xb8;
	[tilespmem:$0x1F000] =	vst v63  }
0x70: {  	s0 =	sadd.s32 $0x2B80, s1  }
0x71: {  	[spmem:s2] =	stream.indirect.scatter.add.f32 [tilespmem:s25], [sflag:$0x4], $0x40, s0, s11, $0xb8;
	[tilespmem:$0x1F000] =	vst v63  }
0x72: {  	_ =	swait.ge [sflag:s28], $0x2000  }
0x73: {  	[sflag:s28] =	ssyncset.done $0x0  }
0x74: {  	[sflag:s28] =	ssyncadd.s32 $0xFFFFE000  }
0x75: {  	_ =	swait.ge [sflag:s28], $0x2000  }
0x76: {  	[sflag:s28] =	ssyncset.done $0x0  }
0x77: {  	[sflag:s28] =	ssyncadd.s32 $0xFFFFE000  }
0x78: {  	p0 =	seq.s32 s31, $0x9000;
	_ =	swait.ge [sflag:s28], $0x2000  }
.Ltmp2:
0x79: {  	[sflag:s28] =	ssyncset.done $0x0;
	(pc) =	sbr.rel @p0 .LBB2_4-.Ltmp2, $4  }
0x7a: {  	[sflag:s28] =	ssyncadd.s32 $0xFFFFE000  }
0x7b: {  	_ =	swait.ge [sflag:s28], $0x2000  }
0x7c: {  	[sflag:s28] =	ssyncset.done $0x0  }
0x7d: {  	[sflag:s28] =	ssyncadd.s32 $0xFFFFE000  }
0x7e: {  	s0 =	sadd.s32 $0x400, s1  }
0x7f: {  	[tilespmem:s12], [sflag:$0x1] =	stream.indirect.gather [hbm4b:s4+s11], $0x40, s0, s11, $0xb8;
	[tilespmem:$0x1F000] =	vst v63  }
0x80: {  	s0 =	sadd.s32 $0x480, s1  }
0x81: {  	[tilespmem:s13], [sflag:$0x1] =	stream.indirect.gather [hbm4b:s4+s11], $0x40, s0, s11, $0xb8;
	[tilespmem:$0x1F000] =	vst v63  }
.Ltmp3:
0x82: {  	_ = 	snop;
	(pc) =	sbr.rel .LBB2_2-.Ltmp3, $4  }
0x83: {  	s0 =	sadd.s32 $0x500, s1  }
0x84: {  	[tilespmem:s15], [sflag:$0x1] =	stream.indirect.gather [hbm4b:s4+s11], $0x40, s0, s11, $0xb8;
	[tilespmem:$0x1F000] =	vst v63  }
0x85: {  	s31 =	sadd.s32 $0x1000, s31;
	s1 =	sadd.s32 $0x580, s1  }
0x86: {  	[tilespmem:s17], [sflag:$0x1] =	stream.indirect.gather [hbm4b:s4+s11], $0x40, s1, s11, $0xb8;
	[tilespmem:$0x1F000] =	vst v63  }
.LBB2_5:
0x87: {  	_ =	sfence.sel $0x180000  }
0x88: {  	[bflag:$0x0] =	sbarrier.arrive $0xFFFF  }
0x89: {  	_ =	strace $0x9000004D  }
0x8a: {  	s0 =	stileid.u32;
	[bflag:$0x2] =	sbarrier.arrive $0xFFFF  }
0x8b: {  	p0 =	sne.s32 s0, $0x0;
	s0 =	rddreg [dreg:$0x2]  }
0x8c: {  	s0 =	sadd.s32 @!p0 $0x100000, s0  }
0x8d: {  	[sflag:s0] =	ssyncadd.tile.s32 @!p0 $0x1;
	_ =	shalt  }
.Lfunc_end2:
_tile_overlayer_lowered:
.L_overlay_start_2:
0x8e: {  	(tag) =	ssettag $0x2  }
0x8f: {  	s0 =	rddreg [dreg:$0x0];
	s2 =	stileid.u32  }
0x90: {  	s1 =	rddreg [dreg:$0x1];
	p0 =	sne.s32 s2, $0x0  }
0x91: {  	s3 =	rddreg [dreg:$0x2];
	[bflag:$0x3] =	sbarrier.arrive $0xFFFF;
	s2 =	simm.s32 @!p0 $0x1C05  }
0x92: {  	[timem:s3], [sflag:s2] =	dma.local @!p0 [hbm:s0], s1  }
0x93: {  	s0 =	simm.s32 @!p0 $0x5  }
0x94: {  	_ =	swait.ge @!p0 [sflag:s0], s1  }
0x95: {  	s1 =	ssub.s32 @!p0 $0x0, s1;
	[sflag:s0] =	ssyncset.done @!p0 $0x0  }
0x96: {  	[sflag:s0] =	ssyncadd.s32 @!p0 s1  }
0x97: {  	[bflag:$0x3] =	sbarrier.arrive $0xFFFF  }
0x98: {  	_ =	shalt  }

// kernel: kernel.19.cloned.1.call-start
scs
__scs_entry_jumppad:
0x0: {  	(pc) =	sbr.rel $0x88, $3  }
0x1: {  	(tag) =	ssettag $0x0;
	lr =	simm.s32 $0x1  }
0x2: {  	[smem:$0x3F96] =	sst lr;
	_ =	strace $0xD0000000  }
0x3: {  	_ = 	snop  }
0x4: {  	_ = 	snop  }
0x5: {  	_ = 	snop  }
0x6: {  	_ = 	snop  }
0x7: {  	_ = 	snop  }
__scs_overlays_trampoline_lowered:
0x8: {  	[smem:$0x3FA5] =	sst s0  }
0x9: {  	[smem:$0x3FA6] =	sst s1  }
0xa: {  	[smem:$0x3FA7] =	sst s2  }
0xb: {  	[smem:$0x3FA8] =	sst s3  }
0xc: {  	[smem:$0x3FA9] =	sst s4  }
0xd: {  	[smem:$0x3FAA] =	sst s5  }
0xe: {  	[smem:$0x3FAB] =	sst s6  }
0xf: {  	[smem:$0x3FAC] =	sst s7  }
0x10: {  	[smem:$0x3FAD] =	sst s8  }
0x11: {  	[smem:$0x3FAE] =	sst s9;
	s0 =	simm.s32 @!p0 $0x0  }
0x12: {  	s1 =	sld [smem:$0x3F94];
	s0 =	simm.s32 @p0 $0x1  }
0x13: {  	[smem:$0x3FAF] =	sst s0;
	s0 =	simm.s32 @!p1 $0x0  }
0x14: {  	s2 =	sld [smem:$0x3F93];
	s0 =	simm.s32 @p1 $0x1  }
0x15: {  	[smem:$0x3FB0] =	sst s0;
	s0 =	simm.s32 @!p2 $0x0  }
0x16: {  	s3 =	sld [smem:$0x3FDB];
	s0 =	simm.s32 @p2 $0x1  }
0x17: {  	s4 =	simm.s32 $0x1BF5;
	[smem:$0x3FB2] =	sst s0  }
0x18: {  	s0 =	sld [smem:$0x3F95];
	_ =	swait.ge [sflag:s4], $0x0  }
0x19: {  	s7 =	sld [smem:$0x3F96]  }
0x1a: {  	s8 =	sadd.s32 $0xFFFFE003, lr  }
0x1b: {  	s9 =	sadd.s32 $0xFFFFFEF7, lr;
	s5 =	simm.s32 $0xFFFFFFFF;
	p2 =	slt.u32 s8, $0xFFFFF086  }
0x1c: {  	p1 =	slt.u32 s9, $0xF7A;
	s5 =	simm.s32 @!p2 $0x0  }
0x1d: {  	s5 =	simm.s32 @p1 $0x1;
	p0 =	seq.s32 s7, s2  }
0x1e: {  	s7 =	smul.u32 @!p0 $0xF7A, s2;
	p2 =	seq.s32 @!p0 s5, $0x0  }
0x1f: {  	s9 =	smul.u32 $0xF7A, s1;
	s8 =	simm.s32 @!p0 $0x1BF5;
	p2 =	por !p2, p0  }
0x20: {  	[sflag:s8] =	ssyncset.s32 @!p0 $0xFFFFF086;
	s6 =	sadd.s32 @!p0 s3, s7;
	s7 =	simm.s32 @!p0 $0x108  }
0x21: {  	s3 =	sadd.s32 s3, s9;
	s6 =	sadd.s32 @!p0 $0x88, s6;
	s7 =	simm.s32 @p2 $0x1082  }
0x22: {  	[simem:s7], [sflag:s8] =	dma.local @!p0 [hbm:s6], $0xF7A  }
0x23: {  	s9 =	sor.u32 $0xD0000000, s2;
	s6 =	simm.s32 $0x108;
	_ =	swait.ge @!p0 [sflag:s8], $0x0  }
0x24: {  	s3 =	sadd.s32 $0x88, s3;
	s6 =	simm.s32 @!p1 $0x1082;
	[sflag:s4] =	ssyncset.s32 $0xFFFFF086  }
0x25: {  	[simem:s6], [sflag:s4] =	dma.local [hbm:s3], $0xF7A  }
0x26: {  	[smem:$0x3F96] =	sst s1;
	(tag) =	ssettag s2;
	_ =	strace s9  }
0x27: {  	s1 =	sld [smem:$0x3FA6]  }
0x28: {  	s2 =	sld [smem:$0x3FA7]  }
0x29: {  	s4 =	sld [smem:$0x3FA9]  }
0x2a: {  	p0 =	seq.s32 s5, $0x0;
	s5 =	sld [smem:$0x3FAA]  }
0x2b: {  	s6 =	sld [smem:$0x3FAB]  }
0x2c: {  	s7 =	sld [smem:$0x3FAC]  }
0x2d: {  	s3 =	simm.s32 $0x108;
	s8 =	sld [smem:$0x3FAD]  }
0x2e: {  	s3 =	simm.s32 @!p0 $0x1082;
	s9 =	sld [smem:$0x3FAE]  }
0x2f: {  	lr =	sadd.s32 s0, s3;
	s0 =	sld [smem:$0x3FA5]  }
0x30: {  	s3 =	sld [smem:$0x3FA8]  }
0x31: {  	[smem:$0x3FB1] =	sst s10  }
0x32: {  	s10 =	sld [smem:$0x3FAF];
	_ =	sdelay $0x3  }
0x33: {  	p0 =	seq.s32 s10, $0x1;
	s10 =	sld [smem:$0x3FB1];
	_ =	sdelay $0x3  }
0x34: {  	[smem:$0x3FB1] =	sst s10  }
0x35: {  	s10 =	sld [smem:$0x3FB0];
	_ =	sdelay $0x3  }
0x36: {  	p1 =	seq.s32 s10, $0x1;
	s10 =	sld [smem:$0x3FB1];
	_ =	sdelay $0x3  }
0x37: {  	[smem:$0x3FB1] =	sst s10  }
0x38: {  	s10 =	sld [smem:$0x3FB2]  }
0x39: {  	_ = 	snop;
	(pc) =	sbr.ind lr, $3  }
0x3a: {  	_ = 	snop  }
0x3b: {  	_ = 	snop  }
0x3c: {  	p2 =	seq.s32 s10, $0x1;
	s10 =	sld [smem:$0x3FB1]  }
0x3d: {  	_ =	shalt  }
0x3e: {  	_ =	shalt  }
0x3f: {  	_ =	shalt  }
0x40: {  	_ =	shalt  }
0x41: {  	_ =	shalt  }
0x42: {  	_ =	shalt  }
0x43: {  	_ =	shalt  }
0x44: {  	_ =	shalt  }
0x45: {  	_ =	shalt  }
0x46: {  	_ =	shalt  }
0x47: {  	_ =	shalt  }
0x48: {  	_ =	shalt  }
0x49: {  	_ =	shalt  }
0x4a: {  	_ =	shalt  }
0x4b: {  	_ =	shalt  }
0x4c: {  	_ =	shalt  }
0x4d: {  	_ =	shalt  }
0x4e: {  	_ =	shalt  }
0x4f: {  	_ =	shalt  }
0x50: {  	_ =	shalt  }
0x51: {  	_ =	shalt  }
0x52: {  	_ =	shalt  }
0x53: {  	_ =	shalt  }
0x54: {  	_ =	shalt  }
0x55: {  	_ =	shalt  }
0x56: {  	_ =	shalt  }
0x57: {  	_ =	shalt  }
0x58: {  	_ =	shalt  }
0x59: {  	_ =	shalt  }
0x5a: {  	_ =	shalt  }
0x5b: {  	_ =	shalt  }
0x5c: {  	_ =	shalt  }
0x5d: {  	_ =	shalt  }
0x5e: {  	_ =	shalt  }
0x5f: {  	_ =	shalt  }
0x60: {  	_ =	shalt  }
0x61: {  	_ =	shalt  }
0x62: {  	_ =	shalt  }
0x63: {  	_ =	shalt  }
0x64: {  	_ =	shalt  }
0x65: {  	_ =	shalt  }
0x66: {  	_ =	shalt  }
0x67: {  	_ =	shalt  }
0x68: {  	_ =	shalt  }
0x69: {  	_ =	shalt  }
0x6a: {  	_ =	shalt  }
0x6b: {  	_ =	shalt  }
0x6c: {  	_ =	shalt  }
0x6d: {  	_ =	shalt  }
0x6e: {  	_ =	shalt  }
0x6f: {  	_ =	shalt  }
0x70: {  	_ =	shalt  }
0x71: {  	_ =	shalt  }
0x72: {  	_ =	shalt  }
0x73: {  	_ =	shalt  }
0x74: {  	_ =	shalt  }
0x75: {  	_ =	shalt  }
0x76: {  	_ =	shalt  }
0x77: {  	_ =	shalt  }
0x78: {  	_ =	shalt  }
0x79: {  	_ =	shalt  }
0x7a: {  	_ =	shalt  }
0x7b: {  	_ =	shalt  }
0x7c: {  	_ =	shalt  }
0x7d: {  	_ =	shalt  }
0x7e: {  	_ =	shalt  }
0x7f: {  	_ =	shalt  }
0x80: {  	_ =	shalt  }
0x81: {  	_ =	shalt  }
0x82: {  	_ =	shalt  }
0x83: {  	_ =	shalt  }
0x84: {  	_ =	shalt  }
0x85: {  	_ =	shalt  }
0x86: {  	_ =	shalt  }
0x87: {  	_ =	shalt  }
.Lfunc_end0:
.L_simem_size_0:
called_computation.3_lowered:
.L_overlay_start_0:
0x88: {  	s2 =	sld [smem:$0x3FD9]  }
0x89: {  	s3 =	sld [smem:$0x3FFE];
	_ =	sdelay $0x1  }
0x8a: {  	s1 =	srdreg.scid  }
0x8b: {  	s0 =	sand.u32 $0x1, s1  }
0x8c: {  	s16 =	sshll.u32 s0, $0xA;
	s2 =	sadd.s32 s3, s2  }
0x8d: {  	s2 =	sadd.s32 s2, s16  }
0x8e: {  	[smem:$0x3FBD] =	sst s2  }
0x8f: {  	_ = 	snop  }
0x90: {  	(tm) =	ssettm $0x1  }
0x91: {  	s17 =	sld [smem:$0x3FFB];
	_ =	sdelay $0x3  }
0x92: {  	_ =	strace s17  }
0x93: {  	s2 =	sld [smem:$0x3FFC];
	_ =	sdelay $0x3  }
0x94: {  	_ =	strace s2  }
0x95: {  	s2 =	sld [smem:$0x3FFD];
	_ =	sdelay $0x3  }
0x96: {  	_ =	strace s2  }
0x97: {  	_ =	strace $0x8FFFFFFF  }
0x98: {  	s18 =	sld [smem:$0x3FDB];
	_ =	sdelay $0x1  }
0x99: {  	s19 =	simm.s32 $_scs_section_size  }
0x9a: {  	s4 =	simm.s32 $_size__tile_overlayer_lowered;
	s5 =	simm.s32 $_tile_overlayer_lowered  }
0x9b: {  	s22 =	simm.s32 $0x1BFF;
	s21 =	sshll.u32 s5, $0x1;
	s2 =	sadd.s32 s19, s18  }
0x9c: {  	s6 =	simm.s32 $0x0;
	s20 =	sshll.u32 s4, $0x1;
	s4 =	sadd.s32 s21, s2  }
0x9d: {  	[timem:s6], [sflag:s22] =	dma.local [hbm:s4], s20  }
0x9e: {  	_ =	swait.ge [sflag:s22], s20  }
0x9f: {  	s3 =	ssub.s32 $0x0, s20;
	[sflag:s22] =	ssyncset.done $0x0  }
0xa0: {  	[sflag:s22] =	ssyncadd.s32 s3;
	_ =	sdelay $0x1  }
0xa1: {  	s23 =	simm.s32 $0x1B8B  }
0xa2: {  	_ =	swait.ge [sflag:s23], $0x1  }
0xa3: {  	[sflag:s23] =	ssyncset.done $0x0  }
0xa4: {  	s25 =	simm.s32 $0x1B8E;
	s24 =	sld [smem:$0x3FFE];
	[sflag:s23] =	ssyncadd.s32 $0xFFFFFFFF  }
0xa5: {  	s26 =	simm.s32 $execute0_lowered;
	[smem:$0x3FD2] =	sst s25  }
0xa6: {  	s4 =	sshll.u32 s26, $0x1;
	_ =	strace $0x8000004F;
	[dreg:$0x1] =	wrdreg $0xFFFFFFFF  }
0xa7: {  	s28 =	simm.s32 $_size_execute0_lowered;
	s2 =	sadd.s32 s2, s4;
	[dreg:$0x0] =	wrdreg $0x0  }
0xa8: {  	s4 =	sshll.u32 s28, $0x1;
	[dreg:$0x2] =	wrdreg s2  }
0xa9: {  	[dreg:$0x3] =	wrdreg s4  }
0xaa: {  	[dreg:$0x4] =	wrdreg $0xC0  }
0xab: {  	_ =	task [dreg:s6], $0x5FFFF  }
0xac: {  	[dreg:$0x1] =	wrdreg $0xFFFFFFFF  }
0xad: {  	[dreg:$0x0] =	wrdreg $0x60  }
0xae: {  	[dreg:$0x2] =	wrdreg s24  }
0xaf: {  	[dreg:$0x3] =	wrdreg $0x150000  }
0xb0: {  	[dreg:$0x4] =	wrdreg $0x9  }
0xb1: {  	_ =	task.clear_ibuf [dreg:s6], $0x5FFFF;
	_ =	strace $0x9000004F  }
0xb2: {  	s29 =	simm.s32 $0x9;
	_ =	strace $0x80000051  }
0xb3: {  	_ =	swait.ge [sflag:s29], $0x1  }
0xb4: {  	[sflag:s29] =	ssyncadd.s32 $0xFFFFFFFF  }
0xb5: {  	_ =	strace $0x90000051  }
0xb6: {  	_ =	sfence  }
0xb7: {  	s30 =	sld [smem:$0x0];
	_ =	sdelay $0x2  }
0xb8: {  	s31 =	sshll.u32 s1, $0xD;
	s1 =	sshrl.u32 s1, $0x2  }
0xb9: {  	s3 =	sand.u32 $0x4000, s31;
	s1 =	sadd.s32 s1, s30  }
0xba: {  	s0 =	sor.u32 s3, s0;
	s1 =	sshll.u32 s1, $0x11  }
0xbb: {  	s0 =	sor.u32 s1, s0  }
0xbc: {  	s0 =	sadd.s32 $0x8F2B, s0  }
0xbd: {  	[sflag:s0] =	ssyncadd.remote.s32 $0x1  }
0xbe: {  	_ =	sfence.sel $0xFFFF  }
0xbf: {  	[dreg:$0x0] =	wrdreg $0xFFFFFFFF;
	(pc) =	sbr.abs _section_cstart, $3  }
0xc0: {  	[dreg:$0x1] =	wrdreg $0xFFFFFFFF  }
0xc1: {  	_ =	task.clear_ibuf [dreg:s6], $0x2FFFF;
	_ =	strace $0x9FFFFFFF  }
0xc2: {  	(tm) =	ssettm $0x7FFFFFFF  }
0xc3: {  	_ =	shalt  }
tec
execute0_lowered:
.L_overlay_start_1:
0x0: {  	(tag) =	ssettag $0x1  }
0x1: {  	s1 =	srdreg.scid  }
0x2: {  	s0 =	stileid.u32;
	s5 =	rddreg [dreg:$0x0]  }
0x3: {  	s12 =	simm.s32 $0x5000;
	s13 =	simm.s32 $0x7000;
	s14 =	simm.s32 $0x100  }
0x4: {  	s15 =	simm.s32 $0x9000;
	s16 =	simm.s32 $0x180;
	s17 =	simm.s32 $0xB000  }
0x5: {  	s20 =	simm.s32 $0x2800;
	s21 =	simm.s32 $0x1;
	s22 =	simm.s32 $0xD000  }
0x6: {  	s23 =	simm.s32 $0xF000;
	s24 =	simm.s32 $0x11000;
	s28 =	simm.s32 $0x2  }
0x7: {  	s29 =	simm.s32 $0x4;
	s30 =	simm.s32 $0x0;
	s1 =	sand.u32 $0x1, s1  }
0x8: {  	s2 =	sshll.u32 s0, $0x1;
	s7 =	smul.u32 $0xA000, s0;
	s4 =	sadd.s32 $0x16400, s5  }
0x9: {  	s31 =	sshll.u32 s0, $0x6;
	s3 =	sor.u32 s1, s2;
	s2 =	rddreg [dreg:$0x1]  }
0xa: {  	s8 =	smul.u32 $0xA0000, s1;
	s1 =	ssub.s32 $0x2, s1;
	s18 =	sor.u32 $0x1C05, s31  }
0xb: {  	s6 =	smul.u32 $0x500, s3;
	s3 =	simm.s32 $0x0;
	s26 =	sshrl.u32 s7, $0x3  }
0xc: {  	s10 =	sshrl.u32 s1, $0x1;
	s19 =	sadd.s32 s7, s2;
	[smem:$0x7FF] =	sst s3  }
0xd: {  	s25 =	sadd.s32 s7, s8;
	s8 =	sadd.s32 s26, s5;
	s1 =	ssub.s32 s1, s10  }
.Ltmp0:
0xe: {  	s10 =	simm.s32 $0x5;
	s19 =	sshrl.u32 s19, $0x3;
	(pc) =	sbr.rel .LBB2_1-.Ltmp0, $4  }
0xf: {  	s26 =	simm.s32 $0x3;
	s9 =	sadd.s32 s6, s5;
	s6 =	sshrl.u32 s25, $0x3  }
0x10: {  	_ =	strace $0x80000050;
	s25 =	simm.s32 $0x13000;
	s11 =	sadd.s32 s6, s5  }
0x11: {  	s5 =	sadd.s32 $0xC400, s9;
	s6 =	sadd.s32 $0x29E00, s8;
	s7 =	sadd.s32 $0x2400, s9  }
0x12: {  	s9 =	smax.u32 s1, $0x1;
	s8 =	sadd.s32 $0x3DE00, s11;
	s11 =	simm.s32 $0x80  }
.LBB2_4:
0x13: {  	_ =	swait.ge [sflag:s29], $0x2000  }
0x14: {  	[sflag:s29] =	ssyncset.done $0x0  }
0x15: {  	[sflag:s29] =	ssyncadd.s32 $0xFFFFE000  }
0x16: {  	_ =	swait.ge [sflag:s29], $0x2000  }
0x17: {  	[sflag:s29] =	ssyncset.done $0x0  }
0x18: {  	[sflag:s29] =	ssyncadd.s32 $0xFFFFE000  }
0x19: {  	_ =	swait.ge [sflag:s29], $0x2000  }
0x1a: {  	[sflag:s29] =	ssyncset.done $0x0  }
0x1b: {  	[sflag:s29] =	ssyncadd.s32 $0xFFFFE000  }
0x1c: {  	_ =	swait.ge [sflag:s29], $0x2000  }
0x1d: {  	s30 =	sadd.s32 $0x1, s30;
	[sflag:s29] =	ssyncset.done $0x0  }
0x1e: {  	p0 =	sne.s32 s30, s9;
	[sflag:s29] =	ssyncadd.s32 $0xFFFFE000  }
.Ltmp1:
0x1f: {  	[bflag:$0x0] =	sbarrier.arrive $0xFFFF;
	(pc) =	sbr.rel @!p0 .LBB2_5-.Ltmp1, $4  }
0x20: {  	[hbm:s8], [sflag:s18] =	dma.local [spmem:s19], $0x1400  }
0x21: {  	_ =	swait.ge [sflag:s10], $0x1400  }
0x22: {  	[sflag:s10] =	ssyncset.done $0x0  }
0x23: {  	[sflag:s10] =	ssyncadd.s32 $0xFFFFEC00  }
.LBB2_1:
0x24: {  	[tilespmem:s3], [sflag:$0x5] =	stream.linear.gather [hbm4b:s5+s3], $0x2800, $0x38;
	[tilespmem:$0x1F000] =	vst v63  }
0x25: {  	_ =	swait.ge [sflag:s10], $0x2800  }
0x26: {  	[sflag:s10] =	ssyncset.done $0x0  }
0x27: {  	[sflag:s10] =	ssyncadd.s32 $0xFFFFD800  }
0x28: {  	[tilespmem:s12], [sflag:$0x1] =	stream.indirect.gather [hbm4b:s4+s11], $0x40, s3, s11, $0xb8;
	[tilespmem:$0x1F000] =	vst v63  }
0x29: {  	_ = 	snop  }
0x2a: {  	[tilespmem:s13], [sflag:$0x1] =	stream.indirect.gather [hbm4b:s4+s11], $0x40, s11, s11, $0xb8;
	[tilespmem:$0x1F000] =	vst v63  }
0x2b: {  	_ = 	snop  }
0x2c: {  	[tilespmem:s15], [sflag:$0x1] =	stream.indirect.gather [hbm4b:s4+s11], $0x40, s14, s11, $0xb8;
	[tilespmem:$0x1F000] =	vst v63  }
0x2d: {  	_ = 	snop  }
0x2e: {  	[tilespmem:s17], [sflag:$0x1] =	stream.indirect.gather [hbm4b:s4+s11], $0x40, s16, s11, $0xb8;
	[tilespmem:$0x1F000] =	vst v63  }
0x2f: {  	[spmem:s19], [sflag:s18] =	dma.local [hbm:s6], $0x1400  }
0x30: {  	_ =	swait.ge [sflag:s10], $0x1400  }
0x31: {  	[sflag:s10] =	ssyncset.done $0x0  }
0x32: {  	[sflag:s10] =	ssyncadd.s32 $0xFFFFEC00  }
0x33: {  	[tilespmem:s20], [sflag:$0x5] =	stream.linear.gather [hbm4b:s7+s3], $0x2800, $0x38;
	[tilespmem:$0x1F000] =	vst v63  }
0x34: {  	_ =	swait.ge [sflag:s10], $0x2800  }
0x35: {  	[sflag:s10] =	ssyncset.done $0x0  }
0x36: {  	[sflag:s10] =	ssyncadd.s32 $0xFFFFD800  }
0x37: {  	s31 =	simm.s32 $0x0;
	[bflag:$0x0] =	sbarrier.arrive $0xFFFF  }
.LBB2_2:
0x38: {  	_ =	swait.ge [sflag:s21], $0x2000  }
0x39: {  	[sflag:s21] =	ssyncset.done $0x0  }
0x3a: {  	[sflag:s21] =	ssyncadd.s32 $0xFFFFE000  }
0x3b: {  	_ =	swait.ge [sflag:s21], $0x2000  }
0x3c: {  	[sflag:s21] =	ssyncset.done $0x0  }
0x3d: {  	[sflag:s21] =	ssyncadd.s32 $0xFFFFE000  }
0x3e: {  	_ =	swait.ge [sflag:s21], $0x2000  }
0x3f: {  	[sflag:s21] =	ssyncset.done $0x0  }
0x40: {  	[sflag:s21] =	ssyncadd.s32 $0xFFFFE000  }
0x41: {  	_ =	swait.ge [sflag:s21], $0x2000  }
0x42: {  	s1 =	sshra.s32 s31, $0x2;
	[sflag:s21] =	ssyncset.done $0x0  }
0x43: {  	s0 =	sadd.s32 $0x2800, s1;
	[sflag:s21] =	ssyncadd.s32 $0xFFFFE000  }
0x44: {  	[spmem:s2] =	stream.indirect.scatter.add.f32 [tilespmem:s12], [sflag:$0x2], $0x40, s0, s11, $0xb8;
	[tilespmem:$0x1F000] =	vst v63  }
0x45: {  	s0 =	sadd.s32 $0x2880, s1  }
0x46: {  	[spmem:s2] =	stream.indirect.scatter.add.f32 [tilespmem:s13], [sflag:$0x2], $0x40, s0, s11, $0xb8;
	[tilespmem:$0x1F000] =	vst v63  }
0x47: {  	s0 =	sadd.s32 $0x2900, s1  }
0x48: {  	[spmem:s2] =	stream.indirect.scatter.add.f32 [tilespmem:s15], [sflag:$0x2], $0x40, s0, s11, $0xb8;
	[tilespmem:$0x1F000] =	vst v63  }
0x49: {  	p0 =	seq.s32 s31, $0x0;
	s0 =	sadd.s32 $0x2980, s1  }
0x4a: {  	[spmem:s2] =	stream.indirect.scatter.add.f32 [tilespmem:s17], [sflag:$0x2], $0x40, s0, s11, $0xb8;
	[tilespmem:$0x1F000] =	vst v63  }
0x4b: {  	s0 =	simm.s32 @!p0 $0x4  }
0x4c: {  	_ =	swait.ge @!p0 [sflag:s0], $0x2000  }
0x4d: {  	[sflag:s0] =	ssyncset.done @!p0 $0x0  }
0x4e: {  	[sflag:s0] =	ssyncadd.s32 @!p0 $0xFFFFE000  }
0x4f: {  	_ =	swait.ge @!p0 [sflag:s0], $0x2000  }
0x50: {  	[sflag:s0] =	ssyncset.done @!p0 $0x0  }
0x51: {  	[sflag:s0] =	ssyncadd.s32 @!p0 $0xFFFFE000  }
0x52: {  	_ =	swait.ge @!p0 [sflag:s0], $0x2000  }
0x53: {  	[sflag:s0] =	ssyncset.done @!p0 $0x0  }
0x54: {  	[sflag:s0] =	ssyncadd.s32 @!p0 $0xFFFFE000  }
0x55: {  	_ =	swait.ge @!p0 [sflag:s0], $0x2000  }
0x56: {  	[sflag:s0] =	ssyncset.done @!p0 $0x0  }
0x57: {  	[sflag:s0] =	ssyncadd.s32 @!p0 $0xFFFFE000;
	s0 =	sadd.s32 $0x200, s1  }
0x58: {  	[tilespmem:s22], [sflag:$0x3] =	stream.indirect.gather [hbm4b:s4+s11], $0x40, s0, s11, $0xb8;
	[tilespmem:$0x1F000] =	vst v63  }
0x59: {  	s0 =	sadd.s32 $0x280, s1  }
0x5a: {  	[tilespmem:s23], [sflag:$0x3] =	stream.indirect.gather [hbm4b:s4+s11], $0x40, s0, s11, $0xb8;
	[tilespmem:$0x1F000] =	vst v63  }
0x5b: {  	s0 =	sadd.s32 $0x300, s1  }
0x5c: {  	[tilespmem:s24], [sflag:$0x3] =	stream.indirect.gather [hbm4b:s4+s11], $0x40, s0, s11, $0xb8;
	[tilespmem:$0x1F000] =	vst v63  }
0x5d: {  	s0 =	sadd.s32 $0x380, s1  }
0x5e: {  	[tilespmem:s25], [sflag:$0x3] =	stream.indirect.gather [hbm4b:s4+s11], $0x40, s0, s11, $0xb8;
	[tilespmem:$0x1F000] =	vst v63  }
0x5f: {  	_ =	swait.ge [sflag:s26], $0x2000  }
0x60: {  	[sflag:s26] =	ssyncset.done $0x0  }
0x61: {  	[sflag:s26] =	ssyncadd.s32 $0xFFFFE000  }
0x62: {  	_ =	swait.ge [sflag:s26], $0x2000  }
0x63: {  	[sflag:s26] =	ssyncset.done $0x0  }
0x64: {  	[sflag:s26] =	ssyncadd.s32 $0xFFFFE000  }
0x65: {  	_ =	swait.ge [sflag:s26], $0x2000  }
0x66: {  	[sflag:s26] =	ssyncset.done $0x0  }
0x67: {  	[sflag:s26] =	ssyncadd.s32 $0xFFFFE000  }
0x68: {  	_ =	swait.ge [sflag:s26], $0x2000  }
0x69: {  	[sflag:s26] =	ssyncset.done $0x0  }
0x6a: {  	s0 =	sadd.s32 $0x2A00, s1;
	[sflag:s26] =	ssyncadd.s32 $0xFFFFE000  }
0x6b: {  	[spmem:s2] =	stream.indirect.scatter.add.f32 [tilespmem:s22], [sflag:$0x4], $0x40, s0, s11, $0xb8;
	[tilespmem:$0x1F000] =	vst v63  }
0x6c: {  	s0 =	sadd.s32 $0x2A80, s1  }
0x6d: {  	[spmem:s2] =	stream.indirect.scatter.add.f32 [tilespmem:s23], [sflag:$0x4], $0x40, s0, s11, $0xb8;
	[tilespmem:$0x1F000] =	vst v63  }
0x6e: {  	s0 =	sadd.s32 $0x2B00, s1  }
0x6f: {  	[spmem:s2] =	stream.indirect.scatter.add.f32 [tilespmem:s24], [sflag:$0x4], $0x40, s0, s11, $0xb8;
	[tilespmem:$0x1F000] =	vst v63  }
0x70: {  	s0 =	sadd.s32 $0x2B80, s1  }
0x71: {  	[spmem:s2] =	stream.indirect.scatter.add.f32 [tilespmem:s25], [sflag:$0x4], $0x40, s0, s11, $0xb8;
	[tilespmem:$0x1F000] =	vst v63  }
0x72: {  	_ =	swait.ge [sflag:s28], $0x2000  }
0x73: {  	[sflag:s28] =	ssyncset.done $0x0  }
0x74: {  	[sflag:s28] =	ssyncadd.s32 $0xFFFFE000  }
0x75: {  	_ =	swait.ge [sflag:s28], $0x2000  }
0x76: {  	[sflag:s28] =	ssyncset.done $0x0  }
0x77: {  	[sflag:s28] =	ssyncadd.s32 $0xFFFFE000  }
0x78: {  	p0 =	seq.s32 s31, $0x9000;
	_ =	swait.ge [sflag:s28], $0x2000  }
.Ltmp2:
0x79: {  	[sflag:s28] =	ssyncset.done $0x0;
	(pc) =	sbr.rel @p0 .LBB2_4-.Ltmp2, $4  }
0x7a: {  	[sflag:s28] =	ssyncadd.s32 $0xFFFFE000  }
0x7b: {  	_ =	swait.ge [sflag:s28], $0x2000  }
0x7c: {  	[sflag:s28] =	ssyncset.done $0x0  }
0x7d: {  	[sflag:s28] =	ssyncadd.s32 $0xFFFFE000  }
0x7e: {  	s0 =	sadd.s32 $0x400, s1  }
0x7f: {  	[tilespmem:s12], [sflag:$0x1] =	stream.indirect.gather [hbm4b:s4+s11], $0x40, s0, s11, $0xb8;
	[tilespmem:$0x1F000] =	vst v63  }
0x80: {  	s0 =	sadd.s32 $0x480, s1  }
0x81: {  	[tilespmem:s13], [sflag:$0x1] =	stream.indirect.gather [hbm4b:s4+s11], $0x40, s0, s11, $0xb8;
	[tilespmem:$0x1F000] =	vst v63  }
.Ltmp3:
0x82: {  	_ = 	snop;
	(pc) =	sbr.rel .LBB2_2-.Ltmp3, $4  }
0x83: {  	s0 =	sadd.s32 $0x500, s1  }
0x84: {  	[tilespmem:s15], [sflag:$0x1] =	stream.indirect.gather [hbm4b:s4+s11], $0x40, s0, s11, $0xb8;
	[tilespmem:$0x1F000] =	vst v63  }
0x85: {  	s31 =	sadd.s32 $0x1000, s31;
	s1 =	sadd.s32 $0x580, s1  }
0x86: {  	[tilespmem:s17], [sflag:$0x1] =	stream.indirect.gather [hbm4b:s4+s11], $0x40, s1, s11, $0xb8;
	[tilespmem:$0x1F000] =	vst v63  }
.LBB2_5:
0x87: {  	_ =	sfence.sel $0x180000  }
0x88: {  	[bflag:$0x0] =	sbarrier.arrive $0xFFFF  }
0x89: {  	_ =	strace $0x90000050  }
0x8a: {  	s0 =	stileid.u32;
	[bflag:$0x2] =	sbarrier.arrive $0xFFFF  }
0x8b: {  	p0 =	sne.s32 s0, $0x0;
	s0 =	rddreg [dreg:$0x2]  }
0x8c: {  	s0 =	sadd.s32 @!p0 $0x100000, s0  }
0x8d: {  	[sflag:s0] =	ssyncadd.tile.s32 @!p0 $0x1;
	_ =	shalt  }
.Lfunc_end2:
_tile_overlayer_lowered:
.L_overlay_start_2:
0x8e: {  	(tag) =	ssettag $0x2  }
0x8f: {  	s0 =	rddreg [dreg:$0x0];
	s2 =	stileid.u32  }
0x90: {  	s1 =	rddreg [dreg:$0x1];
	p0 =	sne.s32 s2, $0x0  }
0x91: {  	s3 =	rddreg [dreg:$0x2];
	[bflag:$0x3] =	sbarrier.arrive $0xFFFF;
	s2 =	simm.s32 @!p0 $0x1C05  }
0x92: {  	[timem:s3], [sflag:s2] =	dma.local @!p0 [hbm:s0], s1  }
0x93: {  	s0 =	simm.s32 @!p0 $0x5  }
0x94: {  	_ =	swait.ge @!p0 [sflag:s0], s1  }
0x95: {  	s1 =	ssub.s32 @!p0 $0x0, s1;
	[sflag:s0] =	ssyncset.done @!p0 $0x0  }
0x96: {  	[sflag:s0] =	ssyncadd.s32 @!p0 s1  }
0x97: {  	[bflag:$0x3] =	sbarrier.arrive $0xFFFF  }
0x98: {  	_ =	shalt  }

</sc_bundles>
